<compile_context>
chip_gen: v7x
topology: tpu7x:2x2x1
jax: 0.10.2.dev20260603
libtpu: 0.0.44.dev20260713+nightly
codegen_flags: <defaults>
</compile_context>

<pallas_src>
import functools

import jax
import jax.numpy as jnp
from jax import lax
from jax.experimental import pallas as pl
from jax.experimental.pallas import tpu as pltpu
from jax.experimental.pallas import tpu_sc as plsc

N = 10000
E = 320000
IN_CH = 128
HID = 128
OUT = 64

NC = 2
NS = 16
TILES = NC * NS
CHUNK = 128
CPT = 80
E_PAD = TILES * CPT * CHUNK
N_PAD = 10240
RPT = N_PAD // NS

BLK = 2000
GRID = N // BLK

_mesh = plsc.VectorSubcoreMesh(
    core_axis_name="c", subcore_axis_name="s", num_cores=NC, num_subcores=NS)



@functools.partial(
    pl.kernel,
    out_type=jax.ShapeDtypeStruct((NC * N_PAD, HID), jnp.float32),
    mesh=_mesh,
    scratch_types=[
        pltpu.VMEM((CPT, CHUNK), jnp.int32),
        pltpu.VMEM((CHUNK, HID), jnp.float32),
        pltpu.VMEM_SHARED((N_PAD, HID), jnp.float32),
    ],
)
def _sc_hist(dst_hbm, out_hbm, dst_v, buf, acc):
    cid = lax.axis_index("c")
    sid = lax.axis_index("s")
    wid = cid * NS + sid
    pltpu.sync_copy(dst_hbm.at[wid], dst_v)

    def zero(i, _):
        for k in range(HID // 16):
            buf[i, pl.ds(k * 16, 16)] = jnp.zeros((16,), jnp.float32)
        return _
    lax.fori_loop(0, CHUNK, zero, None)
    for k in range(RPT // CHUNK):
        pltpu.sync_copy(buf, acc.at[pl.ds(sid * RPT + k * CHUNK, CHUNK)])

    def fill(i, _):
        for k in range(HID // 16):
            buf[i, pl.ds(k * 16, 16)] = jnp.full((16,), 1.0, jnp.float32)
        return _
    lax.fori_loop(0, CHUNK, fill, None)
    plsc.subcore_barrier()

    def body(j, _):
        pltpu.sync_copy(buf, acc.at[dst_v.at[j]], add=True)
        return _
    lax.fori_loop(0, CPT, body, None)
    plsc.subcore_barrier()

    for k in range(RPT // CHUNK):
        r = sid * RPT + k * CHUNK
        pltpu.sync_copy(acc.at[pl.ds(r, CHUNK)],
                        out_hbm.at[pl.ds(cid * N_PAD + r, CHUNK)])


NBUF = 2
HALVES = 2
HC = CPT // HALVES
HGROUPS = HC // NBUF


@functools.partial(
    pl.kernel,
    out_type=jax.ShapeDtypeStruct((NC * N_PAD, HID), jnp.float32),
    mesh=_mesh,
    scratch_types=[
        pltpu.VMEM((HC, CHUNK), jnp.int32),
        pltpu.VMEM((HC, CHUNK), jnp.int32),
        pltpu.VMEM((CHUNK, HID), jnp.float32),
        pltpu.VMEM((CHUNK, HID), jnp.float32),
        pltpu.VMEM_SHARED((N_PAD, HID), jnp.float32),
        pltpu.SemaphoreType.DMA,
        pltpu.SemaphoreType.DMA,
    ],
)
def _sc_scatter(y_hbm, src_hbm, dst_hbm, out_hbm,
                src_v, dst_v, r0, r1, acc, s0, s1):
    bufs = (r0, r1)
    sems = (s0, s1)

    def _issue(j, b):
        pltpu.async_copy(y_hbm.at[src_v.at[j]], bufs[b], sems[b])

    def _wait(j, b):
        pltpu.make_async_copy(y_hbm.at[src_v.at[j]], bufs[b], sems[b]).wait()

    cid = lax.axis_index("c")
    sid = lax.axis_index("s")
    wid = cid * NS + sid

    def zero(i, _):
        for k in range(HID // 16):
            r0[i, pl.ds(k * 16, 16)] = jnp.zeros((16,), jnp.float32)
        return _
    lax.fori_loop(0, CHUNK, zero, None)
    for k in range(RPT // CHUNK):
        pltpu.sync_copy(r0, acc.at[pl.ds(sid * RPT + k * CHUNK, CHUNK)])

    for h in range(HALVES):
        pltpu.sync_copy(src_hbm.at[wid, pl.ds(h * HC, HC)], src_v)
        pltpu.sync_copy(dst_hbm.at[wid, pl.ds(h * HC, HC)], dst_v)
        for b in range(NBUF):
            _issue(b, b)
        if h == 0:
            plsc.subcore_barrier()

        def body(i, _):
            for b in range(NBUF):
                j = i * NBUF + b
                _wait(j, b)
                pltpu.sync_copy(bufs[b], acc.at[dst_v.at[j]], add=True)
                _issue(j + NBUF, b)
            return _
        lax.fori_loop(0, HGROUPS - 1, body, None)

        for b in range(NBUF):
            j = (HGROUPS - 1) * NBUF + b
            _wait(j, b)
            pltpu.sync_copy(bufs[b], acc.at[dst_v.at[j]], add=True)
    plsc.subcore_barrier()

    for k in range(RPT // CHUNK):
        r = sid * RPT + k * CHUNK
        pltpu.sync_copy(acc.at[pl.ds(r, CHUNK)],
                        out_hbm.at[pl.ds(cid * N_PAD + r, CHUNK)])



def _dinv(degs_ref):
    d = degs_ref[...]
    return lax.rsqrt(d[:, 0] + d[:, 1] + 1.0)


def _tc_matmul_scale_kern(x_ref, w_ref, degs_ref, o_ref):
    z = jnp.dot(x_ref[...], w_ref[...], preferred_element_type=jnp.float32)
    o_ref[...] = z * _dinv(degs_ref)[:, None]


def _tc_mid_kern(s_ref, y1_ref, degs_ref, b1_ref, o_ref):
    dinv = _dinv(degs_ref)[:, None]
    agg = dinv * (s_ref[0] + s_ref[1] + y1_ref[...]) + b1_ref[...]
    o_ref[...] = dinv * jnp.maximum(agg, 0.0)


def _tc_out_kern(s_ref, y2_ref, degs_ref, w_ref, b_ref, o_ref):
    dinv = _dinv(degs_ref)[:, None]
    agg = dinv * (s_ref[0] + s_ref[1] + y2_ref[...])
    o_ref[...] = jnp.dot(agg, w_ref[...],
                         preferred_element_type=jnp.float32) + b_ref[...]


def _row_spec(ch):
    return pl.BlockSpec((BLK, ch), lambda i: (i, 0))


_degs_spec = pl.BlockSpec((BLK, NC), lambda i: (i, 0))
_s_spec = pl.BlockSpec((2, BLK, HID), lambda i: (0, i, 0))
_w_spec = pl.BlockSpec((HID, HID), lambda i: (0, 0))
_b_spec = pl.BlockSpec((1, HID), lambda i: (0, 0))


def kernel(x, edge_index, W1, b1, Wmu, bmu, Wlv, blv):
    ei = edge_index.astype(jnp.int32)
    pad = E_PAD - E
    src3 = jnp.concatenate(
        [ei[0], jnp.zeros((pad,), jnp.int32)]).reshape(TILES, CPT, CHUNK)
    dst3 = jnp.concatenate(
        [ei[1], jnp.full((pad,), N, jnp.int32)]).reshape(TILES, CPT, CHUNK)

    degs = _sc_hist(dst3).reshape(NC, N_PAD, HID)[:, :N, 0].T

    y1 = pl.pallas_call(
        _tc_matmul_scale_kern, grid=(GRID,),
        in_specs=[_row_spec(IN_CH), _w_spec, _degs_spec],
        out_specs=_row_spec(HID),
        out_shape=jax.ShapeDtypeStruct((N, HID), jnp.float32),
    )(x, W1, degs)

    s1 = _sc_scatter(y1, src3, dst3).reshape(NC, N_PAD, HID)

    y2 = pl.pallas_call(
        _tc_mid_kern, grid=(GRID,),
        in_specs=[_s_spec, _row_spec(HID), _degs_spec, _b_spec],
        out_specs=_row_spec(HID),
        out_shape=jax.ShapeDtypeStruct((N, HID), jnp.float32),
    )(s1, y1, degs, b1.reshape(1, HID))

    s2 = _sc_scatter(y2, src3, dst3).reshape(NC, N_PAD, HID)

    W = jnp.concatenate([Wmu, Wlv], axis=1)
    b = jnp.concatenate([bmu, blv]).reshape(1, 2 * OUT)
    out = pl.pallas_call(
        _tc_out_kern, grid=(GRID,),
        in_specs=[_s_spec, _row_spec(HID), _degs_spec, _w_spec, _b_spec],
        out_specs=_row_spec(HID),
        out_shape=jax.ShapeDtypeStruct((N, 2 * OUT), jnp.float32),
    )(s2, y2, degs, W, b)

    return out[:, :OUT], out[:, OUT:]

# --- scband reference (transcript-rebuilt; emitter-appended) ---
"""Pipeline reference for scband-variational-gcnencoder-84129819394640 (READ-ONLY COPY).

The authoritative reference and input builder live on the scoring server;
editing this copy changes nothing except your own understanding.
"""

import jax, jax.numpy as jnp
import numpy as np

N_NODES = 10000
N_EDGES = 320000
IN_CH = 128
HID_CH = 128
OUT_CH = 64


def _glorot(key, shape):
    fan_in, fan_out = shape[0], shape[1]
    limit = float(np.sqrt(6.0 / (fan_in + fan_out)))
    return jax.random.uniform(key, shape, dtype=jnp.float32, minval=-limit, maxval=limit)


def setup_inputs(seed: int = 0) -> dict:
    key = jax.random.key(seed)
    ks = jax.random.split(key, 8)
    x = jax.random.normal(ks[0], (N_NODES, IN_CH), dtype=jnp.float32)
    edge_index = jax.random.randint(ks[1], (2, N_EDGES), 0, N_NODES, dtype=jnp.int64)
    W1 = _glorot(ks[2], (IN_CH, HID_CH))
    b1 = jnp.zeros((HID_CH,), dtype=jnp.float32)
    Wmu = _glorot(ks[3], (HID_CH, OUT_CH))
    bmu = jnp.zeros((OUT_CH,), dtype=jnp.float32)
    Wlv = _glorot(ks[4], (HID_CH, OUT_CH))
    blv = jnp.zeros((OUT_CH,), dtype=jnp.float32)
    return {"x": x, "edge_index": edge_index, "W1": W1, "b1": b1, "Wmu": Wmu, "bmu": bmu, "Wlv": Wlv, "blv": blv}


def _gcn_conv(x, src, dst, norm, W, b):
    # PyG GCNConv: h = X W; message = norm * h[src]; scatter-add to dst; + bias
    N = x.shape[0]
    h = x @ W
    msg = h[src] * norm[:, None]
    out = jnp.zeros((N, h.shape[1]), dtype=h.dtype).at[dst].add(msg)
    return out + b


def reference(x, edge_index, W1, b1, Wmu, bmu, Wlv, blv):
    N = x.shape[0]
    src = edge_index[0]
    dst = edge_index[1]
    # add self-loops (GCNConv default add_self_loops=True)
    loop = jnp.arange(N, dtype=src.dtype)
    src = jnp.concatenate([src, loop])
    dst = jnp.concatenate([dst, loop])
    # symmetric normalization D^{-1/2} (A+I) D^{-1/2}; deg computed on dst
    deg = jnp.zeros((N,), dtype=jnp.float32).at[dst].add(1.0)
    dinv = jnp.where(deg > 0, deg ** -0.5, 0.0)
    norm = dinv[src] * dinv[dst]
    h = jax.nn.relu(_gcn_conv(x, src, dst, norm, W1, b1))
    # dropout(p=0.5) is a no-op in eval mode (reference run in eval)
    mu = _gcn_conv(h, src, dst, norm, Wmu, bmu)
    logvar = _gcn_conv(h, src, dst, norm, Wlv, blv)
    return (mu, logvar)

if __name__ == "__main__":
    import jax
    _d = setup_inputs()
    print(jax.jit(kernel)(*tuple(_d.values())))

</pallas_src>

<mosaic_0001>
#map = affine_map<(d0, d1) -> (0, 0, 0)>
#map1 = affine_map<(d0, d1) -> (0, 0)>
module attributes {stable_mosaic.version = 14 : i64} {
  func.func @_sc_hist(%arg0: i32, %arg1: i32, %arg2: memref<32x80x128xi32, #tpu.memory_space<hbm>>, %arg3: memref<20480x128xf32, #tpu.memory_space<hbm>>, %arg4: memref<80x128xi32, #tpu.memory_space<vmem>>, %arg5: memref<128x128xf32, #tpu.memory_space<vmem>>, %arg6: memref<10240x128xf32, #tpu.memory_space<vmem_shared>>) attributes {dimension_semantics = [#tpu.dimension_semantics<core_parallel>, #tpu.dimension_semantics<subcore_parallel>], iteration_bounds = array<i64: 2, 16>, scalar_prefetch = 0 : i64, scratch_operands = 3 : i64, tpu.core_type = #tpu.core_type<sc_vector_subcore>, window_params = [{transform_indices = #map}, {transform_indices = #map1}]} {
    %mul3A = arith.constant 16 : i32
    %mul3A_0 = arith.muli %arg0, %mul3A : i32
    %add3A = arith.addi %mul3A_0, %arg1 : i32
    "tpu.region"() ({
      %run_scoped3A = tpu.sem_alloc : memref<!tpu.dma_semaphore, #tpu.memory_space<semaphore_mem>>
      %dma_start3A = arith.constant 0 : i32
      %dma_start3A_71 = arith.constant 0 : i32
      %dma_start3A_72 = tpu.memref_slice %arg2[%add3A, %dma_start3A, %dma_start3A_71] : memref<32x80x128xi32, #tpu.memory_space<hbm>> -> memref<1x80x128xi32, #tpu.memory_space<hbm>>
      %dma_start3A_73 = tpu.memref_squeeze %dma_start3A_72 : memref<1x80x128xi32, #tpu.memory_space<hbm>> -> memref<80x128xi32, #tpu.memory_space<hbm>>
      %dma_start3A_74 = arith.constant 0 : i32
      %dma_start3A_75 = arith.constant 0 : i32
      %dma_start3A_76 = tpu.memref_slice %arg2[%add3A, %dma_start3A_74, %dma_start3A_75] : memref<32x80x128xi32, #tpu.memory_space<hbm>> -> memref<1x80x128xi32, #tpu.memory_space<hbm>>
      %dma_start3A_77 = tpu.memref_squeeze %dma_start3A_76 : memref<1x80x128xi32, #tpu.memory_space<hbm>> -> memref<80x128xi32, #tpu.memory_space<hbm>>
      tpu.enqueue_dma source(%dma_start3A_77 : memref<80x128xi32, #tpu.memory_space<hbm>>) target(%arg4 : memref<80x128xi32, #tpu.memory_space<vmem>>) target_semaphore(%run_scoped3A : memref<!tpu.dma_semaphore, #tpu.memory_space<semaphore_mem>>)
      %dma_wait3A = arith.constant 0 : i32
      %dma_wait3A_78 = arith.constant 0 : i32
      %dma_wait3A_79 = tpu.memref_slice %arg2[%add3A, %dma_wait3A, %dma_wait3A_78] : memref<32x80x128xi32, #tpu.memory_space<hbm>> -> memref<1x80x128xi32, #tpu.memory_space<hbm>>
      %dma_wait3A_80 = tpu.memref_squeeze %dma_wait3A_79 : memref<1x80x128xi32, #tpu.memory_space<hbm>> -> memref<80x128xi32, #tpu.memory_space<hbm>>
      %dma_wait3A_81 = arith.constant 0 : i32
      %dma_wait3A_82 = arith.constant 0 : i32
      %dma_wait3A_83 = tpu.memref_slice %arg2[%add3A, %dma_wait3A_81, %dma_wait3A_82] : memref<32x80x128xi32, #tpu.memory_space<hbm>> -> memref<1x80x128xi32, #tpu.memory_space<hbm>>
      %dma_wait3A_84 = tpu.memref_squeeze %dma_wait3A_83 : memref<1x80x128xi32, #tpu.memory_space<hbm>> -> memref<80x128xi32, #tpu.memory_space<hbm>>
      tpu.wait_dma2 semaphore(%run_scoped3A : memref<!tpu.dma_semaphore, #tpu.memory_space<semaphore_mem>>) src(%dma_wait3A_84 : memref<80x128xi32, #tpu.memory_space<hbm>>) dst(%arg4 : memref<80x128xi32, #tpu.memory_space<vmem>>)
      tpu.yield
    }) : () -> ()
    %scan3A = arith.constant 0 : i32
    %scan3A_1 = arith.constant 128 : i32
    %scan3A_2 = arith.addi %scan3A, %scan3A_1 : i32
    %scan3A_3 = arith.constant 1 : i32
    scf.for %scan3A_71 = %scan3A to %scan3A_2 step %scan3A_3  : i32 {
      %broadcast_in_dim3A = arith.constant 0.000000e+00 : f32
      %broadcast_in_dim3A_72 = vector.broadcast %broadcast_in_dim3A : f32 to vector<16xf32>
      %swap3A = arith.index_cast %scan3A_71 : i32 to index
      %swap3A_73 = arith.constant 0 : index
      %swap3A_74 = tpu.vector_load %arg5[%swap3A, %swap3A_73] {strides = array<i32>} : memref<128x128xf32, #tpu.memory_space<vmem>>, vector<1x16xf32>,
      %swap3A_75 = vector.shape_cast %swap3A_74 : vector<1x16xf32> to vector<16xf32>
      %swap3A_76 = vector.shape_cast %broadcast_in_dim3A_72 : vector<16xf32> to vector<1x16xf32>
      tpu.vector_store %arg5[%swap3A, %swap3A_73], %swap3A_76 {strides = array<i32>} : memref<128x128xf32, #tpu.memory_space<vmem>>, vector<1x16xf32>,
      %broadcast_in_dim3A_77 = arith.constant 0.000000e+00 : f32
      %broadcast_in_dim3A_78 = vector.broadcast %broadcast_in_dim3A_77 : f32 to vector<16xf32>
      %swap3A_79 = arith.index_cast %scan3A_71 : i32 to index
      %swap3A_80 = arith.constant 16 : index
      %swap3A_81 = tpu.vector_load %arg5[%swap3A_79, %swap3A_80] {strides = array<i32>} : memref<128x128xf32, #tpu.memory_space<vmem>>, vector<1x16xf32>,
      %swap3A_82 = vector.shape_cast %swap3A_81 : vector<1x16xf32> to vector<16xf32>
      %swap3A_83 = vector.shape_cast %broadcast_in_dim3A_78 : vector<16xf32> to vector<1x16xf32>
      tpu.vector_store %arg5[%swap3A_79, %swap3A_80], %swap3A_83 {strides = array<i32>} : memref<128x128xf32, #tpu.memory_space<vmem>>, vector<1x16xf32>,
      %broadcast_in_dim3A_84 = arith.constant 0.000000e+00 : f32
      %broadcast_in_dim3A_85 = vector.broadcast %broadcast_in_dim3A_84 : f32 to vector<16xf32>
      %swap3A_86 = arith.index_cast %scan3A_71 : i32 to index
      %swap3A_87 = arith.constant 32 : index
      %swap3A_88 = tpu.vector_load %arg5[%swap3A_86, %swap3A_87] {strides = array<i32>} : memref<128x128xf32, #tpu.memory_space<vmem>>, vector<1x16xf32>,
      %swap3A_89 = vector.shape_cast %swap3A_88 : vector<1x16xf32> to vector<16xf32>
      %swap3A_90 = vector.shape_cast %broadcast_in_dim3A_85 : vector<16xf32> to vector<1x16xf32>
      tpu.vector_store %arg5[%swap3A_86, %swap3A_87], %swap3A_90 {strides = array<i32>} : memref<128x128xf32, #tpu.memory_space<vmem>>, vector<1x16xf32>,
      %broadcast_in_dim3A_91 = arith.constant 0.000000e+00 : f32
      %broadcast_in_dim3A_92 = vector.broadcast %broadcast_in_dim3A_91 : f32 to vector<16xf32>
      %swap3A_93 = arith.index_cast %scan3A_71 : i32 to index
      %swap3A_94 = arith.constant 48 : index
      %swap3A_95 = tpu.vector_load %arg5[%swap3A_93, %swap3A_94] {strides = array<i32>} : memref<128x128xf32, #tpu.memory_space<vmem>>, vector<1x16xf32>,
      %swap3A_96 = vector.shape_cast %swap3A_95 : vector<1x16xf32> to vector<16xf32>
      %swap3A_97 = vector.shape_cast %broadcast_in_dim3A_92 : vector<16xf32> to vector<1x16xf32>
      tpu.vector_store %arg5[%swap3A_93, %swap3A_94], %swap3A_97 {strides = array<i32>} : memref<128x128xf32, #tpu.memory_space<vmem>>, vector<1x16xf32>,
      %broadcast_in_dim3A_98 = arith.constant 0.000000e+00 : f32
      %broadcast_in_dim3A_99 = vector.broadcast %broadcast_in_dim3A_98 : f32 to vector<16xf32>
      %swap3A_100 = arith.index_cast %scan3A_71 : i32 to index
      %swap3A_101 = arith.constant 64 : index
      %swap3A_102 = tpu.vector_load %arg5[%swap3A_100, %swap3A_101] {strides = array<i32>} : memref<128x128xf32, #tpu.memory_space<vmem>>, vector<1x16xf32>,
      %swap3A_103 = vector.shape_cast %swap3A_102 : vector<1x16xf32> to vector<16xf32>
      %swap3A_104 = vector.shape_cast %broadcast_in_dim3A_99 : vector<16xf32> to vector<1x16xf32>
      tpu.vector_store %arg5[%swap3A_100, %swap3A_101], %swap3A_104 {strides = array<i32>} : memref<128x128xf32, #tpu.memory_space<vmem>>, vector<1x16xf32>,
      %broadcast_in_dim3A_105 = arith.constant 0.000000e+00 : f32
      %broadcast_in_dim3A_106 = vector.broadcast %broadcast_in_dim3A_105 : f32 to vector<16xf32>
      %swap3A_107 = arith.index_cast %scan3A_71 : i32 to index
      %swap3A_108 = arith.constant 80 : index
      %swap3A_109 = tpu.vector_load %arg5[%swap3A_107, %swap3A_108] {strides = array<i32>} : memref<128x128xf32, #tpu.memory_space<vmem>>, vector<1x16xf32>,
      %swap3A_110 = vector.shape_cast %swap3A_109 : vector<1x16xf32> to vector<16xf32>
      %swap3A_111 = vector.shape_cast %broadcast_in_dim3A_106 : vector<16xf32> to vector<1x16xf32>
      tpu.vector_store %arg5[%swap3A_107, %swap3A_108], %swap3A_111 {strides = array<i32>} : memref<128x128xf32, #tpu.memory_space<vmem>>, vector<1x16xf32>,
      %broadcast_in_dim3A_112 = arith.constant 0.000000e+00 : f32
      %broadcast_in_dim3A_113 = vector.broadcast %broadcast_in_dim3A_112 : f32 to vector<16xf32>
      %swap3A_114 = arith.index_cast %scan3A_71 : i32 to index
      %swap3A_115 = arith.constant 96 : index
      %swap3A_116 = tpu.vector_load %arg5[%swap3A_114, %swap3A_115] {strides = array<i32>} : memref<128x128xf32, #tpu.memory_space<vmem>>, vector<1x16xf32>,
      %swap3A_117 = vector.shape_cast %swap3A_116 : vector<1x16xf32> to vector<16xf32>
      %swap3A_118 = vector.shape_cast %broadcast_in_dim3A_113 : vector<16xf32> to vector<1x16xf32>
      tpu.vector_store %arg5[%swap3A_114, %swap3A_115], %swap3A_118 {strides = array<i32>} : memref<128x128xf32, #tpu.memory_space<vmem>>, vector<1x16xf32>,
      %broadcast_in_dim3A_119 = arith.constant 0.000000e+00 : f32
      %broadcast_in_dim3A_120 = vector.broadcast %broadcast_in_dim3A_119 : f32 to vector<16xf32>
      %swap3A_121 = arith.index_cast %scan3A_71 : i32 to index
      %swap3A_122 = arith.constant 112 : index
      %swap3A_123 = tpu.vector_load %arg5[%swap3A_121, %swap3A_122] {strides = array<i32>} : memref<128x128xf32, #tpu.memory_space<vmem>>, vector<1x16xf32>,
      %swap3A_124 = vector.shape_cast %swap3A_123 : vector<1x16xf32> to vector<16xf32>
      %swap3A_125 = vector.shape_cast %broadcast_in_dim3A_120 : vector<16xf32> to vector<1x16xf32>
      tpu.vector_store %arg5[%swap3A_121, %swap3A_122], %swap3A_125 {strides = array<i32>} : memref<128x128xf32, #tpu.memory_space<vmem>>, vector<1x16xf32>,
    }
    %scan3A_4 = arith.constant 128 : i32
    %mul3A_5 = arith.constant 640 : i32
    %mul3A_6 = arith.muli %arg1, %mul3A_5 : i32
    %add3A_7 = arith.constant 0 : i32
    %add3A_8 = arith.addi %mul3A_6, %add3A_7 : i32
    "tpu.region"() ({
      %run_scoped3A = tpu.sem_alloc : memref<!tpu.dma_semaphore, #tpu.memory_space<semaphore_mem>>
      %dma_start3A = arith.constant 0 : i32
      %dma_start3A_71 = tpu.memref_slice %arg6[%add3A_8, %dma_start3A] : memref<10240x128xf32, #tpu.memory_space<vmem_shared>> -> memref<128x128xf32, #tpu.memory_space<vmem_shared>>
      %dma_start3A_72 = arith.constant 0 : i32
      %dma_start3A_73 = tpu.memref_slice %arg6[%add3A_8, %dma_start3A_72] : memref<10240x128xf32, #tpu.memory_space<vmem_shared>> -> memref<128x128xf32, #tpu.memory_space<vmem_shared>>
      tpu.enqueue_dma source(%arg5 : memref<128x128xf32, #tpu.memory_space<vmem>>) target(%dma_start3A_73 : memref<128x128xf32, #tpu.memory_space<vmem_shared>>) target_semaphore(%run_scoped3A : memref<!tpu.dma_semaphore, #tpu.memory_space<semaphore_mem>>)
      %dma_wait3A = arith.constant 0 : i32
      %dma_wait3A_74 = tpu.memref_slice %arg6[%add3A_8, %dma_wait3A] : memref<10240x128xf32, #tpu.memory_space<vmem_shared>> -> memref<128x128xf32, #tpu.memory_space<vmem_shared>>
      %dma_wait3A_75 = arith.constant 0 : i32
      %dma_wait3A_76 = tpu.memref_slice %arg6[%add3A_8, %dma_wait3A_75] : memref<10240x128xf32, #tpu.memory_space<vmem_shared>> -> memref<128x128xf32, #tpu.memory_space<vmem_shared>>
      tpu.wait_dma2 semaphore(%run_scoped3A : memref<!tpu.dma_semaphore, #tpu.memory_space<semaphore_mem>>) src(%arg5 : memref<128x128xf32, #tpu.memory_space<vmem>>) dst(%dma_wait3A_76 : memref<128x128xf32, #tpu.memory_space<vmem_shared>>)
      tpu.yield
    }) : () -> ()
    %mul3A_9 = arith.constant 640 : i32
    %mul3A_10 = arith.muli %arg1, %mul3A_9 : i32
    %add3A_11 = arith.constant 128 : i32
    %add3A_12 = arith.addi %mul3A_10, %add3A_11 : i32
    "tpu.region"() ({
      %run_scoped3A = tpu.sem_alloc : memref<!tpu.dma_semaphore, #tpu.memory_space<semaphore_mem>>
      %dma_start3A = arith.constant 0 : i32
      %dma_start3A_71 = tpu.memref_slice %arg6[%add3A_12, %dma_start3A] : memref<10240x128xf32, #tpu.memory_space<vmem_shared>> -> memref<128x128xf32, #tpu.memory_space<vmem_shared>>
      %dma_start3A_72 = arith.constant 0 : i32
      %dma_start3A_73 = tpu.memref_slice %arg6[%add3A_12, %dma_start3A_72] : memref<10240x128xf32, #tpu.memory_space<vmem_shared>> -> memref<128x128xf32, #tpu.memory_space<vmem_shared>>
      tpu.enqueue_dma source(%arg5 : memref<128x128xf32, #tpu.memory_space<vmem>>) target(%dma_start3A_73 : memref<128x128xf32, #tpu.memory_space<vmem_shared>>) target_semaphore(%run_scoped3A : memref<!tpu.dma_semaphore, #tpu.memory_space<semaphore_mem>>)
      %dma_wait3A = arith.constant 0 : i32
      %dma_wait3A_74 = tpu.memref_slice %arg6[%add3A_12, %dma_wait3A] : memref<10240x128xf32, #tpu.memory_space<vmem_shared>> -> memref<128x128xf32, #tpu.memory_space<vmem_shared>>
      %dma_wait3A_75 = arith.constant 0 : i32
      %dma_wait3A_76 = tpu.memref_slice %arg6[%add3A_12, %dma_wait3A_75] : memref<10240x128xf32, #tpu.memory_space<vmem_shared>> -> memref<128x128xf32, #tpu.memory_space<vmem_shared>>
      tpu.wait_dma2 semaphore(%run_scoped3A : memref<!tpu.dma_semaphore, #tpu.memory_space<semaphore_mem>>) src(%arg5 : memref<128x128xf32, #tpu.memory_space<vmem>>) dst(%dma_wait3A_76 : memref<128x128xf32, #tpu.memory_space<vmem_shared>>)
      tpu.yield
    }) : () -> ()
    %mul3A_13 = arith.constant 640 : i32
    %mul3A_14 = arith.muli %arg1, %mul3A_13 : i32
    %add3A_15 = arith.constant 256 : i32
    %add3A_16 = arith.addi %mul3A_14, %add3A_15 : i32
    "tpu.region"() ({
      %run_scoped3A = tpu.sem_alloc : memref<!tpu.dma_semaphore, #tpu.memory_space<semaphore_mem>>
      %dma_start3A = arith.constant 0 : i32
      %dma_start3A_71 = tpu.memref_slice %arg6[%add3A_16, %dma_start3A] : memref<10240x128xf32, #tpu.memory_space<vmem_shared>> -> memref<128x128xf32, #tpu.memory_space<vmem_shared>>
      %dma_start3A_72 = arith.constant 0 : i32
      %dma_start3A_73 = tpu.memref_slice %arg6[%add3A_16, %dma_start3A_72] : memref<10240x128xf32, #tpu.memory_space<vmem_shared>> -> memref<128x128xf32, #tpu.memory_space<vmem_shared>>
      tpu.enqueue_dma source(%arg5 : memref<128x128xf32, #tpu.memory_space<vmem>>) target(%dma_start3A_73 : memref<128x128xf32, #tpu.memory_space<vmem_shared>>) target_semaphore(%run_scoped3A : memref<!tpu.dma_semaphore, #tpu.memory_space<semaphore_mem>>)
      %dma_wait3A = arith.constant 0 : i32
      %dma_wait3A_74 = tpu.memref_slice %arg6[%add3A_16, %dma_wait3A] : memref<10240x128xf32, #tpu.memory_space<vmem_shared>> -> memref<128x128xf32, #tpu.memory_space<vmem_shared>>
      %dma_wait3A_75 = arith.constant 0 : i32
      %dma_wait3A_76 = tpu.memref_slice %arg6[%add3A_16, %dma_wait3A_75] : memref<10240x128xf32, #tpu.memory_space<vmem_shared>> -> memref<128x128xf32, #tpu.memory_space<vmem_shared>>
      tpu.wait_dma2 semaphore(%run_scoped3A : memref<!tpu.dma_semaphore, #tpu.memory_space<semaphore_mem>>) src(%arg5 : memref<128x128xf32, #tpu.memory_space<vmem>>) dst(%dma_wait3A_76 : memref<128x128xf32, #tpu.memory_space<vmem_shared>>)
      tpu.yield
    }) : () -> ()
    %mul3A_17 = arith.constant 640 : i32
    %mul3A_18 = arith.muli %arg1, %mul3A_17 : i32
    %add3A_19 = arith.constant 384 : i32
    %add3A_20 = arith.addi %mul3A_18, %add3A_19 : i32
    "tpu.region"() ({
      %run_scoped3A = tpu.sem_alloc : memref<!tpu.dma_semaphore, #tpu.memory_space<semaphore_mem>>
      %dma_start3A = arith.constant 0 : i32
      %dma_start3A_71 = tpu.memref_slice %arg6[%add3A_20, %dma_start3A] : memref<10240x128xf32, #tpu.memory_space<vmem_shared>> -> memref<128x128xf32, #tpu.memory_space<vmem_shared>>
      %dma_start3A_72 = arith.constant 0 : i32
      %dma_start3A_73 = tpu.memref_slice %arg6[%add3A_20, %dma_start3A_72] : memref<10240x128xf32, #tpu.memory_space<vmem_shared>> -> memref<128x128xf32, #tpu.memory_space<vmem_shared>>
      tpu.enqueue_dma source(%arg5 : memref<128x128xf32, #tpu.memory_space<vmem>>) target(%dma_start3A_73 : memref<128x128xf32, #tpu.memory_space<vmem_shared>>) target_semaphore(%run_scoped3A : memref<!tpu.dma_semaphore, #tpu.memory_space<semaphore_mem>>)
      %dma_wait3A = arith.constant 0 : i32
      %dma_wait3A_74 = tpu.memref_slice %arg6[%add3A_20, %dma_wait3A] : memref<10240x128xf32, #tpu.memory_space<vmem_shared>> -> memref<128x128xf32, #tpu.memory_space<vmem_shared>>
      %dma_wait3A_75 = arith.constant 0 : i32
      %dma_wait3A_76 = tpu.memref_slice %arg6[%add3A_20, %dma_wait3A_75] : memref<10240x128xf32, #tpu.memory_space<vmem_shared>> -> memref<128x128xf32, #tpu.memory_space<vmem_shared>>
      tpu.wait_dma2 semaphore(%run_scoped3A : memref<!tpu.dma_semaphore, #tpu.memory_space<semaphore_mem>>) src(%arg5 : memref<128x128xf32, #tpu.memory_space<vmem>>) dst(%dma_wait3A_76 : memref<128x128xf32, #tpu.memory_space<vmem_shared>>)
      tpu.yield
    }) : () -> ()
    %mul3A_21 = arith.constant 640 : i32
    %mul3A_22 = arith.muli %arg1, %mul3A_21 : i32
    %add3A_23 = arith.constant 512 : i32
    %add3A_24 = arith.addi %mul3A_22, %add3A_23 : i32
    "tpu.region"() ({
      %run_scoped3A = tpu.sem_alloc : memref<!tpu.dma_semaphore, #tpu.memory_space<semaphore_mem>>
      %dma_start3A = arith.constant 0 : i32
      %dma_start3A_71 = tpu.memref_slice %arg6[%add3A_24, %dma_start3A] : memref<10240x128xf32, #tpu.memory_space<vmem_shared>> -> memref<128x128xf32, #tpu.memory_space<vmem_shared>>
      %dma_start3A_72 = arith.constant 0 : i32
      %dma_start3A_73 = tpu.memref_slice %arg6[%add3A_24, %dma_start3A_72] : memref<10240x128xf32, #tpu.memory_space<vmem_shared>> -> memref<128x128xf32, #tpu.memory_space<vmem_shared>>
      tpu.enqueue_dma source(%arg5 : memref<128x128xf32, #tpu.memory_space<vmem>>) target(%dma_start3A_73 : memref<128x128xf32, #tpu.memory_space<vmem_shared>>) target_semaphore(%run_scoped3A : memref<!tpu.dma_semaphore, #tpu.memory_space<semaphore_mem>>)
      %dma_wait3A = arith.constant 0 : i32
      %dma_wait3A_74 = tpu.memref_slice %arg6[%add3A_24, %dma_wait3A] : memref<10240x128xf32, #tpu.memory_space<vmem_shared>> -> memref<128x128xf32, #tpu.memory_space<vmem_shared>>
      %dma_wait3A_75 = arith.constant 0 : i32
      %dma_wait3A_76 = tpu.memref_slice %arg6[%add3A_24, %dma_wait3A_75] : memref<10240x128xf32, #tpu.memory_space<vmem_shared>> -> memref<128x128xf32, #tpu.memory_space<vmem_shared>>
      tpu.wait_dma2 semaphore(%run_scoped3A : memref<!tpu.dma_semaphore, #tpu.memory_space<semaphore_mem>>) src(%arg5 : memref<128x128xf32, #tpu.memory_space<vmem>>) dst(%dma_wait3A_76 : memref<128x128xf32, #tpu.memory_space<vmem_shared>>)
      tpu.yield
    }) : () -> ()
    %scan3A_25 = arith.constant 0 : i32
    %scan3A_26 = arith.constant 128 : i32
    %scan3A_27 = arith.addi %scan3A_25, %scan3A_26 : i32
    %scan3A_28 = arith.constant 1 : i32
    scf.for %scan3A_71 = %scan3A_25 to %scan3A_27 step %scan3A_28  : i32 {
      %broadcast_in_dim3A = arith.constant 1.000000e+00 : f32
      %broadcast_in_dim3A_72 = vector.broadcast %broadcast_in_dim3A : f32 to vector<16xf32>
      %swap3A = arith.index_cast %scan3A_71 : i32 to index
      %swap3A_73 = arith.constant 0 : index
      %swap3A_74 = tpu.vector_load %arg5[%swap3A, %swap3A_73] {strides = array<i32>} : memref<128x128xf32, #tpu.memory_space<vmem>>, vector<1x16xf32>,
      %swap3A_75 = vector.shape_cast %swap3A_74 : vector<1x16xf32> to vector<16xf32>
      %swap3A_76 = vector.shape_cast %broadcast_in_dim3A_72 : vector<16xf32> to vector<1x16xf32>
      tpu.vector_store %arg5[%swap3A, %swap3A_73], %swap3A_76 {strides = array<i32>} : memref<128x128xf32, #tpu.memory_space<vmem>>, vector<1x16xf32>,
      %broadcast_in_dim3A_77 = arith.constant 1.000000e+00 : f32
      %broadcast_in_dim3A_78 = vector.broadcast %broadcast_in_dim3A_77 : f32 to vector<16xf32>
      %swap3A_79 = arith.index_cast %scan3A_71 : i32 to index
      %swap3A_80 = arith.constant 16 : index
      %swap3A_81 = tpu.vector_load %arg5[%swap3A_79, %swap3A_80] {strides = array<i32>} : memref<128x128xf32, #tpu.memory_space<vmem>>, vector<1x16xf32>,
      %swap3A_82 = vector.shape_cast %swap3A_81 : vector<1x16xf32> to vector<16xf32>
      %swap3A_83 = vector.shape_cast %broadcast_in_dim3A_78 : vector<16xf32> to vector<1x16xf32>
      tpu.vector_store %arg5[%swap3A_79, %swap3A_80], %swap3A_83 {strides = array<i32>} : memref<128x128xf32, #tpu.memory_space<vmem>>, vector<1x16xf32>,
      %broadcast_in_dim3A_84 = arith.constant 1.000000e+00 : f32
      %broadcast_in_dim3A_85 = vector.broadcast %broadcast_in_dim3A_84 : f32 to vector<16xf32>
      %swap3A_86 = arith.index_cast %scan3A_71 : i32 to index
      %swap3A_87 = arith.constant 32 : index
      %swap3A_88 = tpu.vector_load %arg5[%swap3A_86, %swap3A_87] {strides = array<i32>} : memref<128x128xf32, #tpu.memory_space<vmem>>, vector<1x16xf32>,
      %swap3A_89 = vector.shape_cast %swap3A_88 : vector<1x16xf32> to vector<16xf32>
      %swap3A_90 = vector.shape_cast %broadcast_in_dim3A_85 : vector<16xf32> to vector<1x16xf32>
      tpu.vector_store %arg5[%swap3A_86, %swap3A_87], %swap3A_90 {strides = array<i32>} : memref<128x128xf32, #tpu.memory_space<vmem>>, vector<1x16xf32>,
      %broadcast_in_dim3A_91 = arith.constant 1.000000e+00 : f32
      %broadcast_in_dim3A_92 = vector.broadcast %broadcast_in_dim3A_91 : f32 to vector<16xf32>
      %swap3A_93 = arith.index_cast %scan3A_71 : i32 to index
      %swap3A_94 = arith.constant 48 : index
      %swap3A_95 = tpu.vector_load %arg5[%swap3A_93, %swap3A_94] {strides = array<i32>} : memref<128x128xf32, #tpu.memory_space<vmem>>, vector<1x16xf32>,
      %swap3A_96 = vector.shape_cast %swap3A_95 : vector<1x16xf32> to vector<16xf32>
      %swap3A_97 = vector.shape_cast %broadcast_in_dim3A_92 : vector<16xf32> to vector<1x16xf32>
      tpu.vector_store %arg5[%swap3A_93, %swap3A_94], %swap3A_97 {strides = array<i32>} : memref<128x128xf32, #tpu.memory_space<vmem>>, vector<1x16xf32>,
      %broadcast_in_dim3A_98 = arith.constant 1.000000e+00 : f32
      %broadcast_in_dim3A_99 = vector.broadcast %broadcast_in_dim3A_98 : f32 to vector<16xf32>
      %swap3A_100 = arith.index_cast %scan3A_71 : i32 to index
      %swap3A_101 = arith.constant 64 : index
      %swap3A_102 = tpu.vector_load %arg5[%swap3A_100, %swap3A_101] {strides = array<i32>} : memref<128x128xf32, #tpu.memory_space<vmem>>, vector<1x16xf32>,
      %swap3A_103 = vector.shape_cast %swap3A_102 : vector<1x16xf32> to vector<16xf32>
      %swap3A_104 = vector.shape_cast %broadcast_in_dim3A_99 : vector<16xf32> to vector<1x16xf32>
      tpu.vector_store %arg5[%swap3A_100, %swap3A_101], %swap3A_104 {strides = array<i32>} : memref<128x128xf32, #tpu.memory_space<vmem>>, vector<1x16xf32>,
      %broadcast_in_dim3A_105 = arith.constant 1.000000e+00 : f32
      %broadcast_in_dim3A_106 = vector.broadcast %broadcast_in_dim3A_105 : f32 to vector<16xf32>
      %swap3A_107 = arith.index_cast %scan3A_71 : i32 to index
      %swap3A_108 = arith.constant 80 : index
      %swap3A_109 = tpu.vector_load %arg5[%swap3A_107, %swap3A_108] {strides = array<i32>} : memref<128x128xf32, #tpu.memory_space<vmem>>, vector<1x16xf32>,
      %swap3A_110 = vector.shape_cast %swap3A_109 : vector<1x16xf32> to vector<16xf32>
      %swap3A_111 = vector.shape_cast %broadcast_in_dim3A_106 : vector<16xf32> to vector<1x16xf32>
      tpu.vector_store %arg5[%swap3A_107, %swap3A_108], %swap3A_111 {strides = array<i32>} : memref<128x128xf32, #tpu.memory_space<vmem>>, vector<1x16xf32>,
      %broadcast_in_dim3A_112 = arith.constant 1.000000e+00 : f32
      %broadcast_in_dim3A_113 = vector.broadcast %broadcast_in_dim3A_112 : f32 to vector<16xf32>
      %swap3A_114 = arith.index_cast %scan3A_71 : i32 to index
      %swap3A_115 = arith.constant 96 : index
      %swap3A_116 = tpu.vector_load %arg5[%swap3A_114, %swap3A_115] {strides = array<i32>} : memref<128x128xf32, #tpu.memory_space<vmem>>, vector<1x16xf32>,
      %swap3A_117 = vector.shape_cast %swap3A_116 : vector<1x16xf32> to vector<16xf32>
      %swap3A_118 = vector.shape_cast %broadcast_in_dim3A_113 : vector<16xf32> to vector<1x16xf32>
      tpu.vector_store %arg5[%swap3A_114, %swap3A_115], %swap3A_118 {strides = array<i32>} : memref<128x128xf32, #tpu.memory_space<vmem>>, vector<1x16xf32>,
      %broadcast_in_dim3A_119 = arith.constant 1.000000e+00 : f32
      %broadcast_in_dim3A_120 = vector.broadcast %broadcast_in_dim3A_119 : f32 to vector<16xf32>
      %swap3A_121 = arith.index_cast %scan3A_71 : i32 to index
      %swap3A_122 = arith.constant 112 : index
      %swap3A_123 = tpu.vector_load %arg5[%swap3A_121, %swap3A_122] {strides = array<i32>} : memref<128x128xf32, #tpu.memory_space<vmem>>, vector<1x16xf32>,
      %swap3A_124 = vector.shape_cast %swap3A_123 : vector<1x16xf32> to vector<16xf32>
      %swap3A_125 = vector.shape_cast %broadcast_in_dim3A_120 : vector<16xf32> to vector<1x16xf32>
      tpu.vector_store %arg5[%swap3A_121, %swap3A_122], %swap3A_125 {strides = array<i32>} : memref<128x128xf32, #tpu.memory_space<vmem>>, vector<1x16xf32>,
    }
    %scan3A_29 = arith.constant 128 : i32
    %barrier3A = arith.constant 0 : index
    tpu.barrier barrier_id(%barrier3A)
    %scan3A_30 = arith.constant 0 : i32
    %scan3A_31 = arith.constant 80 : i32
    %scan3A_32 = arith.addi %scan3A_30, %scan3A_31 : i32
    %scan3A_33 = arith.constant 1 : i32
    scf.for %scan3A_71 = %scan3A_30 to %scan3A_32 step %scan3A_33  : i32 {
      "tpu.region"() ({
        %run_scoped3A = tpu.sem_alloc : memref<!tpu.dma_semaphore, #tpu.memory_space<semaphore_mem>>
        %dma_start3A = arith.constant 0 : i32
        %dma_start3A_72 = tpu.memref_slice %arg4[%scan3A_71, %dma_start3A] : memref<80x128xi32, #tpu.memory_space<vmem>> -> memref<1x128xi32, #tpu.memory_space<vmem>>
        %dma_start3A_73 = tpu.memref_squeeze %dma_start3A_72 : memref<1x128xi32, #tpu.memory_space<vmem>> -> memref<128xi32, #tpu.memory_space<vmem>>
        %dma_start3A_74 = arith.constant 0 : i32
        %dma_start3A_75 = arith.constant 0 : i32
        %dma_start3A_76 = tpu.memref_slice %arg6[%dma_start3A_74, %dma_start3A_75] : memref<10240x128xf32, #tpu.memory_space<vmem_shared>> -> memref<10240x128xf32, #tpu.memory_space<vmem_shared>>
        tpu.enqueue_indirect_dma source(%arg5 : memref<128x128xf32, #tpu.memory_space<vmem>>) target(%dma_start3A_76 : memref<10240x128xf32, #tpu.memory_space<vmem_shared>>) offsets(%dma_start3A_73 : memref<128xi32, #tpu.memory_space<vmem>>) semaphore(%run_scoped3A : memref<!tpu.dma_semaphore, #tpu.memory_space<semaphore_mem>>) {add = true}
        %dma_wait3A = arith.constant 0 : i32
        %dma_wait3A_77 = tpu.memref_slice %arg4[%scan3A_71, %dma_wait3A] : memref<80x128xi32, #tpu.memory_space<vmem>> -> memref<1x128xi32, #tpu.memory_space<vmem>>
        %dma_wait3A_78 = tpu.memref_squeeze %dma_wait3A_77 : memref<1x128xi32, #tpu.memory_space<vmem>> -> memref<128xi32, #tpu.memory_space<vmem>>
        %dma_wait3A_79 = arith.constant 0 : i32
        %dma_wait3A_80 = arith.constant 0 : i32
        %dma_wait3A_81 = tpu.memref_slice %arg6[%dma_wait3A_79, %dma_wait3A_80] : memref<10240x128xf32, #tpu.memory_space<vmem_shared>> -> memref<10240x128xf32, #tpu.memory_space<vmem_shared>>
        tpu.wait_indirect_dma semaphore(%run_scoped3A : memref<!tpu.dma_semaphore, #tpu.memory_space<semaphore_mem>>) src(%arg5 : memref<128x128xf32, #tpu.memory_space<vmem>>) dst(%dma_wait3A_81 : memref<10240x128xf32, #tpu.memory_space<vmem_shared>>)
        tpu.yield
      }) : () -> ()
    }
    %scan3A_34 = arith.constant 80 : i32
    %barrier3A_35 = arith.constant 0 : index
    tpu.barrier barrier_id(%barrier3A_35)
    %mul3A_36 = arith.constant 640 : i32
    %mul3A_37 = arith.muli %arg1, %mul3A_36 : i32
    %add3A_38 = arith.constant 0 : i32
    %add3A_39 = arith.addi %mul3A_37, %add3A_38 : i32
    %mul3A_40 = arith.constant 10240 : i32
    %mul3A_41 = arith.muli %arg0, %mul3A_40 : i32
    %add3A_42 = arith.addi %mul3A_41, %add3A_39 : i32
    "tpu.region"() ({
      %run_scoped3A = tpu.sem_alloc : memref<!tpu.dma_semaphore, #tpu.memory_space<semaphore_mem>>
      %dma_start3A = arith.constant 0 : i32
      %dma_start3A_71 = tpu.memref_slice %arg3[%add3A_42, %dma_start3A] : memref<20480x128xf32, #tpu.memory_space<hbm>> -> memref<128x128xf32, #tpu.memory_space<hbm>>
      %dma_start3A_72 = arith.constant 0 : i32
      %dma_start3A_73 = tpu.memref_slice %arg6[%add3A_39, %dma_start3A_72] : memref<10240x128xf32, #tpu.memory_space<vmem_shared>> -> memref<128x128xf32, #tpu.memory_space<vmem_shared>>
      tpu.enqueue_dma source(%dma_start3A_73 : memref<128x128xf32, #tpu.memory_space<vmem_shared>>) target(%dma_start3A_71 : memref<128x128xf32, #tpu.memory_space<hbm>>) target_semaphore(%run_scoped3A : memref<!tpu.dma_semaphore, #tpu.memory_space<semaphore_mem>>)
      %dma_wait3A = arith.constant 0 : i32
      %dma_wait3A_74 = tpu.memref_slice %arg3[%add3A_42, %dma_wait3A] : memref<20480x128xf32, #tpu.memory_space<hbm>> -> memref<128x128xf32, #tpu.memory_space<hbm>>
      %dma_wait3A_75 = arith.constant 0 : i32
      %dma_wait3A_76 = tpu.memref_slice %arg6[%add3A_39, %dma_wait3A_75] : memref<10240x128xf32, #tpu.memory_space<vmem_shared>> -> memref<128x128xf32, #tpu.memory_space<vmem_shared>>
      tpu.wait_dma2 semaphore(%run_scoped3A : memref<!tpu.dma_semaphore, #tpu.memory_space<semaphore_mem>>) src(%dma_wait3A_76 : memref<128x128xf32, #tpu.memory_space<vmem_shared>>) dst(%dma_wait3A_74 : memref<128x128xf32, #tpu.memory_space<hbm>>)
      tpu.yield
    }) : () -> ()
    %mul3A_43 = arith.constant 640 : i32
    %mul3A_44 = arith.muli %arg1, %mul3A_43 : i32
    %add3A_45 = arith.constant 128 : i32
    %add3A_46 = arith.addi %mul3A_44, %add3A_45 : i32
    %mul3A_47 = arith.constant 10240 : i32
    %mul3A_48 = arith.muli %arg0, %mul3A_47 : i32
    %add3A_49 = arith.addi %mul3A_48, %add3A_46 : i32
    "tpu.region"() ({
      %run_scoped3A = tpu.sem_alloc : memref<!tpu.dma_semaphore, #tpu.memory_space<semaphore_mem>>
      %dma_start3A = arith.constant 0 : i32
      %dma_start3A_71 = tpu.memref_slice %arg3[%add3A_49, %dma_start3A] : memref<20480x128xf32, #tpu.memory_space<hbm>> -> memref<128x128xf32, #tpu.memory_space<hbm>>
      %dma_start3A_72 = arith.constant 0 : i32
      %dma_start3A_73 = tpu.memref_slice %arg6[%add3A_46, %dma_start3A_72] : memref<10240x128xf32, #tpu.memory_space<vmem_shared>> -> memref<128x128xf32, #tpu.memory_space<vmem_shared>>
      tpu.enqueue_dma source(%dma_start3A_73 : memref<128x128xf32, #tpu.memory_space<vmem_shared>>) target(%dma_start3A_71 : memref<128x128xf32, #tpu.memory_space<hbm>>) target_semaphore(%run_scoped3A : memref<!tpu.dma_semaphore, #tpu.memory_space<semaphore_mem>>)
      %dma_wait3A = arith.constant 0 : i32
      %dma_wait3A_74 = tpu.memref_slice %arg3[%add3A_49, %dma_wait3A] : memref<20480x128xf32, #tpu.memory_space<hbm>> -> memref<128x128xf32, #tpu.memory_space<hbm>>
      %dma_wait3A_75 = arith.constant 0 : i32
      %dma_wait3A_76 = tpu.memref_slice %arg6[%add3A_46, %dma_wait3A_75] : memref<10240x128xf32, #tpu.memory_space<vmem_shared>> -> memref<128x128xf32, #tpu.memory_space<vmem_shared>>
      tpu.wait_dma2 semaphore(%run_scoped3A : memref<!tpu.dma_semaphore, #tpu.memory_space<semaphore_mem>>) src(%dma_wait3A_76 : memref<128x128xf32, #tpu.memory_space<vmem_shared>>) dst(%dma_wait3A_74 : memref<128x128xf32, #tpu.memory_space<hbm>>)
      tpu.yield
    }) : () -> ()
    %mul3A_50 = arith.constant 640 : i32
    %mul3A_51 = arith.muli %arg1, %mul3A_50 : i32
    %add3A_52 = arith.constant 256 : i32
    %add3A_53 = arith.addi %mul3A_51, %add3A_52 : i32
    %mul3A_54 = arith.constant 10240 : i32
    %mul3A_55 = arith.muli %arg0, %mul3A_54 : i32
    %add3A_56 = arith.addi %mul3A_55, %add3A_53 : i32
    "tpu.region"() ({
      %run_scoped3A = tpu.sem_alloc : memref<!tpu.dma_semaphore, #tpu.memory_space<semaphore_mem>>
      %dma_start3A = arith.constant 0 : i32
      %dma_start3A_71 = tpu.memref_slice %arg3[%add3A_56, %dma_start3A] : memref<20480x128xf32, #tpu.memory_space<hbm>> -> memref<128x128xf32, #tpu.memory_space<hbm>>
      %dma_start3A_72 = arith.constant 0 : i32
      %dma_start3A_73 = tpu.memref_slice %arg6[%add3A_53, %dma_start3A_72] : memref<10240x128xf32, #tpu.memory_space<vmem_shared>> -> memref<128x128xf32, #tpu.memory_space<vmem_shared>>
      tpu.enqueue_dma source(%dma_start3A_73 : memref<128x128xf32, #tpu.memory_space<vmem_shared>>) target(%dma_start3A_71 : memref<128x128xf32, #tpu.memory_space<hbm>>) target_semaphore(%run_scoped3A : memref<!tpu.dma_semaphore, #tpu.memory_space<semaphore_mem>>)
      %dma_wait3A = arith.constant 0 : i32
      %dma_wait3A_74 = tpu.memref_slice %arg3[%add3A_56, %dma_wait3A] : memref<20480x128xf32, #tpu.memory_space<hbm>> -> memref<128x128xf32, #tpu.memory_space<hbm>>
      %dma_wait3A_75 = arith.constant 0 : i32
      %dma_wait3A_76 = tpu.memref_slice %arg6[%add3A_53, %dma_wait3A_75] : memref<10240x128xf32, #tpu.memory_space<vmem_shared>> -> memref<128x128xf32, #tpu.memory_space<vmem_shared>>
      tpu.wait_dma2 semaphore(%run_scoped3A : memref<!tpu.dma_semaphore, #tpu.memory_space<semaphore_mem>>) src(%dma_wait3A_76 : memref<128x128xf32, #tpu.memory_space<vmem_shared>>) dst(%dma_wait3A_74 : memref<128x128xf32, #tpu.memory_space<hbm>>)
      tpu.yield
    }) : () -> ()
    %mul3A_57 = arith.constant 640 : i32
    %mul3A_58 = arith.muli %arg1, %mul3A_57 : i32
    %add3A_59 = arith.constant 384 : i32
    %add3A_60 = arith.addi %mul3A_58, %add3A_59 : i32
    %mul3A_61 = arith.constant 10240 : i32
    %mul3A_62 = arith.muli %arg0, %mul3A_61 : i32
    %add3A_63 = arith.addi %mul3A_62, %add3A_60 : i32
    "tpu.region"() ({
      %run_scoped3A = tpu.sem_alloc : memref<!tpu.dma_semaphore, #tpu.memory_space<semaphore_mem>>
      %dma_start3A = arith.constant 0 : i32
      %dma_start3A_71 = tpu.memref_slice %arg3[%add3A_63, %dma_start3A] : memref<20480x128xf32, #tpu.memory_space<hbm>> -> memref<128x128xf32, #tpu.memory_space<hbm>>
      %dma_start3A_72 = arith.constant 0 : i32
      %dma_start3A_73 = tpu.memref_slice %arg6[%add3A_60, %dma_start3A_72] : memref<10240x128xf32, #tpu.memory_space<vmem_shared>> -> memref<128x128xf32, #tpu.memory_space<vmem_shared>>
      tpu.enqueue_dma source(%dma_start3A_73 : memref<128x128xf32, #tpu.memory_space<vmem_shared>>) target(%dma_start3A_71 : memref<128x128xf32, #tpu.memory_space<hbm>>) target_semaphore(%run_scoped3A : memref<!tpu.dma_semaphore, #tpu.memory_space<semaphore_mem>>)
      %dma_wait3A = arith.constant 0 : i32
      %dma_wait3A_74 = tpu.memref_slice %arg3[%add3A_63, %dma_wait3A] : memref<20480x128xf32, #tpu.memory_space<hbm>> -> memref<128x128xf32, #tpu.memory_space<hbm>>
      %dma_wait3A_75 = arith.constant 0 : i32
      %dma_wait3A_76 = tpu.memref_slice %arg6[%add3A_60, %dma_wait3A_75] : memref<10240x128xf32, #tpu.memory_space<vmem_shared>> -> memref<128x128xf32, #tpu.memory_space<vmem_shared>>
      tpu.wait_dma2 semaphore(%run_scoped3A : memref<!tpu.dma_semaphore, #tpu.memory_space<semaphore_mem>>) src(%dma_wait3A_76 : memref<128x128xf32, #tpu.memory_space<vmem_shared>>) dst(%dma_wait3A_74 : memref<128x128xf32, #tpu.memory_space<hbm>>)
      tpu.yield
    }) : () -> ()
    %mul3A_64 = arith.constant 640 : i32
    %mul3A_65 = arith.muli %arg1, %mul3A_64 : i32
    %add3A_66 = arith.constant 512 : i32
    %add3A_67 = arith.addi %mul3A_65, %add3A_66 : i32
    %mul3A_68 = arith.constant 10240 : i32
    %mul3A_69 = arith.muli %arg0, %mul3A_68 : i32
    %add3A_70 = arith.addi %mul3A_69, %add3A_67 : i32
    "tpu.region"() ({
      %run_scoped3A = tpu.sem_alloc : memref<!tpu.dma_semaphore, #tpu.memory_space<semaphore_mem>>
      %dma_start3A = arith.constant 0 : i32
      %dma_start3A_71 = tpu.memref_slice %arg3[%add3A_70, %dma_start3A] : memref<20480x128xf32, #tpu.memory_space<hbm>> -> memref<128x128xf32, #tpu.memory_space<hbm>>
      %dma_start3A_72 = arith.constant 0 : i32
      %dma_start3A_73 = tpu.memref_slice %arg6[%add3A_67, %dma_start3A_72] : memref<10240x128xf32, #tpu.memory_space<vmem_shared>> -> memref<128x128xf32, #tpu.memory_space<vmem_shared>>
      tpu.enqueue_dma source(%dma_start3A_73 : memref<128x128xf32, #tpu.memory_space<vmem_shared>>) target(%dma_start3A_71 : memref<128x128xf32, #tpu.memory_space<hbm>>) target_semaphore(%run_scoped3A : memref<!tpu.dma_semaphore, #tpu.memory_space<semaphore_mem>>)
      %dma_wait3A = arith.constant 0 : i32
      %dma_wait3A_74 = tpu.memref_slice %arg3[%add3A_70, %dma_wait3A] : memref<20480x128xf32, #tpu.memory_space<hbm>> -> memref<128x128xf32, #tpu.memory_space<hbm>>
      %dma_wait3A_75 = arith.constant 0 : i32
      %dma_wait3A_76 = tpu.memref_slice %arg6[%add3A_67, %dma_wait3A_75] : memref<10240x128xf32, #tpu.memory_space<vmem_shared>> -> memref<128x128xf32, #tpu.memory_space<vmem_shared>>
      tpu.wait_dma2 semaphore(%run_scoped3A : memref<!tpu.dma_semaphore, #tpu.memory_space<semaphore_mem>>) src(%dma_wait3A_76 : memref<128x128xf32, #tpu.memory_space<vmem_shared>>) dst(%dma_wait3A_74 : memref<128x128xf32, #tpu.memory_space<hbm>>)
      tpu.yield
    }) : () -> ()
    return
  }
}

#map = affine_map<(d0, d1) -> (0, 0)>
#map1 = affine_map<(d0, d1) -> (0, 0, 0)>
module attributes {stable_mosaic.version = 14 : i64} {
  func.func @_sc_scatter(%arg0: i32, %arg1: i32, %arg2: memref<10000x128xf32, #tpu.memory_space<hbm>>, %arg3: memref<32x80x128xi32, #tpu.memory_space<hbm>>, %arg4: memref<32x80x128xi32, #tpu.memory_space<hbm>>, %arg5: memref<20480x128xf32, #tpu.memory_space<hbm>>, %arg6: memref<40x128xi32, #tpu.memory_space<vmem>>, %arg7: memref<40x128xi32, #tpu.memory_space<vmem>>, %arg8: memref<128x128xf32, #tpu.memory_space<vmem>>, %arg9: memref<128x128xf32, #tpu.memory_space<vmem>>, %arg10: memref<10240x128xf32, #tpu.memory_space<vmem_shared>>, %arg11: memref<!tpu.dma_semaphore, #tpu.memory_space<semaphore_mem>>, %arg12: memref<!tpu.dma_semaphore, #tpu.memory_space<semaphore_mem>>) attributes {dimension_semantics = [#tpu.dimension_semantics<core_parallel>, #tpu.dimension_semantics<subcore_parallel>], iteration_bounds = array<i64: 2, 16>, scalar_prefetch = 0 : i64, scratch_operands = 7 : i64, tpu.core_type = #tpu.core_type<sc_vector_subcore>, window_params = [{transform_indices = #map}, {transform_indices = #map1}, {transform_indices = #map1}, {transform_indices = #map}]} {
    %mul3A = arith.constant 16 : i32
    %mul3A_0 = arith.muli %arg0, %mul3A : i32
    %add3A = arith.addi %mul3A_0, %arg1 : i32
    %scan3A = arith.constant 0 : i32
    %scan3A_1 = arith.constant 128 : i32
    %scan3A_2 = arith.addi %scan3A, %scan3A_1 : i32
    %scan3A_3 = arith.constant 1 : i32
    scf.for %scan3A_128 = %scan3A to %scan3A_2 step %scan3A_3  : i32 {
      %broadcast_in_dim3A = arith.constant 0.000000e+00 : f32
      %broadcast_in_dim3A_129 = vector.broadcast %broadcast_in_dim3A : f32 to vector<16xf32>
      %swap3A = arith.index_cast %scan3A_128 : i32 to index
      %swap3A_130 = arith.constant 0 : index
      %swap3A_131 = tpu.vector_load %arg8[%swap3A, %swap3A_130] {strides = array<i32>} : memref<128x128xf32, #tpu.memory_space<vmem>>, vector<1x16xf32>,
      %swap3A_132 = vector.shape_cast %swap3A_131 : vector<1x16xf32> to vector<16xf32>
      %swap3A_133 = vector.shape_cast %broadcast_in_dim3A_129 : vector<16xf32> to vector<1x16xf32>
      tpu.vector_store %arg8[%swap3A, %swap3A_130], %swap3A_133 {strides = array<i32>} : memref<128x128xf32, #tpu.memory_space<vmem>>, vector<1x16xf32>,
      %broadcast_in_dim3A_134 = arith.constant 0.000000e+00 : f32
      %broadcast_in_dim3A_135 = vector.broadcast %broadcast_in_dim3A_134 : f32 to vector<16xf32>
      %swap3A_136 = arith.index_cast %scan3A_128 : i32 to index
      %swap3A_137 = arith.constant 16 : index
      %swap3A_138 = tpu.vector_load %arg8[%swap3A_136, %swap3A_137] {strides = array<i32>} : memref<128x128xf32, #tpu.memory_space<vmem>>, vector<1x16xf32>,
      %swap3A_139 = vector.shape_cast %swap3A_138 : vector<1x16xf32> to vector<16xf32>
      %swap3A_140 = vector.shape_cast %broadcast_in_dim3A_135 : vector<16xf32> to vector<1x16xf32>
      tpu.vector_store %arg8[%swap3A_136, %swap3A_137], %swap3A_140 {strides = array<i32>} : memref<128x128xf32, #tpu.memory_space<vmem>>, vector<1x16xf32>,
      %broadcast_in_dim3A_141 = arith.constant 0.000000e+00 : f32
      %broadcast_in_dim3A_142 = vector.broadcast %broadcast_in_dim3A_141 : f32 to vector<16xf32>
      %swap3A_143 = arith.index_cast %scan3A_128 : i32 to index
      %swap3A_144 = arith.constant 32 : index
      %swap3A_145 = tpu.vector_load %arg8[%swap3A_143, %swap3A_144] {strides = array<i32>} : memref<128x128xf32, #tpu.memory_space<vmem>>, vector<1x16xf32>,
      %swap3A_146 = vector.shape_cast %swap3A_145 : vector<1x16xf32> to vector<16xf32>
      %swap3A_147 = vector.shape_cast %broadcast_in_dim3A_142 : vector<16xf32> to vector<1x16xf32>
      tpu.vector_store %arg8[%swap3A_143, %swap3A_144], %swap3A_147 {strides = array<i32>} : memref<128x128xf32, #tpu.memory_space<vmem>>, vector<1x16xf32>,
      %broadcast_in_dim3A_148 = arith.constant 0.000000e+00 : f32
      %broadcast_in_dim3A_149 = vector.broadcast %broadcast_in_dim3A_148 : f32 to vector<16xf32>
      %swap3A_150 = arith.index_cast %scan3A_128 : i32 to index
      %swap3A_151 = arith.constant 48 : index
      %swap3A_152 = tpu.vector_load %arg8[%swap3A_150, %swap3A_151] {strides = array<i32>} : memref<128x128xf32, #tpu.memory_space<vmem>>, vector<1x16xf32>,
      %swap3A_153 = vector.shape_cast %swap3A_152 : vector<1x16xf32> to vector<16xf32>
      %swap3A_154 = vector.shape_cast %broadcast_in_dim3A_149 : vector<16xf32> to vector<1x16xf32>
      tpu.vector_store %arg8[%swap3A_150, %swap3A_151], %swap3A_154 {strides = array<i32>} : memref<128x128xf32, #tpu.memory_space<vmem>>, vector<1x16xf32>,
      %broadcast_in_dim3A_155 = arith.constant 0.000000e+00 : f32
      %broadcast_in_dim3A_156 = vector.broadcast %broadcast_in_dim3A_155 : f32 to vector<16xf32>
      %swap3A_157 = arith.index_cast %scan3A_128 : i32 to index
      %swap3A_158 = arith.constant 64 : index
      %swap3A_159 = tpu.vector_load %arg8[%swap3A_157, %swap3A_158] {strides = array<i32>} : memref<128x128xf32, #tpu.memory_space<vmem>>, vector<1x16xf32>,
      %swap3A_160 = vector.shape_cast %swap3A_159 : vector<1x16xf32> to vector<16xf32>
      %swap3A_161 = vector.shape_cast %broadcast_in_dim3A_156 : vector<16xf32> to vector<1x16xf32>
      tpu.vector_store %arg8[%swap3A_157, %swap3A_158], %swap3A_161 {strides = array<i32>} : memref<128x128xf32, #tpu.memory_space<vmem>>, vector<1x16xf32>,
      %broadcast_in_dim3A_162 = arith.constant 0.000000e+00 : f32
      %broadcast_in_dim3A_163 = vector.broadcast %broadcast_in_dim3A_162 : f32 to vector<16xf32>
      %swap3A_164 = arith.index_cast %scan3A_128 : i32 to index
      %swap3A_165 = arith.constant 80 : index
      %swap3A_166 = tpu.vector_load %arg8[%swap3A_164, %swap3A_165] {strides = array<i32>} : memref<128x128xf32, #tpu.memory_space<vmem>>, vector<1x16xf32>,
      %swap3A_167 = vector.shape_cast %swap3A_166 : vector<1x16xf32> to vector<16xf32>
      %swap3A_168 = vector.shape_cast %broadcast_in_dim3A_163 : vector<16xf32> to vector<1x16xf32>
      tpu.vector_store %arg8[%swap3A_164, %swap3A_165], %swap3A_168 {strides = array<i32>} : memref<128x128xf32, #tpu.memory_space<vmem>>, vector<1x16xf32>,
      %broadcast_in_dim3A_169 = arith.constant 0.000000e+00 : f32
      %broadcast_in_dim3A_170 = vector.broadcast %broadcast_in_dim3A_169 : f32 to vector<16xf32>
      %swap3A_171 = arith.index_cast %scan3A_128 : i32 to index
      %swap3A_172 = arith.constant 96 : index
      %swap3A_173 = tpu.vector_load %arg8[%swap3A_171, %swap3A_172] {strides = array<i32>} : memref<128x128xf32, #tpu.memory_space<vmem>>, vector<1x16xf32>,
      %swap3A_174 = vector.shape_cast %swap3A_173 : vector<1x16xf32> to vector<16xf32>
      %swap3A_175 = vector.shape_cast %broadcast_in_dim3A_170 : vector<16xf32> to vector<1x16xf32>
      tpu.vector_store %arg8[%swap3A_171, %swap3A_172], %swap3A_175 {strides = array<i32>} : memref<128x128xf32, #tpu.memory_space<vmem>>, vector<1x16xf32>,
      %broadcast_in_dim3A_176 = arith.constant 0.000000e+00 : f32
      %broadcast_in_dim3A_177 = vector.broadcast %broadcast_in_dim3A_176 : f32 to vector<16xf32>
      %swap3A_178 = arith.index_cast %scan3A_128 : i32 to index
      %swap3A_179 = arith.constant 112 : index
      %swap3A_180 = tpu.vector_load %arg8[%swap3A_178, %swap3A_179] {strides = array<i32>} : memref<128x128xf32, #tpu.memory_space<vmem>>, vector<1x16xf32>,
      %swap3A_181 = vector.shape_cast %swap3A_180 : vector<1x16xf32> to vector<16xf32>
      %swap3A_182 = vector.shape_cast %broadcast_in_dim3A_177 : vector<16xf32> to vector<1x16xf32>
      tpu.vector_store %arg8[%swap3A_178, %swap3A_179], %swap3A_182 {strides = array<i32>} : memref<128x128xf32, #tpu.memory_space<vmem>>, vector<1x16xf32>,
    }
    %scan3A_4 = arith.constant 128 : i32
    %mul3A_5 = arith.constant 640 : i32
    %mul3A_6 = arith.muli %arg1, %mul3A_5 : i32
    %add3A_7 = arith.constant 0 : i32
    %add3A_8 = arith.addi %mul3A_6, %add3A_7 : i32
    "tpu.region"() ({
      %run_scoped3A_128 = tpu.sem_alloc : memref<!tpu.dma_semaphore, #tpu.memory_space<semaphore_mem>>
      %dma_start3A_129 = arith.constant 0 : i32
      %dma_start3A_130 = tpu.memref_slice %arg10[%add3A_8, %dma_start3A_129] : memref<10240x128xf32, #tpu.memory_space<vmem_shared>> -> memref<128x128xf32, #tpu.memory_space<vmem_shared>>
      %dma_start3A_131 = arith.constant 0 : i32
      %dma_start3A_132 = tpu.memref_slice %arg10[%add3A_8, %dma_start3A_131] : memref<10240x128xf32, #tpu.memory_space<vmem_shared>> -> memref<128x128xf32, #tpu.memory_space<vmem_shared>>
      tpu.enqueue_dma source(%arg8 : memref<128x128xf32, #tpu.memory_space<vmem>>) target(%dma_start3A_132 : memref<128x128xf32, #tpu.memory_space<vmem_shared>>) target_semaphore(%run_scoped3A_128 : memref<!tpu.dma_semaphore, #tpu.memory_space<semaphore_mem>>)
      %dma_wait3A_133 = arith.constant 0 : i32
      %dma_wait3A_134 = tpu.memref_slice %arg10[%add3A_8, %dma_wait3A_133] : memref<10240x128xf32, #tpu.memory_space<vmem_shared>> -> memref<128x128xf32, #tpu.memory_space<vmem_shared>>
      %dma_wait3A_135 = arith.constant 0 : i32
      %dma_wait3A_136 = tpu.memref_slice %arg10[%add3A_8, %dma_wait3A_135] : memref<10240x128xf32, #tpu.memory_space<vmem_shared>> -> memref<128x128xf32, #tpu.memory_space<vmem_shared>>
      tpu.wait_dma2 semaphore(%run_scoped3A_128 : memref<!tpu.dma_semaphore, #tpu.memory_space<semaphore_mem>>) src(%arg8 : memref<128x128xf32, #tpu.memory_space<vmem>>) dst(%dma_wait3A_136 : memref<128x128xf32, #tpu.memory_space<vmem_shared>>)
      tpu.yield
    }) : () -> ()
    %mul3A_9 = arith.constant 640 : i32
    %mul3A_10 = arith.muli %arg1, %mul3A_9 : i32
    %add3A_11 = arith.constant 128 : i32
    %add3A_12 = arith.addi %mul3A_10, %add3A_11 : i32
    "tpu.region"() ({
      %run_scoped3A_128 = tpu.sem_alloc : memref<!tpu.dma_semaphore, #tpu.memory_space<semaphore_mem>>
      %dma_start3A_129 = arith.constant 0 : i32
      %dma_start3A_130 = tpu.memref_slice %arg10[%add3A_12, %dma_start3A_129] : memref<10240x128xf32, #tpu.memory_space<vmem_shared>> -> memref<128x128xf32, #tpu.memory_space<vmem_shared>>
      %dma_start3A_131 = arith.constant 0 : i32
      %dma_start3A_132 = tpu.memref_slice %arg10[%add3A_12, %dma_start3A_131] : memref<10240x128xf32, #tpu.memory_space<vmem_shared>> -> memref<128x128xf32, #tpu.memory_space<vmem_shared>>
      tpu.enqueue_dma source(%arg8 : memref<128x128xf32, #tpu.memory_space<vmem>>) target(%dma_start3A_132 : memref<128x128xf32, #tpu.memory_space<vmem_shared>>) target_semaphore(%run_scoped3A_128 : memref<!tpu.dma_semaphore, #tpu.memory_space<semaphore_mem>>)
      %dma_wait3A_133 = arith.constant 0 : i32
      %dma_wait3A_134 = tpu.memref_slice %arg10[%add3A_12, %dma_wait3A_133] : memref<10240x128xf32, #tpu.memory_space<vmem_shared>> -> memref<128x128xf32, #tpu.memory_space<vmem_shared>>
      %dma_wait3A_135 = arith.constant 0 : i32
      %dma_wait3A_136 = tpu.memref_slice %arg10[%add3A_12, %dma_wait3A_135] : memref<10240x128xf32, #tpu.memory_space<vmem_shared>> -> memref<128x128xf32, #tpu.memory_space<vmem_shared>>
      tpu.wait_dma2 semaphore(%run_scoped3A_128 : memref<!tpu.dma_semaphore, #tpu.memory_space<semaphore_mem>>) src(%arg8 : memref<128x128xf32, #tpu.memory_space<vmem>>) dst(%dma_wait3A_136 : memref<128x128xf32, #tpu.memory_space<vmem_shared>>)
      tpu.yield
    }) : () -> ()
    %mul3A_13 = arith.constant 640 : i32
    %mul3A_14 = arith.muli %arg1, %mul3A_13 : i32
    %add3A_15 = arith.constant 256 : i32
    %add3A_16 = arith.addi %mul3A_14, %add3A_15 : i32
    "tpu.region"() ({
      %run_scoped3A_128 = tpu.sem_alloc : memref<!tpu.dma_semaphore, #tpu.memory_space<semaphore_mem>>
      %dma_start3A_129 = arith.constant 0 : i32
      %dma_start3A_130 = tpu.memref_slice %arg10[%add3A_16, %dma_start3A_129] : memref<10240x128xf32, #tpu.memory_space<vmem_shared>> -> memref<128x128xf32, #tpu.memory_space<vmem_shared>>
      %dma_start3A_131 = arith.constant 0 : i32
      %dma_start3A_132 = tpu.memref_slice %arg10[%add3A_16, %dma_start3A_131] : memref<10240x128xf32, #tpu.memory_space<vmem_shared>> -> memref<128x128xf32, #tpu.memory_space<vmem_shared>>
      tpu.enqueue_dma source(%arg8 : memref<128x128xf32, #tpu.memory_space<vmem>>) target(%dma_start3A_132 : memref<128x128xf32, #tpu.memory_space<vmem_shared>>) target_semaphore(%run_scoped3A_128 : memref<!tpu.dma_semaphore, #tpu.memory_space<semaphore_mem>>)
      %dma_wait3A_133 = arith.constant 0 : i32
      %dma_wait3A_134 = tpu.memref_slice %arg10[%add3A_16, %dma_wait3A_133] : memref<10240x128xf32, #tpu.memory_space<vmem_shared>> -> memref<128x128xf32, #tpu.memory_space<vmem_shared>>
      %dma_wait3A_135 = arith.constant 0 : i32
      %dma_wait3A_136 = tpu.memref_slice %arg10[%add3A_16, %dma_wait3A_135] : memref<10240x128xf32, #tpu.memory_space<vmem_shared>> -> memref<128x128xf32, #tpu.memory_space<vmem_shared>>
      tpu.wait_dma2 semaphore(%run_scoped3A_128 : memref<!tpu.dma_semaphore, #tpu.memory_space<semaphore_mem>>) src(%arg8 : memref<128x128xf32, #tpu.memory_space<vmem>>) dst(%dma_wait3A_136 : memref<128x128xf32, #tpu.memory_space<vmem_shared>>)
      tpu.yield
    }) : () -> ()
    %mul3A_17 = arith.constant 640 : i32
    %mul3A_18 = arith.muli %arg1, %mul3A_17 : i32
    %add3A_19 = arith.constant 384 : i32
    %add3A_20 = arith.addi %mul3A_18, %add3A_19 : i32
    "tpu.region"() ({
      %run_scoped3A_128 = tpu.sem_alloc : memref<!tpu.dma_semaphore, #tpu.memory_space<semaphore_mem>>
      %dma_start3A_129 = arith.constant 0 : i32
      %dma_start3A_130 = tpu.memref_slice %arg10[%add3A_20, %dma_start3A_129] : memref<10240x128xf32, #tpu.memory_space<vmem_shared>> -> memref<128x128xf32, #tpu.memory_space<vmem_shared>>
      %dma_start3A_131 = arith.constant 0 : i32
      %dma_start3A_132 = tpu.memref_slice %arg10[%add3A_20, %dma_start3A_131] : memref<10240x128xf32, #tpu.memory_space<vmem_shared>> -> memref<128x128xf32, #tpu.memory_space<vmem_shared>>
      tpu.enqueue_dma source(%arg8 : memref<128x128xf32, #tpu.memory_space<vmem>>) target(%dma_start3A_132 : memref<128x128xf32, #tpu.memory_space<vmem_shared>>) target_semaphore(%run_scoped3A_128 : memref<!tpu.dma_semaphore, #tpu.memory_space<semaphore_mem>>)
      %dma_wait3A_133 = arith.constant 0 : i32
      %dma_wait3A_134 = tpu.memref_slice %arg10[%add3A_20, %dma_wait3A_133] : memref<10240x128xf32, #tpu.memory_space<vmem_shared>> -> memref<128x128xf32, #tpu.memory_space<vmem_shared>>
      %dma_wait3A_135 = arith.constant 0 : i32
      %dma_wait3A_136 = tpu.memref_slice %arg10[%add3A_20, %dma_wait3A_135] : memref<10240x128xf32, #tpu.memory_space<vmem_shared>> -> memref<128x128xf32, #tpu.memory_space<vmem_shared>>
      tpu.wait_dma2 semaphore(%run_scoped3A_128 : memref<!tpu.dma_semaphore, #tpu.memory_space<semaphore_mem>>) src(%arg8 : memref<128x128xf32, #tpu.memory_space<vmem>>) dst(%dma_wait3A_136 : memref<128x128xf32, #tpu.memory_space<vmem_shared>>)
      tpu.yield
    }) : () -> ()
    %mul3A_21 = arith.constant 640 : i32
    %mul3A_22 = arith.muli %arg1, %mul3A_21 : i32
    %add3A_23 = arith.constant 512 : i32
    %add3A_24 = arith.addi %mul3A_22, %add3A_23 : i32
    "tpu.region"() ({
      %run_scoped3A_128 = tpu.sem_alloc : memref<!tpu.dma_semaphore, #tpu.memory_space<semaphore_mem>>
      %dma_start3A_129 = arith.constant 0 : i32
      %dma_start3A_130 = tpu.memref_slice %arg10[%add3A_24, %dma_start3A_129] : memref<10240x128xf32, #tpu.memory_space<vmem_shared>> -> memref<128x128xf32, #tpu.memory_space<vmem_shared>>
      %dma_start3A_131 = arith.constant 0 : i32
      %dma_start3A_132 = tpu.memref_slice %arg10[%add3A_24, %dma_start3A_131] : memref<10240x128xf32, #tpu.memory_space<vmem_shared>> -> memref<128x128xf32, #tpu.memory_space<vmem_shared>>
      tpu.enqueue_dma source(%arg8 : memref<128x128xf32, #tpu.memory_space<vmem>>) target(%dma_start3A_132 : memref<128x128xf32, #tpu.memory_space<vmem_shared>>) target_semaphore(%run_scoped3A_128 : memref<!tpu.dma_semaphore, #tpu.memory_space<semaphore_mem>>)
      %dma_wait3A_133 = arith.constant 0 : i32
      %dma_wait3A_134 = tpu.memref_slice %arg10[%add3A_24, %dma_wait3A_133] : memref<10240x128xf32, #tpu.memory_space<vmem_shared>> -> memref<128x128xf32, #tpu.memory_space<vmem_shared>>
      %dma_wait3A_135 = arith.constant 0 : i32
      %dma_wait3A_136 = tpu.memref_slice %arg10[%add3A_24, %dma_wait3A_135] : memref<10240x128xf32, #tpu.memory_space<vmem_shared>> -> memref<128x128xf32, #tpu.memory_space<vmem_shared>>
      tpu.wait_dma2 semaphore(%run_scoped3A_128 : memref<!tpu.dma_semaphore, #tpu.memory_space<semaphore_mem>>) src(%arg8 : memref<128x128xf32, #tpu.memory_space<vmem>>) dst(%dma_wait3A_136 : memref<128x128xf32, #tpu.memory_space<vmem_shared>>)
      tpu.yield
    }) : () -> ()
    "tpu.region"() ({
      %run_scoped3A_128 = tpu.sem_alloc : memref<!tpu.dma_semaphore, #tpu.memory_space<semaphore_mem>>
      %dma_start3A_129 = arith.constant 0 : i32
      %dma_start3A_130 = arith.constant 0 : i32
      %dma_start3A_131 = tpu.memref_slice %arg3[%add3A, %dma_start3A_129, %dma_start3A_130] : memref<32x80x128xi32, #tpu.memory_space<hbm>> -> memref<1x40x128xi32, #tpu.memory_space<hbm>>
      %dma_start3A_132 = tpu.memref_squeeze %dma_start3A_131 : memref<1x40x128xi32, #tpu.memory_space<hbm>> -> memref<40x128xi32, #tpu.memory_space<hbm>>
      %dma_start3A_133 = arith.constant 0 : i32
      %dma_start3A_134 = arith.constant 0 : i32
      %dma_start3A_135 = tpu.memref_slice %arg3[%add3A, %dma_start3A_133, %dma_start3A_134] : memref<32x80x128xi32, #tpu.memory_space<hbm>> -> memref<1x40x128xi32, #tpu.memory_space<hbm>>
      %dma_start3A_136 = tpu.memref_squeeze %dma_start3A_135 : memref<1x40x128xi32, #tpu.memory_space<hbm>> -> memref<40x128xi32, #tpu.memory_space<hbm>>
      tpu.enqueue_dma source(%dma_start3A_136 : memref<40x128xi32, #tpu.memory_space<hbm>>) target(%arg6 : memref<40x128xi32, #tpu.memory_space<vmem>>) target_semaphore(%run_scoped3A_128 : memref<!tpu.dma_semaphore, #tpu.memory_space<semaphore_mem>>)
      %dma_wait3A_137 = arith.constant 0 : i32
      %dma_wait3A_138 = arith.constant 0 : i32
      %dma_wait3A_139 = tpu.memref_slice %arg3[%add3A, %dma_wait3A_137, %dma_wait3A_138] : memref<32x80x128xi32, #tpu.memory_space<hbm>> -> memref<1x40x128xi32, #tpu.memory_space<hbm>>
      %dma_wait3A_140 = tpu.memref_squeeze %dma_wait3A_139 : memref<1x40x128xi32, #tpu.memory_space<hbm>> -> memref<40x128xi32, #tpu.memory_space<hbm>>
      %dma_wait3A_141 = arith.constant 0 : i32
      %dma_wait3A_142 = arith.constant 0 : i32
      %dma_wait3A_143 = tpu.memref_slice %arg3[%add3A, %dma_wait3A_141, %dma_wait3A_142] : memref<32x80x128xi32, #tpu.memory_space<hbm>> -> memref<1x40x128xi32, #tpu.memory_space<hbm>>
      %dma_wait3A_144 = tpu.memref_squeeze %dma_wait3A_143 : memref<1x40x128xi32, #tpu.memory_space<hbm>> -> memref<40x128xi32, #tpu.memory_space<hbm>>
      tpu.wait_dma2 semaphore(%run_scoped3A_128 : memref<!tpu.dma_semaphore, #tpu.memory_space<semaphore_mem>>) src(%dma_wait3A_144 : memref<40x128xi32, #tpu.memory_space<hbm>>) dst(%arg6 : memref<40x128xi32, #tpu.memory_space<vmem>>)
      tpu.yield
    }) : () -> ()
    "tpu.region"() ({
      %run_scoped3A_128 = tpu.sem_alloc : memref<!tpu.dma_semaphore, #tpu.memory_space<semaphore_mem>>
      %dma_start3A_129 = arith.constant 0 : i32
      %dma_start3A_130 = arith.constant 0 : i32
      %dma_start3A_131 = tpu.memref_slice %arg4[%add3A, %dma_start3A_129, %dma_start3A_130] : memref<32x80x128xi32, #tpu.memory_space<hbm>> -> memref<1x40x128xi32, #tpu.memory_space<hbm>>
      %dma_start3A_132 = tpu.memref_squeeze %dma_start3A_131 : memref<1x40x128xi32, #tpu.memory_space<hbm>> -> memref<40x128xi32, #tpu.memory_space<hbm>>
      %dma_start3A_133 = arith.constant 0 : i32
      %dma_start3A_134 = arith.constant 0 : i32
      %dma_start3A_135 = tpu.memref_slice %arg4[%add3A, %dma_start3A_133, %dma_start3A_134] : memref<32x80x128xi32, #tpu.memory_space<hbm>> -> memref<1x40x128xi32, #tpu.memory_space<hbm>>
      %dma_start3A_136 = tpu.memref_squeeze %dma_start3A_135 : memref<1x40x128xi32, #tpu.memory_space<hbm>> -> memref<40x128xi32, #tpu.memory_space<hbm>>
      tpu.enqueue_dma source(%dma_start3A_136 : memref<40x128xi32, #tpu.memory_space<hbm>>) target(%arg7 : memref<40x128xi32, #tpu.memory_space<vmem>>) target_semaphore(%run_scoped3A_128 : memref<!tpu.dma_semaphore, #tpu.memory_space<semaphore_mem>>)
      %dma_wait3A_137 = arith.constant 0 : i32
      %dma_wait3A_138 = arith.constant 0 : i32
      %dma_wait3A_139 = tpu.memref_slice %arg4[%add3A, %dma_wait3A_137, %dma_wait3A_138] : memref<32x80x128xi32, #tpu.memory_space<hbm>> -> memref<1x40x128xi32, #tpu.memory_space<hbm>>
      %dma_wait3A_140 = tpu.memref_squeeze %dma_wait3A_139 : memref<1x40x128xi32, #tpu.memory_space<hbm>> -> memref<40x128xi32, #tpu.memory_space<hbm>>
      %dma_wait3A_141 = arith.constant 0 : i32
      %dma_wait3A_142 = arith.constant 0 : i32
      %dma_wait3A_143 = tpu.memref_slice %arg4[%add3A, %dma_wait3A_141, %dma_wait3A_142] : memref<32x80x128xi32, #tpu.memory_space<hbm>> -> memref<1x40x128xi32, #tpu.memory_space<hbm>>
      %dma_wait3A_144 = tpu.memref_squeeze %dma_wait3A_143 : memref<1x40x128xi32, #tpu.memory_space<hbm>> -> memref<40x128xi32, #tpu.memory_space<hbm>>
      tpu.wait_dma2 semaphore(%run_scoped3A_128 : memref<!tpu.dma_semaphore, #tpu.memory_space<semaphore_mem>>) src(%dma_wait3A_144 : memref<40x128xi32, #tpu.memory_space<hbm>>) dst(%arg7 : memref<40x128xi32, #tpu.memory_space<vmem>>)
      tpu.yield
    }) : () -> ()
    %dma_start3A = arith.constant 0 : i32
    %dma_start3A_25 = arith.constant 0 : i32
    %dma_start3A_26 = tpu.memref_slice %arg6[%dma_start3A, %dma_start3A_25] : memref<40x128xi32, #tpu.memory_space<vmem>> -> memref<1x128xi32, #tpu.memory_space<vmem>>
    %dma_start3A_27 = tpu.memref_squeeze %dma_start3A_26 : memref<1x128xi32, #tpu.memory_space<vmem>> -> memref<128xi32, #tpu.memory_space<vmem>>
    %dma_start3A_28 = arith.constant 0 : i32
    %dma_start3A_29 = arith.constant 0 : i32
    %dma_start3A_30 = tpu.memref_slice %arg2[%dma_start3A_28, %dma_start3A_29] : memref<10000x128xf32, #tpu.memory_space<hbm>> -> memref<10000x128xf32, #tpu.memory_space<hbm>>
    tpu.enqueue_indirect_dma source(%dma_start3A_30 : memref<10000x128xf32, #tpu.memory_space<hbm>>) target(%arg8 : memref<128x128xf32, #tpu.memory_space<vmem>>) offsets(%dma_start3A_27 : memref<128xi32, #tpu.memory_space<vmem>>) semaphore(%arg11 : memref<!tpu.dma_semaphore, #tpu.memory_space<semaphore_mem>>)
    %dma_start3A_31 = arith.constant 1 : i32
    %dma_start3A_32 = arith.constant 0 : i32
    %dma_start3A_33 = tpu.memref_slice %arg6[%dma_start3A_31, %dma_start3A_32] : memref<40x128xi32, #tpu.memory_space<vmem>> -> memref<1x128xi32, #tpu.memory_space<vmem>>
    %dma_start3A_34 = tpu.memref_squeeze %dma_start3A_33 : memref<1x128xi32, #tpu.memory_space<vmem>> -> memref<128xi32, #tpu.memory_space<vmem>>
    %dma_start3A_35 = arith.constant 0 : i32
    %dma_start3A_36 = arith.constant 0 : i32
    %dma_start3A_37 = tpu.memref_slice %arg2[%dma_start3A_35, %dma_start3A_36] : memref<10000x128xf32, #tpu.memory_space<hbm>> -> memref<10000x128xf32, #tpu.memory_space<hbm>>
    tpu.enqueue_indirect_dma source(%dma_start3A_37 : memref<10000x128xf32, #tpu.memory_space<hbm>>) target(%arg9 : memref<128x128xf32, #tpu.memory_space<vmem>>) offsets(%dma_start3A_34 : memref<128xi32, #tpu.memory_space<vmem>>) semaphore(%arg12 : memref<!tpu.dma_semaphore, #tpu.memory_space<semaphore_mem>>)
    %barrier3A = arith.constant 0 : index
    tpu.barrier barrier_id(%barrier3A)
    %scan3A_38 = arith.constant 0 : i32
    %scan3A_39 = arith.constant 19 : i32
    %scan3A_40 = arith.addi %scan3A_38, %scan3A_39 : i32
    %scan3A_41 = arith.constant 1 : i32
    scf.for %scan3A_128 = %scan3A_38 to %scan3A_40 step %scan3A_41  : i32 {
      %mul3A_129 = arith.constant 2 : i32
      %mul3A_130 = arith.muli %scan3A_128, %mul3A_129 : i32
      %add3A_131 = arith.constant 0 : i32
      %add3A_132 = arith.addi %mul3A_130, %add3A_131 : i32
      %dma_wait3A_133 = arith.constant 0 : i32
      %dma_wait3A_134 = tpu.memref_slice %arg6[%add3A_132, %dma_wait3A_133] : memref<40x128xi32, #tpu.memory_space<vmem>> -> memref<1x128xi32, #tpu.memory_space<vmem>>
      %dma_wait3A_135 = tpu.memref_squeeze %dma_wait3A_134 : memref<1x128xi32, #tpu.memory_space<vmem>> -> memref<128xi32, #tpu.memory_space<vmem>>
      %dma_wait3A_136 = arith.constant 0 : i32
      %dma_wait3A_137 = arith.constant 0 : i32
      %dma_wait3A_138 = tpu.memref_slice %arg2[%dma_wait3A_136, %dma_wait3A_137] : memref<10000x128xf32, #tpu.memory_space<hbm>> -> memref<10000x128xf32, #tpu.memory_space<hbm>>
      tpu.wait_indirect_dma semaphore(%arg11 : memref<!tpu.dma_semaphore, #tpu.memory_space<semaphore_mem>>) src(%dma_wait3A_138 : memref<10000x128xf32, #tpu.memory_space<hbm>>) dst(%arg8 : memref<128x128xf32, #tpu.memory_space<vmem>>)
      "tpu.region"() ({
        %run_scoped3A_165 = tpu.sem_alloc : memref<!tpu.dma_semaphore, #tpu.memory_space<semaphore_mem>>
        %dma_start3A_166 = arith.constant 0 : i32
        %dma_start3A_167 = tpu.memref_slice %arg7[%add3A_132, %dma_start3A_166] : memref<40x128xi32, #tpu.memory_space<vmem>> -> memref<1x128xi32, #tpu.memory_space<vmem>>
        %dma_start3A_168 = tpu.memref_squeeze %dma_start3A_167 : memref<1x128xi32, #tpu.memory_space<vmem>> -> memref<128xi32, #tpu.memory_space<vmem>>
        %dma_start3A_169 = arith.constant 0 : i32
        %dma_start3A_170 = arith.constant 0 : i32
        %dma_start3A_171 = tpu.memref_slice %arg10[%dma_start3A_169, %dma_start3A_170] : memref<10240x128xf32, #tpu.memory_space<vmem_shared>> -> memref<10240x128xf32, #tpu.memory_space<vmem_shared>>
        tpu.enqueue_indirect_dma source(%arg8 : memref<128x128xf32, #tpu.memory_space<vmem>>) target(%dma_start3A_171 : memref<10240x128xf32, #tpu.memory_space<vmem_shared>>) offsets(%dma_start3A_168 : memref<128xi32, #tpu.memory_space<vmem>>) semaphore(%run_scoped3A_165 : memref<!tpu.dma_semaphore, #tpu.memory_space<semaphore_mem>>) {add = true}
        %dma_wait3A_172 = arith.constant 0 : i32
        %dma_wait3A_173 = tpu.memref_slice %arg7[%add3A_132, %dma_wait3A_172] : memref<40x128xi32, #tpu.memory_space<vmem>> -> memref<1x128xi32, #tpu.memory_space<vmem>>
        %dma_wait3A_174 = tpu.memref_squeeze %dma_wait3A_173 : memref<1x128xi32, #tpu.memory_space<vmem>> -> memref<128xi32, #tpu.memory_space<vmem>>
        %dma_wait3A_175 = arith.constant 0 : i32
        %dma_wait3A_176 = arith.constant 0 : i32
        %dma_wait3A_177 = tpu.memref_slice %arg10[%dma_wait3A_175, %dma_wait3A_176] : memref<10240x128xf32, #tpu.memory_space<vmem_shared>> -> memref<10240x128xf32, #tpu.memory_space<vmem_shared>>
        tpu.wait_indirect_dma semaphore(%run_scoped3A_165 : memref<!tpu.dma_semaphore, #tpu.memory_space<semaphore_mem>>) src(%arg8 : memref<128x128xf32, #tpu.memory_space<vmem>>) dst(%dma_wait3A_177 : memref<10240x128xf32, #tpu.memory_space<vmem_shared>>)
        tpu.yield
      }) : () -> ()
      %add3A_139 = arith.constant 2 : i32
      %add3A_140 = arith.addi %add3A_132, %add3A_139 : i32
      %dma_start3A_141 = arith.constant 0 : i32
      %dma_start3A_142 = tpu.memref_slice %arg6[%add3A_140, %dma_start3A_141] : memref<40x128xi32, #tpu.memory_space<vmem>> -> memref<1x128xi32, #tpu.memory_space<vmem>>
      %dma_start3A_143 = tpu.memref_squeeze %dma_start3A_142 : memref<1x128xi32, #tpu.memory_space<vmem>> -> memref<128xi32, #tpu.memory_space<vmem>>
      %dma_start3A_144 = arith.constant 0 : i32
      %dma_start3A_145 = arith.constant 0 : i32
      %dma_start3A_146 = tpu.memref_slice %arg2[%dma_start3A_144, %dma_start3A_145] : memref<10000x128xf32, #tpu.memory_space<hbm>> -> memref<10000x128xf32, #tpu.memory_space<hbm>>
      tpu.enqueue_indirect_dma source(%dma_start3A_146 : memref<10000x128xf32, #tpu.memory_space<hbm>>) target(%arg8 : memref<128x128xf32, #tpu.memory_space<vmem>>) offsets(%dma_start3A_143 : memref<128xi32, #tpu.memory_space<vmem>>) semaphore(%arg11 : memref<!tpu.dma_semaphore, #tpu.memory_space<semaphore_mem>>)
      %mul3A_147 = arith.constant 2 : i32
      %mul3A_148 = arith.muli %scan3A_128, %mul3A_147 : i32
      %add3A_149 = arith.constant 1 : i32
      %add3A_150 = arith.addi %mul3A_148, %add3A_149 : i32
      %dma_wait3A_151 = arith.constant 0 : i32
      %dma_wait3A_152 = tpu.memref_slice %arg6[%add3A_150, %dma_wait3A_151] : memref<40x128xi32, #tpu.memory_space<vmem>> -> memref<1x128xi32, #tpu.memory_space<vmem>>
      %dma_wait3A_153 = tpu.memref_squeeze %dma_wait3A_152 : memref<1x128xi32, #tpu.memory_space<vmem>> -> memref<128xi32, #tpu.memory_space<vmem>>
      %dma_wait3A_154 = arith.constant 0 : i32
      %dma_wait3A_155 = arith.constant 0 : i32
      %dma_wait3A_156 = tpu.memref_slice %arg2[%dma_wait3A_154, %dma_wait3A_155] : memref<10000x128xf32, #tpu.memory_space<hbm>> -> memref<10000x128xf32, #tpu.memory_space<hbm>>
      tpu.wait_indirect_dma semaphore(%arg12 : memref<!tpu.dma_semaphore, #tpu.memory_space<semaphore_mem>>) src(%dma_wait3A_156 : memref<10000x128xf32, #tpu.memory_space<hbm>>) dst(%arg9 : memref<128x128xf32, #tpu.memory_space<vmem>>)
      "tpu.region"() ({
        %run_scoped3A_165 = tpu.sem_alloc : memref<!tpu.dma_semaphore, #tpu.memory_space<semaphore_mem>>
        %dma_start3A_166 = arith.constant 0 : i32
        %dma_start3A_167 = tpu.memref_slice %arg7[%add3A_150, %dma_start3A_166] : memref<40x128xi32, #tpu.memory_space<vmem>> -> memref<1x128xi32, #tpu.memory_space<vmem>>
        %dma_start3A_168 = tpu.memref_squeeze %dma_start3A_167 : memref<1x128xi32, #tpu.memory_space<vmem>> -> memref<128xi32, #tpu.memory_space<vmem>>
        %dma_start3A_169 = arith.constant 0 : i32
        %dma_start3A_170 = arith.constant 0 : i32
        %dma_start3A_171 = tpu.memref_slice %arg10[%dma_start3A_169, %dma_start3A_170] : memref<10240x128xf32, #tpu.memory_space<vmem_shared>> -> memref<10240x128xf32, #tpu.memory_space<vmem_shared>>
        tpu.enqueue_indirect_dma source(%arg9 : memref<128x128xf32, #tpu.memory_space<vmem>>) target(%dma_start3A_171 : memref<10240x128xf32, #tpu.memory_space<vmem_shared>>) offsets(%dma_start3A_168 : memref<128xi32, #tpu.memory_space<vmem>>) semaphore(%run_scoped3A_165 : memref<!tpu.dma_semaphore, #tpu.memory_space<semaphore_mem>>) {add = true}
        %dma_wait3A_172 = arith.constant 0 : i32
        %dma_wait3A_173 = tpu.memref_slice %arg7[%add3A_150, %dma_wait3A_172] : memref<40x128xi32, #tpu.memory_space<vmem>> -> memref<1x128xi32, #tpu.memory_space<vmem>>
        %dma_wait3A_174 = tpu.memref_squeeze %dma_wait3A_173 : memref<1x128xi32, #tpu.memory_space<vmem>> -> memref<128xi32, #tpu.memory_space<vmem>>
        %dma_wait3A_175 = arith.constant 0 : i32
        %dma_wait3A_176 = arith.constant 0 : i32
        %dma_wait3A_177 = tpu.memref_slice %arg10[%dma_wait3A_175, %dma_wait3A_176] : memref<10240x128xf32, #tpu.memory_space<vmem_shared>> -> memref<10240x128xf32, #tpu.memory_space<vmem_shared>>
        tpu.wait_indirect_dma semaphore(%run_scoped3A_165 : memref<!tpu.dma_semaphore, #tpu.memory_space<semaphore_mem>>) src(%arg9 : memref<128x128xf32, #tpu.memory_space<vmem>>) dst(%dma_wait3A_177 : memref<10240x128xf32, #tpu.memory_space<vmem_shared>>)
        tpu.yield
      }) : () -> ()
      %add3A_157 = arith.constant 2 : i32
      %add3A_158 = arith.addi %add3A_150, %add3A_157 : i32
      %dma_start3A_159 = arith.constant 0 : i32
      %dma_start3A_160 = tpu.memref_slice %arg6[%add3A_158, %dma_start3A_159] : memref<40x128xi32, #tpu.memory_space<vmem>> -> memref<1x128xi32, #tpu.memory_space<vmem>>
      %dma_start3A_161 = tpu.memref_squeeze %dma_start3A_160 : memref<1x128xi32, #tpu.memory_space<vmem>> -> memref<128xi32, #tpu.memory_space<vmem>>
      %dma_start3A_162 = arith.constant 0 : i32
      %dma_start3A_163 = arith.constant 0 : i32
      %dma_start3A_164 = tpu.memref_slice %arg2[%dma_start3A_162, %dma_start3A_163] : memref<10000x128xf32, #tpu.memory_space<hbm>> -> memref<10000x128xf32, #tpu.memory_space<hbm>>
      tpu.enqueue_indirect_dma source(%dma_start3A_164 : memref<10000x128xf32, #tpu.memory_space<hbm>>) target(%arg9 : memref<128x128xf32, #tpu.memory_space<vmem>>) offsets(%dma_start3A_161 : memref<128xi32, #tpu.memory_space<vmem>>) semaphore(%arg12 : memref<!tpu.dma_semaphore, #tpu.memory_space<semaphore_mem>>)
    }
    %scan3A_42 = arith.constant 19 : i32
    %dma_wait3A = arith.constant 38 : i32
    %dma_wait3A_43 = arith.constant 0 : i32
    %dma_wait3A_44 = tpu.memref_slice %arg6[%dma_wait3A, %dma_wait3A_43] : memref<40x128xi32, #tpu.memory_space<vmem>> -> memref<1x128xi32, #tpu.memory_space<vmem>>
    %dma_wait3A_45 = tpu.memref_squeeze %dma_wait3A_44 : memref<1x128xi32, #tpu.memory_space<vmem>> -> memref<128xi32, #tpu.memory_space<vmem>>
    %dma_wait3A_46 = arith.constant 0 : i32
    %dma_wait3A_47 = arith.constant 0 : i32
    %dma_wait3A_48 = tpu.memref_slice %arg2[%dma_wait3A_46, %dma_wait3A_47] : memref<10000x128xf32, #tpu.memory_space<hbm>> -> memref<10000x128xf32, #tpu.memory_space<hbm>>
    tpu.wait_indirect_dma semaphore(%arg11 : memref<!tpu.dma_semaphore, #tpu.memory_space<semaphore_mem>>) src(%dma_wait3A_48 : memref<10000x128xf32, #tpu.memory_space<hbm>>) dst(%arg8 : memref<128x128xf32, #tpu.memory_space<vmem>>)
    %run_scoped3A = arith.constant 38 : i32
    "tpu.region"() ({
      %run_scoped3A_128 = tpu.sem_alloc : memref<!tpu.dma_semaphore, #tpu.memory_space<semaphore_mem>>
      %dma_start3A_129 = arith.constant 0 : i32
      %dma_start3A_130 = tpu.memref_slice %arg7[%run_scoped3A, %dma_start3A_129] : memref<40x128xi32, #tpu.memory_space<vmem>> -> memref<1x128xi32, #tpu.memory_space<vmem>>
      %dma_start3A_131 = tpu.memref_squeeze %dma_start3A_130 : memref<1x128xi32, #tpu.memory_space<vmem>> -> memref<128xi32, #tpu.memory_space<vmem>>
      %dma_start3A_132 = arith.constant 0 : i32
      %dma_start3A_133 = arith.constant 0 : i32
      %dma_start3A_134 = tpu.memref_slice %arg10[%dma_start3A_132, %dma_start3A_133] : memref<10240x128xf32, #tpu.memory_space<vmem_shared>> -> memref<10240x128xf32, #tpu.memory_space<vmem_shared>>
      tpu.enqueue_indirect_dma source(%arg8 : memref<128x128xf32, #tpu.memory_space<vmem>>) target(%dma_start3A_134 : memref<10240x128xf32, #tpu.memory_space<vmem_shared>>) offsets(%dma_start3A_131 : memref<128xi32, #tpu.memory_space<vmem>>) semaphore(%run_scoped3A_128 : memref<!tpu.dma_semaphore, #tpu.memory_space<semaphore_mem>>) {add = true}
      %dma_wait3A_135 = arith.constant 0 : i32
      %dma_wait3A_136 = tpu.memref_slice %arg7[%run_scoped3A, %dma_wait3A_135] : memref<40x128xi32, #tpu.memory_space<vmem>> -> memref<1x128xi32, #tpu.memory_space<vmem>>
      %dma_wait3A_137 = tpu.memref_squeeze %dma_wait3A_136 : memref<1x128xi32, #tpu.memory_space<vmem>> -> memref<128xi32, #tpu.memory_space<vmem>>
      %dma_wait3A_138 = arith.constant 0 : i32
      %dma_wait3A_139 = arith.constant 0 : i32
      %dma_wait3A_140 = tpu.memref_slice %arg10[%dma_wait3A_138, %dma_wait3A_139] : memref<10240x128xf32, #tpu.memory_space<vmem_shared>> -> memref<10240x128xf32, #tpu.memory_space<vmem_shared>>
      tpu.wait_indirect_dma semaphore(%run_scoped3A_128 : memref<!tpu.dma_semaphore, #tpu.memory_space<semaphore_mem>>) src(%arg8 : memref<128x128xf32, #tpu.memory_space<vmem>>) dst(%dma_wait3A_140 : memref<10240x128xf32, #tpu.memory_space<vmem_shared>>)
      tpu.yield
    }) : () -> ()
    %dma_wait3A_49 = arith.constant 39 : i32
    %dma_wait3A_50 = arith.constant 0 : i32
    %dma_wait3A_51 = tpu.memref_slice %arg6[%dma_wait3A_49, %dma_wait3A_50] : memref<40x128xi32, #tpu.memory_space<vmem>> -> memref<1x128xi32, #tpu.memory_space<vmem>>
    %dma_wait3A_52 = tpu.memref_squeeze %dma_wait3A_51 : memref<1x128xi32, #tpu.memory_space<vmem>> -> memref<128xi32, #tpu.memory_space<vmem>>
    %dma_wait3A_53 = arith.constant 0 : i32
    %dma_wait3A_54 = arith.constant 0 : i32
    %dma_wait3A_55 = tpu.memref_slice %arg2[%dma_wait3A_53, %dma_wait3A_54] : memref<10000x128xf32, #tpu.memory_space<hbm>> -> memref<10000x128xf32, #tpu.memory_space<hbm>>
    tpu.wait_indirect_dma semaphore(%arg12 : memref<!tpu.dma_semaphore, #tpu.memory_space<semaphore_mem>>) src(%dma_wait3A_55 : memref<10000x128xf32, #tpu.memory_space<hbm>>) dst(%arg9 : memref<128x128xf32, #tpu.memory_space<vmem>>)
    %run_scoped3A_56 = arith.constant 39 : i32
    "tpu.region"() ({
      %run_scoped3A_128 = tpu.sem_alloc : memref<!tpu.dma_semaphore, #tpu.memory_space<semaphore_mem>>
      %dma_start3A_129 = arith.constant 0 : i32
      %dma_start3A_130 = tpu.memref_slice %arg7[%run_scoped3A_56, %dma_start3A_129] : memref<40x128xi32, #tpu.memory_space<vmem>> -> memref<1x128xi32, #tpu.memory_space<vmem>>
      %dma_start3A_131 = tpu.memref_squeeze %dma_start3A_130 : memref<1x128xi32, #tpu.memory_space<vmem>> -> memref<128xi32, #tpu.memory_space<vmem>>
      %dma_start3A_132 = arith.constant 0 : i32
      %dma_start3A_133 = arith.constant 0 : i32
      %dma_start3A_134 = tpu.memref_slice %arg10[%dma_start3A_132, %dma_start3A_133] : memref<10240x128xf32, #tpu.memory_space<vmem_shared>> -> memref<10240x128xf32, #tpu.memory_space<vmem_shared>>
      tpu.enqueue_indirect_dma source(%arg9 : memref<128x128xf32, #tpu.memory_space<vmem>>) target(%dma_start3A_134 : memref<10240x128xf32, #tpu.memory_space<vmem_shared>>) offsets(%dma_start3A_131 : memref<128xi32, #tpu.memory_space<vmem>>) semaphore(%run_scoped3A_128 : memref<!tpu.dma_semaphore, #tpu.memory_space<semaphore_mem>>) {add = true}
      %dma_wait3A_135 = arith.constant 0 : i32
      %dma_wait3A_136 = tpu.memref_slice %arg7[%run_scoped3A_56, %dma_wait3A_135] : memref<40x128xi32, #tpu.memory_space<vmem>> -> memref<1x128xi32, #tpu.memory_space<vmem>>
      %dma_wait3A_137 = tpu.memref_squeeze %dma_wait3A_136 : memref<1x128xi32, #tpu.memory_space<vmem>> -> memref<128xi32, #tpu.memory_space<vmem>>
      %dma_wait3A_138 = arith.constant 0 : i32
      %dma_wait3A_139 = arith.constant 0 : i32
      %dma_wait3A_140 = tpu.memref_slice %arg10[%dma_wait3A_138, %dma_wait3A_139] : memref<10240x128xf32, #tpu.memory_space<vmem_shared>> -> memref<10240x128xf32, #tpu.memory_space<vmem_shared>>
      tpu.wait_indirect_dma semaphore(%run_scoped3A_128 : memref<!tpu.dma_semaphore, #tpu.memory_space<semaphore_mem>>) src(%arg9 : memref<128x128xf32, #tpu.memory_space<vmem>>) dst(%dma_wait3A_140 : memref<10240x128xf32, #tpu.memory_space<vmem_shared>>)
      tpu.yield
    }) : () -> ()
    "tpu.region"() ({
      %run_scoped3A_128 = tpu.sem_alloc : memref<!tpu.dma_semaphore, #tpu.memory_space<semaphore_mem>>
      %dma_start3A_129 = arith.constant 40 : i32
      %dma_start3A_130 = arith.constant 0 : i32
      %dma_start3A_131 = tpu.memref_slice %arg3[%add3A, %dma_start3A_129, %dma_start3A_130] : memref<32x80x128xi32, #tpu.memory_space<hbm>> -> memref<1x40x128xi32, #tpu.memory_space<hbm>>
      %dma_start3A_132 = tpu.memref_squeeze %dma_start3A_131 : memref<1x40x128xi32, #tpu.memory_space<hbm>> -> memref<40x128xi32, #tpu.memory_space<hbm>>
      %dma_start3A_133 = arith.constant 40 : i32
      %dma_start3A_134 = arith.constant 0 : i32
      %dma_start3A_135 = tpu.memref_slice %arg3[%add3A, %dma_start3A_133, %dma_start3A_134] : memref<32x80x128xi32, #tpu.memory_space<hbm>> -> memref<1x40x128xi32, #tpu.memory_space<hbm>>
      %dma_start3A_136 = tpu.memref_squeeze %dma_start3A_135 : memref<1x40x128xi32, #tpu.memory_space<hbm>> -> memref<40x128xi32, #tpu.memory_space<hbm>>
      tpu.enqueue_dma source(%dma_start3A_136 : memref<40x128xi32, #tpu.memory_space<hbm>>) target(%arg6 : memref<40x128xi32, #tpu.memory_space<vmem>>) target_semaphore(%run_scoped3A_128 : memref<!tpu.dma_semaphore, #tpu.memory_space<semaphore_mem>>)
      %dma_wait3A_137 = arith.constant 40 : i32
      %dma_wait3A_138 = arith.constant 0 : i32
      %dma_wait3A_139 = tpu.memref_slice %arg3[%add3A, %dma_wait3A_137, %dma_wait3A_138] : memref<32x80x128xi32, #tpu.memory_space<hbm>> -> memref<1x40x128xi32, #tpu.memory_space<hbm>>
      %dma_wait3A_140 = tpu.memref_squeeze %dma_wait3A_139 : memref<1x40x128xi32, #tpu.memory_space<hbm>> -> memref<40x128xi32, #tpu.memory_space<hbm>>
      %dma_wait3A_141 = arith.constant 40 : i32
      %dma_wait3A_142 = arith.constant 0 : i32
      %dma_wait3A_143 = tpu.memref_slice %arg3[%add3A, %dma_wait3A_141, %dma_wait3A_142] : memref<32x80x128xi32, #tpu.memory_space<hbm>> -> memref<1x40x128xi32, #tpu.memory_space<hbm>>
      %dma_wait3A_144 = tpu.memref_squeeze %dma_wait3A_143 : memref<1x40x128xi32, #tpu.memory_space<hbm>> -> memref<40x128xi32, #tpu.memory_space<hbm>>
      tpu.wait_dma2 semaphore(%run_scoped3A_128 : memref<!tpu.dma_semaphore, #tpu.memory_space<semaphore_mem>>) src(%dma_wait3A_144 : memref<40x128xi32, #tpu.memory_space<hbm>>) dst(%arg6 : memref<40x128xi32, #tpu.memory_space<vmem>>)
      tpu.yield
    }) : () -> ()
    "tpu.region"() ({
      %run_scoped3A_128 = tpu.sem_alloc : memref<!tpu.dma_semaphore, #tpu.memory_space<semaphore_mem>>
      %dma_start3A_129 = arith.constant 40 : i32
      %dma_start3A_130 = arith.constant 0 : i32
      %dma_start3A_131 = tpu.memref_slice %arg4[%add3A, %dma_start3A_129, %dma_start3A_130] : memref<32x80x128xi32, #tpu.memory_space<hbm>> -> memref<1x40x128xi32, #tpu.memory_space<hbm>>
      %dma_start3A_132 = tpu.memref_squeeze %dma_start3A_131 : memref<1x40x128xi32, #tpu.memory_space<hbm>> -> memref<40x128xi32, #tpu.memory_space<hbm>>
      %dma_start3A_133 = arith.constant 40 : i32
      %dma_start3A_134 = arith.constant 0 : i32
      %dma_start3A_135 = tpu.memref_slice %arg4[%add3A, %dma_start3A_133, %dma_start3A_134] : memref<32x80x128xi32, #tpu.memory_space<hbm>> -> memref<1x40x128xi32, #tpu.memory_space<hbm>>
      %dma_start3A_136 = tpu.memref_squeeze %dma_start3A_135 : memref<1x40x128xi32, #tpu.memory_space<hbm>> -> memref<40x128xi32, #tpu.memory_space<hbm>>
      tpu.enqueue_dma source(%dma_start3A_136 : memref<40x128xi32, #tpu.memory_space<hbm>>) target(%arg7 : memref<40x128xi32, #tpu.memory_space<vmem>>) target_semaphore(%run_scoped3A_128 : memref<!tpu.dma_semaphore, #tpu.memory_space<semaphore_mem>>)
      %dma_wait3A_137 = arith.constant 40 : i32
      %dma_wait3A_138 = arith.constant 0 : i32
      %dma_wait3A_139 = tpu.memref_slice %arg4[%add3A, %dma_wait3A_137, %dma_wait3A_138] : memref<32x80x128xi32, #tpu.memory_space<hbm>> -> memref<1x40x128xi32, #tpu.memory_space<hbm>>
      %dma_wait3A_140 = tpu.memref_squeeze %dma_wait3A_139 : memref<1x40x128xi32, #tpu.memory_space<hbm>> -> memref<40x128xi32, #tpu.memory_space<hbm>>
      %dma_wait3A_141 = arith.constant 40 : i32
      %dma_wait3A_142 = arith.constant 0 : i32
      %dma_wait3A_143 = tpu.memref_slice %arg4[%add3A, %dma_wait3A_141, %dma_wait3A_142] : memref<32x80x128xi32, #tpu.memory_space<hbm>> -> memref<1x40x128xi32, #tpu.memory_space<hbm>>
      %dma_wait3A_144 = tpu.memref_squeeze %dma_wait3A_143 : memref<1x40x128xi32, #tpu.memory_space<hbm>> -> memref<40x128xi32, #tpu.memory_space<hbm>>
      tpu.wait_dma2 semaphore(%run_scoped3A_128 : memref<!tpu.dma_semaphore, #tpu.memory_space<semaphore_mem>>) src(%dma_wait3A_144 : memref<40x128xi32, #tpu.memory_space<hbm>>) dst(%arg7 : memref<40x128xi32, #tpu.memory_space<vmem>>)
      tpu.yield
    }) : () -> ()
    %dma_start3A_57 = arith.constant 0 : i32
    %dma_start3A_58 = arith.constant 0 : i32
    %dma_start3A_59 = tpu.memref_slice %arg6[%dma_start3A_57, %dma_start3A_58] : memref<40x128xi32, #tpu.memory_space<vmem>> -> memref<1x128xi32, #tpu.memory_space<vmem>>
    %dma_start3A_60 = tpu.memref_squeeze %dma_start3A_59 : memref<1x128xi32, #tpu.memory_space<vmem>> -> memref<128xi32, #tpu.memory_space<vmem>>
    %dma_start3A_61 = arith.constant 0 : i32
    %dma_start3A_62 = arith.constant 0 : i32
    %dma_start3A_63 = tpu.memref_slice %arg2[%dma_start3A_61, %dma_start3A_62] : memref<10000x128xf32, #tpu.memory_space<hbm>> -> memref<10000x128xf32, #tpu.memory_space<hbm>>
    tpu.enqueue_indirect_dma source(%dma_start3A_63 : memref<10000x128xf32, #tpu.memory_space<hbm>>) target(%arg8 : memref<128x128xf32, #tpu.memory_space<vmem>>) offsets(%dma_start3A_60 : memref<128xi32, #tpu.memory_space<vmem>>) semaphore(%arg11 : memref<!tpu.dma_semaphore, #tpu.memory_space<semaphore_mem>>)
    %dma_start3A_64 = arith.constant 1 : i32
    %dma_start3A_65 = arith.constant 0 : i32
    %dma_start3A_66 = tpu.memref_slice %arg6[%dma_start3A_64, %dma_start3A_65] : memref<40x128xi32, #tpu.memory_space<vmem>> -> memref<1x128xi32, #tpu.memory_space<vmem>>
    %dma_start3A_67 = tpu.memref_squeeze %dma_start3A_66 : memref<1x128xi32, #tpu.memory_space<vmem>> -> memref<128xi32, #tpu.memory_space<vmem>>
    %dma_start3A_68 = arith.constant 0 : i32
    %dma_start3A_69 = arith.constant 0 : i32
    %dma_start3A_70 = tpu.memref_slice %arg2[%dma_start3A_68, %dma_start3A_69] : memref<10000x128xf32, #tpu.memory_space<hbm>> -> memref<10000x128xf32, #tpu.memory_space<hbm>>
    tpu.enqueue_indirect_dma source(%dma_start3A_70 : memref<10000x128xf32, #tpu.memory_space<hbm>>) target(%arg9 : memref<128x128xf32, #tpu.memory_space<vmem>>) offsets(%dma_start3A_67 : memref<128xi32, #tpu.memory_space<vmem>>) semaphore(%arg12 : memref<!tpu.dma_semaphore, #tpu.memory_space<semaphore_mem>>)
    %scan3A_71 = arith.constant 0 : i32
    %scan3A_72 = arith.constant 19 : i32
    %scan3A_73 = arith.addi %scan3A_71, %scan3A_72 : i32
    %scan3A_74 = arith.constant 1 : i32
    scf.for %scan3A_128 = %scan3A_71 to %scan3A_73 step %scan3A_74  : i32 {
      %mul3A_129 = arith.constant 2 : i32
      %mul3A_130 = arith.muli %scan3A_128, %mul3A_129 : i32
      %add3A_131 = arith.constant 0 : i32
      %add3A_132 = arith.addi %mul3A_130, %add3A_131 : i32
      %dma_wait3A_133 = arith.constant 0 : i32
      %dma_wait3A_134 = tpu.memref_slice %arg6[%add3A_132, %dma_wait3A_133] : memref<40x128xi32, #tpu.memory_space<vmem>> -> memref<1x128xi32, #tpu.memory_space<vmem>>
      %dma_wait3A_135 = tpu.memref_squeeze %dma_wait3A_134 : memref<1x128xi32, #tpu.memory_space<vmem>> -> memref<128xi32, #tpu.memory_space<vmem>>
      %dma_wait3A_136 = arith.constant 0 : i32
      %dma_wait3A_137 = arith.constant 0 : i32
      %dma_wait3A_138 = tpu.memref_slice %arg2[%dma_wait3A_136, %dma_wait3A_137] : memref<10000x128xf32, #tpu.memory_space<hbm>> -> memref<10000x128xf32, #tpu.memory_space<hbm>>
      tpu.wait_indirect_dma semaphore(%arg11 : memref<!tpu.dma_semaphore, #tpu.memory_space<semaphore_mem>>) src(%dma_wait3A_138 : memref<10000x128xf32, #tpu.memory_space<hbm>>) dst(%arg8 : memref<128x128xf32, #tpu.memory_space<vmem>>)
      "tpu.region"() ({
        %run_scoped3A_165 = tpu.sem_alloc : memref<!tpu.dma_semaphore, #tpu.memory_space<semaphore_mem>>
        %dma_start3A_166 = arith.constant 0 : i32
        %dma_start3A_167 = tpu.memref_slice %arg7[%add3A_132, %dma_start3A_166] : memref<40x128xi32, #tpu.memory_space<vmem>> -> memref<1x128xi32, #tpu.memory_space<vmem>>
        %dma_start3A_168 = tpu.memref_squeeze %dma_start3A_167 : memref<1x128xi32, #tpu.memory_space<vmem>> -> memref<128xi32, #tpu.memory_space<vmem>>
        %dma_start3A_169 = arith.constant 0 : i32
        %dma_start3A_170 = arith.constant 0 : i32
        %dma_start3A_171 = tpu.memref_slice %arg10[%dma_start3A_169, %dma_start3A_170] : memref<10240x128xf32, #tpu.memory_space<vmem_shared>> -> memref<10240x128xf32, #tpu.memory_space<vmem_shared>>
        tpu.enqueue_indirect_dma source(%arg8 : memref<128x128xf32, #tpu.memory_space<vmem>>) target(%dma_start3A_171 : memref<10240x128xf32, #tpu.memory_space<vmem_shared>>) offsets(%dma_start3A_168 : memref<128xi32, #tpu.memory_space<vmem>>) semaphore(%run_scoped3A_165 : memref<!tpu.dma_semaphore, #tpu.memory_space<semaphore_mem>>) {add = true}
        %dma_wait3A_172 = arith.constant 0 : i32
        %dma_wait3A_173 = tpu.memref_slice %arg7[%add3A_132, %dma_wait3A_172] : memref<40x128xi32, #tpu.memory_space<vmem>> -> memref<1x128xi32, #tpu.memory_space<vmem>>
        %dma_wait3A_174 = tpu.memref_squeeze %dma_wait3A_173 : memref<1x128xi32, #tpu.memory_space<vmem>> -> memref<128xi32, #tpu.memory_space<vmem>>
        %dma_wait3A_175 = arith.constant 0 : i32
        %dma_wait3A_176 = arith.constant 0 : i32
        %dma_wait3A_177 = tpu.memref_slice %arg10[%dma_wait3A_175, %dma_wait3A_176] : memref<10240x128xf32, #tpu.memory_space<vmem_shared>> -> memref<10240x128xf32, #tpu.memory_space<vmem_shared>>
        tpu.wait_indirect_dma semaphore(%run_scoped3A_165 : memref<!tpu.dma_semaphore, #tpu.memory_space<semaphore_mem>>) src(%arg8 : memref<128x128xf32, #tpu.memory_space<vmem>>) dst(%dma_wait3A_177 : memref<10240x128xf32, #tpu.memory_space<vmem_shared>>)
        tpu.yield
      }) : () -> ()
      %add3A_139 = arith.constant 2 : i32
      %add3A_140 = arith.addi %add3A_132, %add3A_139 : i32
      %dma_start3A_141 = arith.constant 0 : i32
      %dma_start3A_142 = tpu.memref_slice %arg6[%add3A_140, %dma_start3A_141] : memref<40x128xi32, #tpu.memory_space<vmem>> -> memref<1x128xi32, #tpu.memory_space<vmem>>
      %dma_start3A_143 = tpu.memref_squeeze %dma_start3A_142 : memref<1x128xi32, #tpu.memory_space<vmem>> -> memref<128xi32, #tpu.memory_space<vmem>>
      %dma_start3A_144 = arith.constant 0 : i32
      %dma_start3A_145 = arith.constant 0 : i32
      %dma_start3A_146 = tpu.memref_slice %arg2[%dma_start3A_144, %dma_start3A_145] : memref<10000x128xf32, #tpu.memory_space<hbm>> -> memref<10000x128xf32, #tpu.memory_space<hbm>>
      tpu.enqueue_indirect_dma source(%dma_start3A_146 : memref<10000x128xf32, #tpu.memory_space<hbm>>) target(%arg8 : memref<128x128xf32, #tpu.memory_space<vmem>>) offsets(%dma_start3A_143 : memref<128xi32, #tpu.memory_space<vmem>>) semaphore(%arg11 : memref<!tpu.dma_semaphore, #tpu.memory_space<semaphore_mem>>)
      %mul3A_147 = arith.constant 2 : i32
      %mul3A_148 = arith.muli %scan3A_128, %mul3A_147 : i32
      %add3A_149 = arith.constant 1 : i32
      %add3A_150 = arith.addi %mul3A_148, %add3A_149 : i32
      %dma_wait3A_151 = arith.constant 0 : i32
      %dma_wait3A_152 = tpu.memref_slice %arg6[%add3A_150, %dma_wait3A_151] : memref<40x128xi32, #tpu.memory_space<vmem>> -> memref<1x128xi32, #tpu.memory_space<vmem>>
      %dma_wait3A_153 = tpu.memref_squeeze %dma_wait3A_152 : memref<1x128xi32, #tpu.memory_space<vmem>> -> memref<128xi32, #tpu.memory_space<vmem>>
      %dma_wait3A_154 = arith.constant 0 : i32
      %dma_wait3A_155 = arith.constant 0 : i32
      %dma_wait3A_156 = tpu.memref_slice %arg2[%dma_wait3A_154, %dma_wait3A_155] : memref<10000x128xf32, #tpu.memory_space<hbm>> -> memref<10000x128xf32, #tpu.memory_space<hbm>>
      tpu.wait_indirect_dma semaphore(%arg12 : memref<!tpu.dma_semaphore, #tpu.memory_space<semaphore_mem>>) src(%dma_wait3A_156 : memref<10000x128xf32, #tpu.memory_space<hbm>>) dst(%arg9 : memref<128x128xf32, #tpu.memory_space<vmem>>)
      "tpu.region"() ({
        %run_scoped3A_165 = tpu.sem_alloc : memref<!tpu.dma_semaphore, #tpu.memory_space<semaphore_mem>>
        %dma_start3A_166 = arith.constant 0 : i32
        %dma_start3A_167 = tpu.memref_slice %arg7[%add3A_150, %dma_start3A_166] : memref<40x128xi32, #tpu.memory_space<vmem>> -> memref<1x128xi32, #tpu.memory_space<vmem>>
        %dma_start3A_168 = tpu.memref_squeeze %dma_start3A_167 : memref<1x128xi32, #tpu.memory_space<vmem>> -> memref<128xi32, #tpu.memory_space<vmem>>
        %dma_start3A_169 = arith.constant 0 : i32
        %dma_start3A_170 = arith.constant 0 : i32
        %dma_start3A_171 = tpu.memref_slice %arg10[%dma_start3A_169, %dma_start3A_170] : memref<10240x128xf32, #tpu.memory_space<vmem_shared>> -> memref<10240x128xf32, #tpu.memory_space<vmem_shared>>
        tpu.enqueue_indirect_dma source(%arg9 : memref<128x128xf32, #tpu.memory_space<vmem>>) target(%dma_start3A_171 : memref<10240x128xf32, #tpu.memory_space<vmem_shared>>) offsets(%dma_start3A_168 : memref<128xi32, #tpu.memory_space<vmem>>) semaphore(%run_scoped3A_165 : memref<!tpu.dma_semaphore, #tpu.memory_space<semaphore_mem>>) {add = true}
        %dma_wait3A_172 = arith.constant 0 : i32
        %dma_wait3A_173 = tpu.memref_slice %arg7[%add3A_150, %dma_wait3A_172] : memref<40x128xi32, #tpu.memory_space<vmem>> -> memref<1x128xi32, #tpu.memory_space<vmem>>
        %dma_wait3A_174 = tpu.memref_squeeze %dma_wait3A_173 : memref<1x128xi32, #tpu.memory_space<vmem>> -> memref<128xi32, #tpu.memory_space<vmem>>
        %dma_wait3A_175 = arith.constant 0 : i32
        %dma_wait3A_176 = arith.constant 0 : i32
        %dma_wait3A_177 = tpu.memref_slice %arg10[%dma_wait3A_175, %dma_wait3A_176] : memref<10240x128xf32, #tpu.memory_space<vmem_shared>> -> memref<10240x128xf32, #tpu.memory_space<vmem_shared>>
        tpu.wait_indirect_dma semaphore(%run_scoped3A_165 : memref<!tpu.dma_semaphore, #tpu.memory_space<semaphore_mem>>) src(%arg9 : memref<128x128xf32, #tpu.memory_space<vmem>>) dst(%dma_wait3A_177 : memref<10240x128xf32, #tpu.memory_space<vmem_shared>>)
        tpu.yield
      }) : () -> ()
      %add3A_157 = arith.constant 2 : i32
      %add3A_158 = arith.addi %add3A_150, %add3A_157 : i32
      %dma_start3A_159 = arith.constant 0 : i32
      %dma_start3A_160 = tpu.memref_slice %arg6[%add3A_158, %dma_start3A_159] : memref<40x128xi32, #tpu.memory_space<vmem>> -> memref<1x128xi32, #tpu.memory_space<vmem>>
      %dma_start3A_161 = tpu.memref_squeeze %dma_start3A_160 : memref<1x128xi32, #tpu.memory_space<vmem>> -> memref<128xi32, #tpu.memory_space<vmem>>
      %dma_start3A_162 = arith.constant 0 : i32
      %dma_start3A_163 = arith.constant 0 : i32
      %dma_start3A_164 = tpu.memref_slice %arg2[%dma_start3A_162, %dma_start3A_163] : memref<10000x128xf32, #tpu.memory_space<hbm>> -> memref<10000x128xf32, #tpu.memory_space<hbm>>
      tpu.enqueue_indirect_dma source(%dma_start3A_164 : memref<10000x128xf32, #tpu.memory_space<hbm>>) target(%arg9 : memref<128x128xf32, #tpu.memory_space<vmem>>) offsets(%dma_start3A_161 : memref<128xi32, #tpu.memory_space<vmem>>) semaphore(%arg12 : memref<!tpu.dma_semaphore, #tpu.memory_space<semaphore_mem>>)
    }
    %scan3A_75 = arith.constant 19 : i32
    %dma_wait3A_76 = arith.constant 38 : i32
    %dma_wait3A_77 = arith.constant 0 : i32
    %dma_wait3A_78 = tpu.memref_slice %arg6[%dma_wait3A_76, %dma_wait3A_77] : memref<40x128xi32, #tpu.memory_space<vmem>> -> memref<1x128xi32, #tpu.memory_space<vmem>>
    %dma_wait3A_79 = tpu.memref_squeeze %dma_wait3A_78 : memref<1x128xi32, #tpu.memory_space<vmem>> -> memref<128xi32, #tpu.memory_space<vmem>>
    %dma_wait3A_80 = arith.constant 0 : i32
    %dma_wait3A_81 = arith.constant 0 : i32
    %dma_wait3A_82 = tpu.memref_slice %arg2[%dma_wait3A_80, %dma_wait3A_81] : memref<10000x128xf32, #tpu.memory_space<hbm>> -> memref<10000x128xf32, #tpu.memory_space<hbm>>
    tpu.wait_indirect_dma semaphore(%arg11 : memref<!tpu.dma_semaphore, #tpu.memory_space<semaphore_mem>>) src(%dma_wait3A_82 : memref<10000x128xf32, #tpu.memory_space<hbm>>) dst(%arg8 : memref<128x128xf32, #tpu.memory_space<vmem>>)
    %run_scoped3A_83 = arith.constant 38 : i32
    "tpu.region"() ({
      %run_scoped3A_128 = tpu.sem_alloc : memref<!tpu.dma_semaphore, #tpu.memory_space<semaphore_mem>>
      %dma_start3A_129 = arith.constant 0 : i32
      %dma_start3A_130 = tpu.memref_slice %arg7[%run_scoped3A_83, %dma_start3A_129] : memref<40x128xi32, #tpu.memory_space<vmem>> -> memref<1x128xi32, #tpu.memory_space<vmem>>
      %dma_start3A_131 = tpu.memref_squeeze %dma_start3A_130 : memref<1x128xi32, #tpu.memory_space<vmem>> -> memref<128xi32, #tpu.memory_space<vmem>>
      %dma_start3A_132 = arith.constant 0 : i32
      %dma_start3A_133 = arith.constant 0 : i32
      %dma_start3A_134 = tpu.memref_slice %arg10[%dma_start3A_132, %dma_start3A_133] : memref<10240x128xf32, #tpu.memory_space<vmem_shared>> -> memref<10240x128xf32, #tpu.memory_space<vmem_shared>>
      tpu.enqueue_indirect_dma source(%arg8 : memref<128x128xf32, #tpu.memory_space<vmem>>) target(%dma_start3A_134 : memref<10240x128xf32, #tpu.memory_space<vmem_shared>>) offsets(%dma_start3A_131 : memref<128xi32, #tpu.memory_space<vmem>>) semaphore(%run_scoped3A_128 : memref<!tpu.dma_semaphore, #tpu.memory_space<semaphore_mem>>) {add = true}
      %dma_wait3A_135 = arith.constant 0 : i32
      %dma_wait3A_136 = tpu.memref_slice %arg7[%run_scoped3A_83, %dma_wait3A_135] : memref<40x128xi32, #tpu.memory_space<vmem>> -> memref<1x128xi32, #tpu.memory_space<vmem>>
      %dma_wait3A_137 = tpu.memref_squeeze %dma_wait3A_136 : memref<1x128xi32, #tpu.memory_space<vmem>> -> memref<128xi32, #tpu.memory_space<vmem>>
      %dma_wait3A_138 = arith.constant 0 : i32
      %dma_wait3A_139 = arith.constant 0 : i32
      %dma_wait3A_140 = tpu.memref_slice %arg10[%dma_wait3A_138, %dma_wait3A_139] : memref<10240x128xf32, #tpu.memory_space<vmem_shared>> -> memref<10240x128xf32, #tpu.memory_space<vmem_shared>>
      tpu.wait_indirect_dma semaphore(%run_scoped3A_128 : memref<!tpu.dma_semaphore, #tpu.memory_space<semaphore_mem>>) src(%arg8 : memref<128x128xf32, #tpu.memory_space<vmem>>) dst(%dma_wait3A_140 : memref<10240x128xf32, #tpu.memory_space<vmem_shared>>)
      tpu.yield
    }) : () -> ()
    %dma_wait3A_84 = arith.constant 39 : i32
    %dma_wait3A_85 = arith.constant 0 : i32
    %dma_wait3A_86 = tpu.memref_slice %arg6[%dma_wait3A_84, %dma_wait3A_85] : memref<40x128xi32, #tpu.memory_space<vmem>> -> memref<1x128xi32, #tpu.memory_space<vmem>>
    %dma_wait3A_87 = tpu.memref_squeeze %dma_wait3A_86 : memref<1x128xi32, #tpu.memory_space<vmem>> -> memref<128xi32, #tpu.memory_space<vmem>>
    %dma_wait3A_88 = arith.constant 0 : i32
    %dma_wait3A_89 = arith.constant 0 : i32
    %dma_wait3A_90 = tpu.memref_slice %arg2[%dma_wait3A_88, %dma_wait3A_89] : memref<10000x128xf32, #tpu.memory_space<hbm>> -> memref<10000x128xf32, #tpu.memory_space<hbm>>
    tpu.wait_indirect_dma semaphore(%arg12 : memref<!tpu.dma_semaphore, #tpu.memory_space<semaphore_mem>>) src(%dma_wait3A_90 : memref<10000x128xf32, #tpu.memory_space<hbm>>) dst(%arg9 : memref<128x128xf32, #tpu.memory_space<vmem>>)
    %run_scoped3A_91 = arith.constant 39 : i32
    "tpu.region"() ({
      %run_scoped3A_128 = tpu.sem_alloc : memref<!tpu.dma_semaphore, #tpu.memory_space<semaphore_mem>>
      %dma_start3A_129 = arith.constant 0 : i32
      %dma_start3A_130 = tpu.memref_slice %arg7[%run_scoped3A_91, %dma_start3A_129] : memref<40x128xi32, #tpu.memory_space<vmem>> -> memref<1x128xi32, #tpu.memory_space<vmem>>
      %dma_start3A_131 = tpu.memref_squeeze %dma_start3A_130 : memref<1x128xi32, #tpu.memory_space<vmem>> -> memref<128xi32, #tpu.memory_space<vmem>>
      %dma_start3A_132 = arith.constant 0 : i32
      %dma_start3A_133 = arith.constant 0 : i32
      %dma_start3A_134 = tpu.memref_slice %arg10[%dma_start3A_132, %dma_start3A_133] : memref<10240x128xf32, #tpu.memory_space<vmem_shared>> -> memref<10240x128xf32, #tpu.memory_space<vmem_shared>>
      tpu.enqueue_indirect_dma source(%arg9 : memref<128x128xf32, #tpu.memory_space<vmem>>) target(%dma_start3A_134 : memref<10240x128xf32, #tpu.memory_space<vmem_shared>>) offsets(%dma_start3A_131 : memref<128xi32, #tpu.memory_space<vmem>>) semaphore(%run_scoped3A_128 : memref<!tpu.dma_semaphore, #tpu.memory_space<semaphore_mem>>) {add = true}
      %dma_wait3A_135 = arith.constant 0 : i32
      %dma_wait3A_136 = tpu.memref_slice %arg7[%run_scoped3A_91, %dma_wait3A_135] : memref<40x128xi32, #tpu.memory_space<vmem>> -> memref<1x128xi32, #tpu.memory_space<vmem>>
      %dma_wait3A_137 = tpu.memref_squeeze %dma_wait3A_136 : memref<1x128xi32, #tpu.memory_space<vmem>> -> memref<128xi32, #tpu.memory_space<vmem>>
      %dma_wait3A_138 = arith.constant 0 : i32
      %dma_wait3A_139 = arith.constant 0 : i32
      %dma_wait3A_140 = tpu.memref_slice %arg10[%dma_wait3A_138, %dma_wait3A_139] : memref<10240x128xf32, #tpu.memory_space<vmem_shared>> -> memref<10240x128xf32, #tpu.memory_space<vmem_shared>>
      tpu.wait_indirect_dma semaphore(%run_scoped3A_128 : memref<!tpu.dma_semaphore, #tpu.memory_space<semaphore_mem>>) src(%arg9 : memref<128x128xf32, #tpu.memory_space<vmem>>) dst(%dma_wait3A_140 : memref<10240x128xf32, #tpu.memory_space<vmem_shared>>)
      tpu.yield
    }) : () -> ()
    %barrier3A_92 = arith.constant 0 : index
    tpu.barrier barrier_id(%barrier3A_92)
    %mul3A_93 = arith.constant 640 : i32
    %mul3A_94 = arith.muli %arg1, %mul3A_93 : i32
    %add3A_95 = arith.constant 0 : i32
    %add3A_96 = arith.addi %mul3A_94, %add3A_95 : i32
    %mul3A_97 = arith.constant 10240 : i32
    %mul3A_98 = arith.muli %arg0, %mul3A_97 : i32
    %add3A_99 = arith.addi %mul3A_98, %add3A_96 : i32
    "tpu.region"() ({
      %run_scoped3A_128 = tpu.sem_alloc : memref<!tpu.dma_semaphore, #tpu.memory_space<semaphore_mem>>
      %dma_start3A_129 = arith.constant 0 : i32
      %dma_start3A_130 = tpu.memref_slice %arg5[%add3A_99, %dma_start3A_129] : memref<20480x128xf32, #tpu.memory_space<hbm>> -> memref<128x128xf32, #tpu.memory_space<hbm>>
      %dma_start3A_131 = arith.constant 0 : i32
      %dma_start3A_132 = tpu.memref_slice %arg10[%add3A_96, %dma_start3A_131] : memref<10240x128xf32, #tpu.memory_space<vmem_shared>> -> memref<128x128xf32, #tpu.memory_space<vmem_shared>>
      tpu.enqueue_dma source(%dma_start3A_132 : memref<128x128xf32, #tpu.memory_space<vmem_shared>>) target(%dma_start3A_130 : memref<128x128xf32, #tpu.memory_space<hbm>>) target_semaphore(%run_scoped3A_128 : memref<!tpu.dma_semaphore, #tpu.memory_space<semaphore_mem>>)
      %dma_wait3A_133 = arith.constant 0 : i32
      %dma_wait3A_134 = tpu.memref_slice %arg5[%add3A_99, %dma_wait3A_133] : memref<20480x128xf32, #tpu.memory_space<hbm>> -> memref<128x128xf32, #tpu.memory_space<hbm>>
      %dma_wait3A_135 = arith.constant 0 : i32
      %dma_wait3A_136 = tpu.memref_slice %arg10[%add3A_96, %dma_wait3A_135] : memref<10240x128xf32, #tpu.memory_space<vmem_shared>> -> memref<128x128xf32, #tpu.memory_space<vmem_shared>>
      tpu.wait_dma2 semaphore(%run_scoped3A_128 : memref<!tpu.dma_semaphore, #tpu.memory_space<semaphore_mem>>) src(%dma_wait3A_136 : memref<128x128xf32, #tpu.memory_space<vmem_shared>>) dst(%dma_wait3A_134 : memref<128x128xf32, #tpu.memory_space<hbm>>)
      tpu.yield
    }) : () -> ()
    %mul3A_100 = arith.constant 640 : i32
    %mul3A_101 = arith.muli %arg1, %mul3A_100 : i32
    %add3A_102 = arith.constant 128 : i32
    %add3A_103 = arith.addi %mul3A_101, %add3A_102 : i32
    %mul3A_104 = arith.constant 10240 : i32
    %mul3A_105 = arith.muli %arg0, %mul3A_104 : i32
    %add3A_106 = arith.addi %mul3A_105, %add3A_103 : i32
    "tpu.region"() ({
      %run_scoped3A_128 = tpu.sem_alloc : memref<!tpu.dma_semaphore, #tpu.memory_space<semaphore_mem>>
      %dma_start3A_129 = arith.constant 0 : i32
      %dma_start3A_130 = tpu.memref_slice %arg5[%add3A_106, %dma_start3A_129] : memref<20480x128xf32, #tpu.memory_space<hbm>> -> memref<128x128xf32, #tpu.memory_space<hbm>>
      %dma_start3A_131 = arith.constant 0 : i32
      %dma_start3A_132 = tpu.memref_slice %arg10[%add3A_103, %dma_start3A_131] : memref<10240x128xf32, #tpu.memory_space<vmem_shared>> -> memref<128x128xf32, #tpu.memory_space<vmem_shared>>
      tpu.enqueue_dma source(%dma_start3A_132 : memref<128x128xf32, #tpu.memory_space<vmem_shared>>) target(%dma_start3A_130 : memref<128x128xf32, #tpu.memory_space<hbm>>) target_semaphore(%run_scoped3A_128 : memref<!tpu.dma_semaphore, #tpu.memory_space<semaphore_mem>>)
      %dma_wait3A_133 = arith.constant 0 : i32
      %dma_wait3A_134 = tpu.memref_slice %arg5[%add3A_106, %dma_wait3A_133] : memref<20480x128xf32, #tpu.memory_space<hbm>> -> memref<128x128xf32, #tpu.memory_space<hbm>>
      %dma_wait3A_135 = arith.constant 0 : i32
      %dma_wait3A_136 = tpu.memref_slice %arg10[%add3A_103, %dma_wait3A_135] : memref<10240x128xf32, #tpu.memory_space<vmem_shared>> -> memref<128x128xf32, #tpu.memory_space<vmem_shared>>
      tpu.wait_dma2 semaphore(%run_scoped3A_128 : memref<!tpu.dma_semaphore, #tpu.memory_space<semaphore_mem>>) src(%dma_wait3A_136 : memref<128x128xf32, #tpu.memory_space<vmem_shared>>) dst(%dma_wait3A_134 : memref<128x128xf32, #tpu.memory_space<hbm>>)
      tpu.yield
    }) : () -> ()
    %mul3A_107 = arith.constant 640 : i32
    %mul3A_108 = arith.muli %arg1, %mul3A_107 : i32
    %add3A_109 = arith.constant 256 : i32
    %add3A_110 = arith.addi %mul3A_108, %add3A_109 : i32
    %mul3A_111 = arith.constant 10240 : i32
    %mul3A_112 = arith.muli %arg0, %mul3A_111 : i32
    %add3A_113 = arith.addi %mul3A_112, %add3A_110 : i32
    "tpu.region"() ({
      %run_scoped3A_128 = tpu.sem_alloc : memref<!tpu.dma_semaphore, #tpu.memory_space<semaphore_mem>>
      %dma_start3A_129 = arith.constant 0 : i32
      %dma_start3A_130 = tpu.memref_slice %arg5[%add3A_113, %dma_start3A_129] : memref<20480x128xf32, #tpu.memory_space<hbm>> -> memref<128x128xf32, #tpu.memory_space<hbm>>
      %dma_start3A_131 = arith.constant 0 : i32
      %dma_start3A_132 = tpu.memref_slice %arg10[%add3A_110, %dma_start3A_131] : memref<10240x128xf32, #tpu.memory_space<vmem_shared>> -> memref<128x128xf32, #tpu.memory_space<vmem_shared>>
      tpu.enqueue_dma source(%dma_start3A_132 : memref<128x128xf32, #tpu.memory_space<vmem_shared>>) target(%dma_start3A_130 : memref<128x128xf32, #tpu.memory_space<hbm>>) target_semaphore(%run_scoped3A_128 : memref<!tpu.dma_semaphore, #tpu.memory_space<semaphore_mem>>)
      %dma_wait3A_133 = arith.constant 0 : i32
      %dma_wait3A_134 = tpu.memref_slice %arg5[%add3A_113, %dma_wait3A_133] : memref<20480x128xf32, #tpu.memory_space<hbm>> -> memref<128x128xf32, #tpu.memory_space<hbm>>
      %dma_wait3A_135 = arith.constant 0 : i32
      %dma_wait3A_136 = tpu.memref_slice %arg10[%add3A_110, %dma_wait3A_135] : memref<10240x128xf32, #tpu.memory_space<vmem_shared>> -> memref<128x128xf32, #tpu.memory_space<vmem_shared>>
      tpu.wait_dma2 semaphore(%run_scoped3A_128 : memref<!tpu.dma_semaphore, #tpu.memory_space<semaphore_mem>>) src(%dma_wait3A_136 : memref<128x128xf32, #tpu.memory_space<vmem_shared>>) dst(%dma_wait3A_134 : memref<128x128xf32, #tpu.memory_space<hbm>>)
      tpu.yield
    }) : () -> ()
    %mul3A_114 = arith.constant 640 : i32
    %mul3A_115 = arith.muli %arg1, %mul3A_114 : i32
    %add3A_116 = arith.constant 384 : i32
    %add3A_117 = arith.addi %mul3A_115, %add3A_116 : i32
    %mul3A_118 = arith.constant 10240 : i32
    %mul3A_119 = arith.muli %arg0, %mul3A_118 : i32
    %add3A_120 = arith.addi %mul3A_119, %add3A_117 : i32
    "tpu.region"() ({
      %run_scoped3A_128 = tpu.sem_alloc : memref<!tpu.dma_semaphore, #tpu.memory_space<semaphore_mem>>
      %dma_start3A_129 = arith.constant 0 : i32
      %dma_start3A_130 = tpu.memref_slice %arg5[%add3A_120, %dma_start3A_129] : memref<20480x128xf32, #tpu.memory_space<hbm>> -> memref<128x128xf32, #tpu.memory_space<hbm>>
      %dma_start3A_131 = arith.constant 0 : i32
      %dma_start3A_132 = tpu.memref_slice %arg10[%add3A_117, %dma_start3A_131] : memref<10240x128xf32, #tpu.memory_space<vmem_shared>> -> memref<128x128xf32, #tpu.memory_space<vmem_shared>>
      tpu.enqueue_dma source(%dma_start3A_132 : memref<128x128xf32, #tpu.memory_space<vmem_shared>>) target(%dma_start3A_130 : memref<128x128xf32, #tpu.memory_space<hbm>>) target_semaphore(%run_scoped3A_128 : memref<!tpu.dma_semaphore, #tpu.memory_space<semaphore_mem>>)
      %dma_wait3A_133 = arith.constant 0 : i32
      %dma_wait3A_134 = tpu.memref_slice %arg5[%add3A_120, %dma_wait3A_133] : memref<20480x128xf32, #tpu.memory_space<hbm>> -> memref<128x128xf32, #tpu.memory_space<hbm>>
      %dma_wait3A_135 = arith.constant 0 : i32
      %dma_wait3A_136 = tpu.memref_slice %arg10[%add3A_117, %dma_wait3A_135] : memref<10240x128xf32, #tpu.memory_space<vmem_shared>> -> memref<128x128xf32, #tpu.memory_space<vmem_shared>>
      tpu.wait_dma2 semaphore(%run_scoped3A_128 : memref<!tpu.dma_semaphore, #tpu.memory_space<semaphore_mem>>) src(%dma_wait3A_136 : memref<128x128xf32, #tpu.memory_space<vmem_shared>>) dst(%dma_wait3A_134 : memref<128x128xf32, #tpu.memory_space<hbm>>)
      tpu.yield
    }) : () -> ()
    %mul3A_121 = arith.constant 640 : i32
    %mul3A_122 = arith.muli %arg1, %mul3A_121 : i32
    %add3A_123 = arith.constant 512 : i32
    %add3A_124 = arith.addi %mul3A_122, %add3A_123 : i32
    %mul3A_125 = arith.constant 10240 : i32
    %mul3A_126 = arith.muli %arg0, %mul3A_125 : i32
    %add3A_127 = arith.addi %mul3A_126, %add3A_124 : i32
    "tpu.region"() ({
      %run_scoped3A_128 = tpu.sem_alloc : memref<!tpu.dma_semaphore, #tpu.memory_space<semaphore_mem>>
      %dma_start3A_129 = arith.constant 0 : i32
      %dma_start3A_130 = tpu.memref_slice %arg5[%add3A_127, %dma_start3A_129] : memref<20480x128xf32, #tpu.memory_space<hbm>> -> memref<128x128xf32, #tpu.memory_space<hbm>>
      %dma_start3A_131 = arith.constant 0 : i32
      %dma_start3A_132 = tpu.memref_slice %arg10[%add3A_124, %dma_start3A_131] : memref<10240x128xf32, #tpu.memory_space<vmem_shared>> -> memref<128x128xf32, #tpu.memory_space<vmem_shared>>
      tpu.enqueue_dma source(%dma_start3A_132 : memref<128x128xf32, #tpu.memory_space<vmem_shared>>) target(%dma_start3A_130 : memref<128x128xf32, #tpu.memory_space<hbm>>) target_semaphore(%run_scoped3A_128 : memref<!tpu.dma_semaphore, #tpu.memory_space<semaphore_mem>>)
      %dma_wait3A_133 = arith.constant 0 : i32
      %dma_wait3A_134 = tpu.memref_slice %arg5[%add3A_127, %dma_wait3A_133] : memref<20480x128xf32, #tpu.memory_space<hbm>> -> memref<128x128xf32, #tpu.memory_space<hbm>>
      %dma_wait3A_135 = arith.constant 0 : i32
      %dma_wait3A_136 = tpu.memref_slice %arg10[%add3A_124, %dma_wait3A_135] : memref<10240x128xf32, #tpu.memory_space<vmem_shared>> -> memref<128x128xf32, #tpu.memory_space<vmem_shared>>
      tpu.wait_dma2 semaphore(%run_scoped3A_128 : memref<!tpu.dma_semaphore, #tpu.memory_space<semaphore_mem>>) src(%dma_wait3A_136 : memref<128x128xf32, #tpu.memory_space<vmem_shared>>) dst(%dma_wait3A_134 : memref<128x128xf32, #tpu.memory_space<hbm>>)
      tpu.yield
    }) : () -> ()
    return
  }
}

#map = affine_map<(d0, d1) -> (0, 0)>
#map1 = affine_map<(d0, d1) -> (0, 0, 0)>
module attributes {stable_mosaic.version = 14 : i64} {
  func.func @_sc_scatter(%arg0: i32, %arg1: i32, %arg2: memref<10000x128xf32, #tpu.memory_space<hbm>>, %arg3: memref<32x80x128xi32, #tpu.memory_space<hbm>>, %arg4: memref<32x80x128xi32, #tpu.memory_space<hbm>>, %arg5: memref<20480x128xf32, #tpu.memory_space<hbm>>, %arg6: memref<40x128xi32, #tpu.memory_space<vmem>>, %arg7: memref<40x128xi32, #tpu.memory_space<vmem>>, %arg8: memref<128x128xf32, #tpu.memory_space<vmem>>, %arg9: memref<128x128xf32, #tpu.memory_space<vmem>>, %arg10: memref<10240x128xf32, #tpu.memory_space<vmem_shared>>, %arg11: memref<!tpu.dma_semaphore, #tpu.memory_space<semaphore_mem>>, %arg12: memref<!tpu.dma_semaphore, #tpu.memory_space<semaphore_mem>>) attributes {dimension_semantics = [#tpu.dimension_semantics<core_parallel>, #tpu.dimension_semantics<subcore_parallel>], iteration_bounds = array<i64: 2, 16>, scalar_prefetch = 0 : i64, scratch_operands = 7 : i64, tpu.core_type = #tpu.core_type<sc_vector_subcore>, window_params = [{transform_indices = #map}, {transform_indices = #map1}, {transform_indices = #map1}, {transform_indices = #map}]} {
    %mul3A = arith.constant 16 : i32
    %mul3A_0 = arith.muli %arg0, %mul3A : i32
    %add3A = arith.addi %mul3A_0, %arg1 : i32
    %scan3A = arith.constant 0 : i32
    %scan3A_1 = arith.constant 128 : i32
    %scan3A_2 = arith.addi %scan3A, %scan3A_1 : i32
    %scan3A_3 = arith.constant 1 : i32
    scf.for %scan3A_128 = %scan3A to %scan3A_2 step %scan3A_3  : i32 {
      %broadcast_in_dim3A = arith.constant 0.000000e+00 : f32
      %broadcast_in_dim3A_129 = vector.broadcast %broadcast_in_dim3A : f32 to vector<16xf32>
      %swap3A = arith.index_cast %scan3A_128 : i32 to index
      %swap3A_130 = arith.constant 0 : index
      %swap3A_131 = tpu.vector_load %arg8[%swap3A, %swap3A_130] {strides = array<i32>} : memref<128x128xf32, #tpu.memory_space<vmem>>, vector<1x16xf32>,
      %swap3A_132 = vector.shape_cast %swap3A_131 : vector<1x16xf32> to vector<16xf32>
      %swap3A_133 = vector.shape_cast %broadcast_in_dim3A_129 : vector<16xf32> to vector<1x16xf32>
      tpu.vector_store %arg8[%swap3A, %swap3A_130], %swap3A_133 {strides = array<i32>} : memref<128x128xf32, #tpu.memory_space<vmem>>, vector<1x16xf32>,
      %broadcast_in_dim3A_134 = arith.constant 0.000000e+00 : f32
      %broadcast_in_dim3A_135 = vector.broadcast %broadcast_in_dim3A_134 : f32 to vector<16xf32>
      %swap3A_136 = arith.index_cast %scan3A_128 : i32 to index
      %swap3A_137 = arith.constant 16 : index
      %swap3A_138 = tpu.vector_load %arg8[%swap3A_136, %swap3A_137] {strides = array<i32>} : memref<128x128xf32, #tpu.memory_space<vmem>>, vector<1x16xf32>,
      %swap3A_139 = vector.shape_cast %swap3A_138 : vector<1x16xf32> to vector<16xf32>
      %swap3A_140 = vector.shape_cast %broadcast_in_dim3A_135 : vector<16xf32> to vector<1x16xf32>
      tpu.vector_store %arg8[%swap3A_136, %swap3A_137], %swap3A_140 {strides = array<i32>} : memref<128x128xf32, #tpu.memory_space<vmem>>, vector<1x16xf32>,
      %broadcast_in_dim3A_141 = arith.constant 0.000000e+00 : f32
      %broadcast_in_dim3A_142 = vector.broadcast %broadcast_in_dim3A_141 : f32 to vector<16xf32>
      %swap3A_143 = arith.index_cast %scan3A_128 : i32 to index
      %swap3A_144 = arith.constant 32 : index
      %swap3A_145 = tpu.vector_load %arg8[%swap3A_143, %swap3A_144] {strides = array<i32>} : memref<128x128xf32, #tpu.memory_space<vmem>>, vector<1x16xf32>,
      %swap3A_146 = vector.shape_cast %swap3A_145 : vector<1x16xf32> to vector<16xf32>
      %swap3A_147 = vector.shape_cast %broadcast_in_dim3A_142 : vector<16xf32> to vector<1x16xf32>
      tpu.vector_store %arg8[%swap3A_143, %swap3A_144], %swap3A_147 {strides = array<i32>} : memref<128x128xf32, #tpu.memory_space<vmem>>, vector<1x16xf32>,
      %broadcast_in_dim3A_148 = arith.constant 0.000000e+00 : f32
      %broadcast_in_dim3A_149 = vector.broadcast %broadcast_in_dim3A_148 : f32 to vector<16xf32>
      %swap3A_150 = arith.index_cast %scan3A_128 : i32 to index
      %swap3A_151 = arith.constant 48 : index
      %swap3A_152 = tpu.vector_load %arg8[%swap3A_150, %swap3A_151] {strides = array<i32>} : memref<128x128xf32, #tpu.memory_space<vmem>>, vector<1x16xf32>,
      %swap3A_153 = vector.shape_cast %swap3A_152 : vector<1x16xf32> to vector<16xf32>
      %swap3A_154 = vector.shape_cast %broadcast_in_dim3A_149 : vector<16xf32> to vector<1x16xf32>
      tpu.vector_store %arg8[%swap3A_150, %swap3A_151], %swap3A_154 {strides = array<i32>} : memref<128x128xf32, #tpu.memory_space<vmem>>, vector<1x16xf32>,
      %broadcast_in_dim3A_155 = arith.constant 0.000000e+00 : f32
      %broadcast_in_dim3A_156 = vector.broadcast %broadcast_in_dim3A_155 : f32 to vector<16xf32>
      %swap3A_157 = arith.index_cast %scan3A_128 : i32 to index
      %swap3A_158 = arith.constant 64 : index
      %swap3A_159 = tpu.vector_load %arg8[%swap3A_157, %swap3A_158] {strides = array<i32>} : memref<128x128xf32, #tpu.memory_space<vmem>>, vector<1x16xf32>,
      %swap3A_160 = vector.shape_cast %swap3A_159 : vector<1x16xf32> to vector<16xf32>
      %swap3A_161 = vector.shape_cast %broadcast_in_dim3A_156 : vector<16xf32> to vector<1x16xf32>
      tpu.vector_store %arg8[%swap3A_157, %swap3A_158], %swap3A_161 {strides = array<i32>} : memref<128x128xf32, #tpu.memory_space<vmem>>, vector<1x16xf32>,
      %broadcast_in_dim3A_162 = arith.constant 0.000000e+00 : f32
      %broadcast_in_dim3A_163 = vector.broadcast %broadcast_in_dim3A_162 : f32 to vector<16xf32>
      %swap3A_164 = arith.index_cast %scan3A_128 : i32 to index
      %swap3A_165 = arith.constant 80 : index
      %swap3A_166 = tpu.vector_load %arg8[%swap3A_164, %swap3A_165] {strides = array<i32>} : memref<128x128xf32, #tpu.memory_space<vmem>>, vector<1x16xf32>,
      %swap3A_167 = vector.shape_cast %swap3A_166 : vector<1x16xf32> to vector<16xf32>
      %swap3A_168 = vector.shape_cast %broadcast_in_dim3A_163 : vector<16xf32> to vector<1x16xf32>
      tpu.vector_store %arg8[%swap3A_164, %swap3A_165], %swap3A_168 {strides = array<i32>} : memref<128x128xf32, #tpu.memory_space<vmem>>, vector<1x16xf32>,
      %broadcast_in_dim3A_169 = arith.constant 0.000000e+00 : f32
      %broadcast_in_dim3A_170 = vector.broadcast %broadcast_in_dim3A_169 : f32 to vector<16xf32>
      %swap3A_171 = arith.index_cast %scan3A_128 : i32 to index
      %swap3A_172 = arith.constant 96 : index
      %swap3A_173 = tpu.vector_load %arg8[%swap3A_171, %swap3A_172] {strides = array<i32>} : memref<128x128xf32, #tpu.memory_space<vmem>>, vector<1x16xf32>,
      %swap3A_174 = vector.shape_cast %swap3A_173 : vector<1x16xf32> to vector<16xf32>
      %swap3A_175 = vector.shape_cast %broadcast_in_dim3A_170 : vector<16xf32> to vector<1x16xf32>
      tpu.vector_store %arg8[%swap3A_171, %swap3A_172], %swap3A_175 {strides = array<i32>} : memref<128x128xf32, #tpu.memory_space<vmem>>, vector<1x16xf32>,
      %broadcast_in_dim3A_176 = arith.constant 0.000000e+00 : f32
      %broadcast_in_dim3A_177 = vector.broadcast %broadcast_in_dim3A_176 : f32 to vector<16xf32>
      %swap3A_178 = arith.index_cast %scan3A_128 : i32 to index
      %swap3A_179 = arith.constant 112 : index
      %swap3A_180 = tpu.vector_load %arg8[%swap3A_178, %swap3A_179] {strides = array<i32>} : memref<128x128xf32, #tpu.memory_space<vmem>>, vector<1x16xf32>,
      %swap3A_181 = vector.shape_cast %swap3A_180 : vector<1x16xf32> to vector<16xf32>
      %swap3A_182 = vector.shape_cast %broadcast_in_dim3A_177 : vector<16xf32> to vector<1x16xf32>
      tpu.vector_store %arg8[%swap3A_178, %swap3A_179], %swap3A_182 {strides = array<i32>} : memref<128x128xf32, #tpu.memory_space<vmem>>, vector<1x16xf32>,
    }
    %scan3A_4 = arith.constant 128 : i32
    %mul3A_5 = arith.constant 640 : i32
    %mul3A_6 = arith.muli %arg1, %mul3A_5 : i32
    %add3A_7 = arith.constant 0 : i32
    %add3A_8 = arith.addi %mul3A_6, %add3A_7 : i32
    "tpu.region"() ({
      %run_scoped3A_128 = tpu.sem_alloc : memref<!tpu.dma_semaphore, #tpu.memory_space<semaphore_mem>>
      %dma_start3A_129 = arith.constant 0 : i32
      %dma_start3A_130 = tpu.memref_slice %arg10[%add3A_8, %dma_start3A_129] : memref<10240x128xf32, #tpu.memory_space<vmem_shared>> -> memref<128x128xf32, #tpu.memory_space<vmem_shared>>
      %dma_start3A_131 = arith.constant 0 : i32
      %dma_start3A_132 = tpu.memref_slice %arg10[%add3A_8, %dma_start3A_131] : memref<10240x128xf32, #tpu.memory_space<vmem_shared>> -> memref<128x128xf32, #tpu.memory_space<vmem_shared>>
      tpu.enqueue_dma source(%arg8 : memref<128x128xf32, #tpu.memory_space<vmem>>) target(%dma_start3A_132 : memref<128x128xf32, #tpu.memory_space<vmem_shared>>) target_semaphore(%run_scoped3A_128 : memref<!tpu.dma_semaphore, #tpu.memory_space<semaphore_mem>>)
      %dma_wait3A_133 = arith.constant 0 : i32
      %dma_wait3A_134 = tpu.memref_slice %arg10[%add3A_8, %dma_wait3A_133] : memref<10240x128xf32, #tpu.memory_space<vmem_shared>> -> memref<128x128xf32, #tpu.memory_space<vmem_shared>>
      %dma_wait3A_135 = arith.constant 0 : i32
      %dma_wait3A_136 = tpu.memref_slice %arg10[%add3A_8, %dma_wait3A_135] : memref<10240x128xf32, #tpu.memory_space<vmem_shared>> -> memref<128x128xf32, #tpu.memory_space<vmem_shared>>
      tpu.wait_dma2 semaphore(%run_scoped3A_128 : memref<!tpu.dma_semaphore, #tpu.memory_space<semaphore_mem>>) src(%arg8 : memref<128x128xf32, #tpu.memory_space<vmem>>) dst(%dma_wait3A_136 : memref<128x128xf32, #tpu.memory_space<vmem_shared>>)
      tpu.yield
    }) : () -> ()
    %mul3A_9 = arith.constant 640 : i32
    %mul3A_10 = arith.muli %arg1, %mul3A_9 : i32
    %add3A_11 = arith.constant 128 : i32
    %add3A_12 = arith.addi %mul3A_10, %add3A_11 : i32
    "tpu.region"() ({
      %run_scoped3A_128 = tpu.sem_alloc : memref<!tpu.dma_semaphore, #tpu.memory_space<semaphore_mem>>
      %dma_start3A_129 = arith.constant 0 : i32
      %dma_start3A_130 = tpu.memref_slice %arg10[%add3A_12, %dma_start3A_129] : memref<10240x128xf32, #tpu.memory_space<vmem_shared>> -> memref<128x128xf32, #tpu.memory_space<vmem_shared>>
      %dma_start3A_131 = arith.constant 0 : i32
      %dma_start3A_132 = tpu.memref_slice %arg10[%add3A_12, %dma_start3A_131] : memref<10240x128xf32, #tpu.memory_space<vmem_shared>> -> memref<128x128xf32, #tpu.memory_space<vmem_shared>>
      tpu.enqueue_dma source(%arg8 : memref<128x128xf32, #tpu.memory_space<vmem>>) target(%dma_start3A_132 : memref<128x128xf32, #tpu.memory_space<vmem_shared>>) target_semaphore(%run_scoped3A_128 : memref<!tpu.dma_semaphore, #tpu.memory_space<semaphore_mem>>)
      %dma_wait3A_133 = arith.constant 0 : i32
      %dma_wait3A_134 = tpu.memref_slice %arg10[%add3A_12, %dma_wait3A_133] : memref<10240x128xf32, #tpu.memory_space<vmem_shared>> -> memref<128x128xf32, #tpu.memory_space<vmem_shared>>
      %dma_wait3A_135 = arith.constant 0 : i32
      %dma_wait3A_136 = tpu.memref_slice %arg10[%add3A_12, %dma_wait3A_135] : memref<10240x128xf32, #tpu.memory_space<vmem_shared>> -> memref<128x128xf32, #tpu.memory_space<vmem_shared>>
      tpu.wait_dma2 semaphore(%run_scoped3A_128 : memref<!tpu.dma_semaphore, #tpu.memory_space<semaphore_mem>>) src(%arg8 : memref<128x128xf32, #tpu.memory_space<vmem>>) dst(%dma_wait3A_136 : memref<128x128xf32, #tpu.memory_space<vmem_shared>>)
      tpu.yield
    }) : () -> ()
    %mul3A_13 = arith.constant 640 : i32
    %mul3A_14 = arith.muli %arg1, %mul3A_13 : i32
    %add3A_15 = arith.constant 256 : i32
    %add3A_16 = arith.addi %mul3A_14, %add3A_15 : i32
    "tpu.region"() ({
      %run_scoped3A_128 = tpu.sem_alloc : memref<!tpu.dma_semaphore, #tpu.memory_space<semaphore_mem>>
      %dma_start3A_129 = arith.constant 0 : i32
      %dma_start3A_130 = tpu.memref_slice %arg10[%add3A_16, %dma_start3A_129] : memref<10240x128xf32, #tpu.memory_space<vmem_shared>> -> memref<128x128xf32, #tpu.memory_space<vmem_shared>>
      %dma_start3A_131 = arith.constant 0 : i32
      %dma_start3A_132 = tpu.memref_slice %arg10[%add3A_16, %dma_start3A_131] : memref<10240x128xf32, #tpu.memory_space<vmem_shared>> -> memref<128x128xf32, #tpu.memory_space<vmem_shared>>
      tpu.enqueue_dma source(%arg8 : memref<128x128xf32, #tpu.memory_space<vmem>>) target(%dma_start3A_132 : memref<128x128xf32, #tpu.memory_space<vmem_shared>>) target_semaphore(%run_scoped3A_128 : memref<!tpu.dma_semaphore, #tpu.memory_space<semaphore_mem>>)
      %dma_wait3A_133 = arith.constant 0 : i32
      %dma_wait3A_134 = tpu.memref_slice %arg10[%add3A_16, %dma_wait3A_133] : memref<10240x128xf32, #tpu.memory_space<vmem_shared>> -> memref<128x128xf32, #tpu.memory_space<vmem_shared>>
      %dma_wait3A_135 = arith.constant 0 : i32
      %dma_wait3A_136 = tpu.memref_slice %arg10[%add3A_16, %dma_wait3A_135] : memref<10240x128xf32, #tpu.memory_space<vmem_shared>> -> memref<128x128xf32, #tpu.memory_space<vmem_shared>>
      tpu.wait_dma2 semaphore(%run_scoped3A_128 : memref<!tpu.dma_semaphore, #tpu.memory_space<semaphore_mem>>) src(%arg8 : memref<128x128xf32, #tpu.memory_space<vmem>>) dst(%dma_wait3A_136 : memref<128x128xf32, #tpu.memory_space<vmem_shared>>)
      tpu.yield
    }) : () -> ()
    %mul3A_17 = arith.constant 640 : i32
    %mul3A_18 = arith.muli %arg1, %mul3A_17 : i32
    %add3A_19 = arith.constant 384 : i32
    %add3A_20 = arith.addi %mul3A_18, %add3A_19 : i32
    "tpu.region"() ({
      %run_scoped3A_128 = tpu.sem_alloc : memref<!tpu.dma_semaphore, #tpu.memory_space<semaphore_mem>>
      %dma_start3A_129 = arith.constant 0 : i32
      %dma_start3A_130 = tpu.memref_slice %arg10[%add3A_20, %dma_start3A_129] : memref<10240x128xf32, #tpu.memory_space<vmem_shared>> -> memref<128x128xf32, #tpu.memory_space<vmem_shared>>
      %dma_start3A_131 = arith.constant 0 : i32
      %dma_start3A_132 = tpu.memref_slice %arg10[%add3A_20, %dma_start3A_131] : memref<10240x128xf32, #tpu.memory_space<vmem_shared>> -> memref<128x128xf32, #tpu.memory_space<vmem_shared>>
      tpu.enqueue_dma source(%arg8 : memref<128x128xf32, #tpu.memory_space<vmem>>) target(%dma_start3A_132 : memref<128x128xf32, #tpu.memory_space<vmem_shared>>) target_semaphore(%run_scoped3A_128 : memref<!tpu.dma_semaphore, #tpu.memory_space<semaphore_mem>>)
      %dma_wait3A_133 = arith.constant 0 : i32
      %dma_wait3A_134 = tpu.memref_slice %arg10[%add3A_20, %dma_wait3A_133] : memref<10240x128xf32, #tpu.memory_space<vmem_shared>> -> memref<128x128xf32, #tpu.memory_space<vmem_shared>>
      %dma_wait3A_135 = arith.constant 0 : i32
      %dma_wait3A_136 = tpu.memref_slice %arg10[%add3A_20, %dma_wait3A_135] : memref<10240x128xf32, #tpu.memory_space<vmem_shared>> -> memref<128x128xf32, #tpu.memory_space<vmem_shared>>
      tpu.wait_dma2 semaphore(%run_scoped3A_128 : memref<!tpu.dma_semaphore, #tpu.memory_space<semaphore_mem>>) src(%arg8 : memref<128x128xf32, #tpu.memory_space<vmem>>) dst(%dma_wait3A_136 : memref<128x128xf32, #tpu.memory_space<vmem_shared>>)
      tpu.yield
    }) : () -> ()
    %mul3A_21 = arith.constant 640 : i32
    %mul3A_22 = arith.muli %arg1, %mul3A_21 : i32
    %add3A_23 = arith.constant 512 : i32
    %add3A_24 = arith.addi %mul3A_22, %add3A_23 : i32
    "tpu.region"() ({
      %run_scoped3A_128 = tpu.sem_alloc : memref<!tpu.dma_semaphore, #tpu.memory_space<semaphore_mem>>
      %dma_start3A_129 = arith.constant 0 : i32
      %dma_start3A_130 = tpu.memref_slice %arg10[%add3A_24, %dma_start3A_129] : memref<10240x128xf32, #tpu.memory_space<vmem_shared>> -> memref<128x128xf32, #tpu.memory_space<vmem_shared>>
      %dma_start3A_131 = arith.constant 0 : i32
      %dma_start3A_132 = tpu.memref_slice %arg10[%add3A_24, %dma_start3A_131] : memref<10240x128xf32, #tpu.memory_space<vmem_shared>> -> memref<128x128xf32, #tpu.memory_space<vmem_shared>>
      tpu.enqueue_dma source(%arg8 : memref<128x128xf32, #tpu.memory_space<vmem>>) target(%dma_start3A_132 : memref<128x128xf32, #tpu.memory_space<vmem_shared>>) target_semaphore(%run_scoped3A_128 : memref<!tpu.dma_semaphore, #tpu.memory_space<semaphore_mem>>)
      %dma_wait3A_133 = arith.constant 0 : i32
      %dma_wait3A_134 = tpu.memref_slice %arg10[%add3A_24, %dma_wait3A_133] : memref<10240x128xf32, #tpu.memory_space<vmem_shared>> -> memref<128x128xf32, #tpu.memory_space<vmem_shared>>
      %dma_wait3A_135 = arith.constant 0 : i32
      %dma_wait3A_136 = tpu.memref_slice %arg10[%add3A_24, %dma_wait3A_135] : memref<10240x128xf32, #tpu.memory_space<vmem_shared>> -> memref<128x128xf32, #tpu.memory_space<vmem_shared>>
      tpu.wait_dma2 semaphore(%run_scoped3A_128 : memref<!tpu.dma_semaphore, #tpu.memory_space<semaphore_mem>>) src(%arg8 : memref<128x128xf32, #tpu.memory_space<vmem>>) dst(%dma_wait3A_136 : memref<128x128xf32, #tpu.memory_space<vmem_shared>>)
      tpu.yield
    }) : () -> ()
    "tpu.region"() ({
      %run_scoped3A_128 = tpu.sem_alloc : memref<!tpu.dma_semaphore, #tpu.memory_space<semaphore_mem>>
      %dma_start3A_129 = arith.constant 0 : i32
      %dma_start3A_130 = arith.constant 0 : i32
      %dma_start3A_131 = tpu.memref_slice %arg3[%add3A, %dma_start3A_129, %dma_start3A_130] : memref<32x80x128xi32, #tpu.memory_space<hbm>> -> memref<1x40x128xi32, #tpu.memory_space<hbm>>
      %dma_start3A_132 = tpu.memref_squeeze %dma_start3A_131 : memref<1x40x128xi32, #tpu.memory_space<hbm>> -> memref<40x128xi32, #tpu.memory_space<hbm>>
      %dma_start3A_133 = arith.constant 0 : i32
      %dma_start3A_134 = arith.constant 0 : i32
      %dma_start3A_135 = tpu.memref_slice %arg3[%add3A, %dma_start3A_133, %dma_start3A_134] : memref<32x80x128xi32, #tpu.memory_space<hbm>> -> memref<1x40x128xi32, #tpu.memory_space<hbm>>
      %dma_start3A_136 = tpu.memref_squeeze %dma_start3A_135 : memref<1x40x128xi32, #tpu.memory_space<hbm>> -> memref<40x128xi32, #tpu.memory_space<hbm>>
      tpu.enqueue_dma source(%dma_start3A_136 : memref<40x128xi32, #tpu.memory_space<hbm>>) target(%arg6 : memref<40x128xi32, #tpu.memory_space<vmem>>) target_semaphore(%run_scoped3A_128 : memref<!tpu.dma_semaphore, #tpu.memory_space<semaphore_mem>>)
      %dma_wait3A_137 = arith.constant 0 : i32
      %dma_wait3A_138 = arith.constant 0 : i32
      %dma_wait3A_139 = tpu.memref_slice %arg3[%add3A, %dma_wait3A_137, %dma_wait3A_138] : memref<32x80x128xi32, #tpu.memory_space<hbm>> -> memref<1x40x128xi32, #tpu.memory_space<hbm>>
      %dma_wait3A_140 = tpu.memref_squeeze %dma_wait3A_139 : memref<1x40x128xi32, #tpu.memory_space<hbm>> -> memref<40x128xi32, #tpu.memory_space<hbm>>
      %dma_wait3A_141 = arith.constant 0 : i32
      %dma_wait3A_142 = arith.constant 0 : i32
      %dma_wait3A_143 = tpu.memref_slice %arg3[%add3A, %dma_wait3A_141, %dma_wait3A_142] : memref<32x80x128xi32, #tpu.memory_space<hbm>> -> memref<1x40x128xi32, #tpu.memory_space<hbm>>
      %dma_wait3A_144 = tpu.memref_squeeze %dma_wait3A_143 : memref<1x40x128xi32, #tpu.memory_space<hbm>> -> memref<40x128xi32, #tpu.memory_space<hbm>>
      tpu.wait_dma2 semaphore(%run_scoped3A_128 : memref<!tpu.dma_semaphore, #tpu.memory_space<semaphore_mem>>) src(%dma_wait3A_144 : memref<40x128xi32, #tpu.memory_space<hbm>>) dst(%arg6 : memref<40x128xi32, #tpu.memory_space<vmem>>)
      tpu.yield
    }) : () -> ()
    "tpu.region"() ({
      %run_scoped3A_128 = tpu.sem_alloc : memref<!tpu.dma_semaphore, #tpu.memory_space<semaphore_mem>>
      %dma_start3A_129 = arith.constant 0 : i32
      %dma_start3A_130 = arith.constant 0 : i32
      %dma_start3A_131 = tpu.memref_slice %arg4[%add3A, %dma_start3A_129, %dma_start3A_130] : memref<32x80x128xi32, #tpu.memory_space<hbm>> -> memref<1x40x128xi32, #tpu.memory_space<hbm>>
      %dma_start3A_132 = tpu.memref_squeeze %dma_start3A_131 : memref<1x40x128xi32, #tpu.memory_space<hbm>> -> memref<40x128xi32, #tpu.memory_space<hbm>>
      %dma_start3A_133 = arith.constant 0 : i32
      %dma_start3A_134 = arith.constant 0 : i32
      %dma_start3A_135 = tpu.memref_slice %arg4[%add3A, %dma_start3A_133, %dma_start3A_134] : memref<32x80x128xi32, #tpu.memory_space<hbm>> -> memref<1x40x128xi32, #tpu.memory_space<hbm>>
      %dma_start3A_136 = tpu.memref_squeeze %dma_start3A_135 : memref<1x40x128xi32, #tpu.memory_space<hbm>> -> memref<40x128xi32, #tpu.memory_space<hbm>>
      tpu.enqueue_dma source(%dma_start3A_136 : memref<40x128xi32, #tpu.memory_space<hbm>>) target(%arg7 : memref<40x128xi32, #tpu.memory_space<vmem>>) target_semaphore(%run_scoped3A_128 : memref<!tpu.dma_semaphore, #tpu.memory_space<semaphore_mem>>)
      %dma_wait3A_137 = arith.constant 0 : i32
      %dma_wait3A_138 = arith.constant 0 : i32
      %dma_wait3A_139 = tpu.memref_slice %arg4[%add3A, %dma_wait3A_137, %dma_wait3A_138] : memref<32x80x128xi32, #tpu.memory_space<hbm>> -> memref<1x40x128xi32, #tpu.memory_space<hbm>>
      %dma_wait3A_140 = tpu.memref_squeeze %dma_wait3A_139 : memref<1x40x128xi32, #tpu.memory_space<hbm>> -> memref<40x128xi32, #tpu.memory_space<hbm>>
      %dma_wait3A_141 = arith.constant 0 : i32
      %dma_wait3A_142 = arith.constant 0 : i32
      %dma_wait3A_143 = tpu.memref_slice %arg4[%add3A, %dma_wait3A_141, %dma_wait3A_142] : memref<32x80x128xi32, #tpu.memory_space<hbm>> -> memref<1x40x128xi32, #tpu.memory_space<hbm>>
      %dma_wait3A_144 = tpu.memref_squeeze %dma_wait3A_143 : memref<1x40x128xi32, #tpu.memory_space<hbm>> -> memref<40x128xi32, #tpu.memory_space<hbm>>
      tpu.wait_dma2 semaphore(%run_scoped3A_128 : memref<!tpu.dma_semaphore, #tpu.memory_space<semaphore_mem>>) src(%dma_wait3A_144 : memref<40x128xi32, #tpu.memory_space<hbm>>) dst(%arg7 : memref<40x128xi32, #tpu.memory_space<vmem>>)
      tpu.yield
    }) : () -> ()
    %dma_start3A = arith.constant 0 : i32
    %dma_start3A_25 = arith.constant 0 : i32
    %dma_start3A_26 = tpu.memref_slice %arg6[%dma_start3A, %dma_start3A_25] : memref<40x128xi32, #tpu.memory_space<vmem>> -> memref<1x128xi32, #tpu.memory_space<vmem>>
    %dma_start3A_27 = tpu.memref_squeeze %dma_start3A_26 : memref<1x128xi32, #tpu.memory_space<vmem>> -> memref<128xi32, #tpu.memory_space<vmem>>
    %dma_start3A_28 = arith.constant 0 : i32
    %dma_start3A_29 = arith.constant 0 : i32
    %dma_start3A_30 = tpu.memref_slice %arg2[%dma_start3A_28, %dma_start3A_29] : memref<10000x128xf32, #tpu.memory_space<hbm>> -> memref<10000x128xf32, #tpu.memory_space<hbm>>
    tpu.enqueue_indirect_dma source(%dma_start3A_30 : memref<10000x128xf32, #tpu.memory_space<hbm>>) target(%arg8 : memref<128x128xf32, #tpu.memory_space<vmem>>) offsets(%dma_start3A_27 : memref<128xi32, #tpu.memory_space<vmem>>) semaphore(%arg11 : memref<!tpu.dma_semaphore, #tpu.memory_space<semaphore_mem>>)
    %dma_start3A_31 = arith.constant 1 : i32
    %dma_start3A_32 = arith.constant 0 : i32
    %dma_start3A_33 = tpu.memref_slice %arg6[%dma_start3A_31, %dma_start3A_32] : memref<40x128xi32, #tpu.memory_space<vmem>> -> memref<1x128xi32, #tpu.memory_space<vmem>>
    %dma_start3A_34 = tpu.memref_squeeze %dma_start3A_33 : memref<1x128xi32, #tpu.memory_space<vmem>> -> memref<128xi32, #tpu.memory_space<vmem>>
    %dma_start3A_35 = arith.constant 0 : i32
    %dma_start3A_36 = arith.constant 0 : i32
    %dma_start3A_37 = tpu.memref_slice %arg2[%dma_start3A_35, %dma_start3A_36] : memref<10000x128xf32, #tpu.memory_space<hbm>> -> memref<10000x128xf32, #tpu.memory_space<hbm>>
    tpu.enqueue_indirect_dma source(%dma_start3A_37 : memref<10000x128xf32, #tpu.memory_space<hbm>>) target(%arg9 : memref<128x128xf32, #tpu.memory_space<vmem>>) offsets(%dma_start3A_34 : memref<128xi32, #tpu.memory_space<vmem>>) semaphore(%arg12 : memref<!tpu.dma_semaphore, #tpu.memory_space<semaphore_mem>>)
    %barrier3A = arith.constant 0 : index
    tpu.barrier barrier_id(%barrier3A)
    %scan3A_38 = arith.constant 0 : i32
    %scan3A_39 = arith.constant 19 : i32
    %scan3A_40 = arith.addi %scan3A_38, %scan3A_39 : i32
    %scan3A_41 = arith.constant 1 : i32
    scf.for %scan3A_128 = %scan3A_38 to %scan3A_40 step %scan3A_41  : i32 {
      %mul3A_129 = arith.constant 2 : i32
      %mul3A_130 = arith.muli %scan3A_128, %mul3A_129 : i32
      %add3A_131 = arith.constant 0 : i32
      %add3A_132 = arith.addi %mul3A_130, %add3A_131 : i32
      %dma_wait3A_133 = arith.constant 0 : i32
      %dma_wait3A_134 = tpu.memref_slice %arg6[%add3A_132, %dma_wait3A_133] : memref<40x128xi32, #tpu.memory_space<vmem>> -> memref<1x128xi32, #tpu.memory_space<vmem>>
      %dma_wait3A_135 = tpu.memref_squeeze %dma_wait3A_134 : memref<1x128xi32, #tpu.memory_space<vmem>> -> memref<128xi32, #tpu.memory_space<vmem>>
      %dma_wait3A_136 = arith.constant 0 : i32
      %dma_wait3A_137 = arith.constant 0 : i32
      %dma_wait3A_138 = tpu.memref_slice %arg2[%dma_wait3A_136, %dma_wait3A_137] : memref<10000x128xf32, #tpu.memory_space<hbm>> -> memref<10000x128xf32, #tpu.memory_space<hbm>>
      tpu.wait_indirect_dma semaphore(%arg11 : memref<!tpu.dma_semaphore, #tpu.memory_space<semaphore_mem>>) src(%dma_wait3A_138 : memref<10000x128xf32, #tpu.memory_space<hbm>>) dst(%arg8 : memref<128x128xf32, #tpu.memory_space<vmem>>)
      "tpu.region"() ({
        %run_scoped3A_165 = tpu.sem_alloc : memref<!tpu.dma_semaphore, #tpu.memory_space<semaphore_mem>>
        %dma_start3A_166 = arith.constant 0 : i32
        %dma_start3A_167 = tpu.memref_slice %arg7[%add3A_132, %dma_start3A_166] : memref<40x128xi32, #tpu.memory_space<vmem>> -> memref<1x128xi32, #tpu.memory_space<vmem>>
        %dma_start3A_168 = tpu.memref_squeeze %dma_start3A_167 : memref<1x128xi32, #tpu.memory_space<vmem>> -> memref<128xi32, #tpu.memory_space<vmem>>
        %dma_start3A_169 = arith.constant 0 : i32
        %dma_start3A_170 = arith.constant 0 : i32
        %dma_start3A_171 = tpu.memref_slice %arg10[%dma_start3A_169, %dma_start3A_170] : memref<10240x128xf32, #tpu.memory_space<vmem_shared>> -> memref<10240x128xf32, #tpu.memory_space<vmem_shared>>
        tpu.enqueue_indirect_dma source(%arg8 : memref<128x128xf32, #tpu.memory_space<vmem>>) target(%dma_start3A_171 : memref<10240x128xf32, #tpu.memory_space<vmem_shared>>) offsets(%dma_start3A_168 : memref<128xi32, #tpu.memory_space<vmem>>) semaphore(%run_scoped3A_165 : memref<!tpu.dma_semaphore, #tpu.memory_space<semaphore_mem>>) {add = true}
        %dma_wait3A_172 = arith.constant 0 : i32
        %dma_wait3A_173 = tpu.memref_slice %arg7[%add3A_132, %dma_wait3A_172] : memref<40x128xi32, #tpu.memory_space<vmem>> -> memref<1x128xi32, #tpu.memory_space<vmem>>
        %dma_wait3A_174 = tpu.memref_squeeze %dma_wait3A_173 : memref<1x128xi32, #tpu.memory_space<vmem>> -> memref<128xi32, #tpu.memory_space<vmem>>
        %dma_wait3A_175 = arith.constant 0 : i32
        %dma_wait3A_176 = arith.constant 0 : i32
        %dma_wait3A_177 = tpu.memref_slice %arg10[%dma_wait3A_175, %dma_wait3A_176] : memref<10240x128xf32, #tpu.memory_space<vmem_shared>> -> memref<10240x128xf32, #tpu.memory_space<vmem_shared>>
        tpu.wait_indirect_dma semaphore(%run_scoped3A_165 : memref<!tpu.dma_semaphore, #tpu.memory_space<semaphore_mem>>) src(%arg8 : memref<128x128xf32, #tpu.memory_space<vmem>>) dst(%dma_wait3A_177 : memref<10240x128xf32, #tpu.memory_space<vmem_shared>>)
        tpu.yield
      }) : () -> ()
      %add3A_139 = arith.constant 2 : i32
      %add3A_140 = arith.addi %add3A_132, %add3A_139 : i32
      %dma_start3A_141 = arith.constant 0 : i32
      %dma_start3A_142 = tpu.memref_slice %arg6[%add3A_140, %dma_start3A_141] : memref<40x128xi32, #tpu.memory_space<vmem>> -> memref<1x128xi32, #tpu.memory_space<vmem>>
      %dma_start3A_143 = tpu.memref_squeeze %dma_start3A_142 : memref<1x128xi32, #tpu.memory_space<vmem>> -> memref<128xi32, #tpu.memory_space<vmem>>
      %dma_start3A_144 = arith.constant 0 : i32
      %dma_start3A_145 = arith.constant 0 : i32
      %dma_start3A_146 = tpu.memref_slice %arg2[%dma_start3A_144, %dma_start3A_145] : memref<10000x128xf32, #tpu.memory_space<hbm>> -> memref<10000x128xf32, #tpu.memory_space<hbm>>
      tpu.enqueue_indirect_dma source(%dma_start3A_146 : memref<10000x128xf32, #tpu.memory_space<hbm>>) target(%arg8 : memref<128x128xf32, #tpu.memory_space<vmem>>) offsets(%dma_start3A_143 : memref<128xi32, #tpu.memory_space<vmem>>) semaphore(%arg11 : memref<!tpu.dma_semaphore, #tpu.memory_space<semaphore_mem>>)
      %mul3A_147 = arith.constant 2 : i32
      %mul3A_148 = arith.muli %scan3A_128, %mul3A_147 : i32
      %add3A_149 = arith.constant 1 : i32
      %add3A_150 = arith.addi %mul3A_148, %add3A_149 : i32
      %dma_wait3A_151 = arith.constant 0 : i32
      %dma_wait3A_152 = tpu.memref_slice %arg6[%add3A_150, %dma_wait3A_151] : memref<40x128xi32, #tpu.memory_space<vmem>> -> memref<1x128xi32, #tpu.memory_space<vmem>>
      %dma_wait3A_153 = tpu.memref_squeeze %dma_wait3A_152 : memref<1x128xi32, #tpu.memory_space<vmem>> -> memref<128xi32, #tpu.memory_space<vmem>>
      %dma_wait3A_154 = arith.constant 0 : i32
      %dma_wait3A_155 = arith.constant 0 : i32
      %dma_wait3A_156 = tpu.memref_slice %arg2[%dma_wait3A_154, %dma_wait3A_155] : memref<10000x128xf32, #tpu.memory_space<hbm>> -> memref<10000x128xf32, #tpu.memory_space<hbm>>
      tpu.wait_indirect_dma semaphore(%arg12 : memref<!tpu.dma_semaphore, #tpu.memory_space<semaphore_mem>>) src(%dma_wait3A_156 : memref<10000x128xf32, #tpu.memory_space<hbm>>) dst(%arg9 : memref<128x128xf32, #tpu.memory_space<vmem>>)
      "tpu.region"() ({
        %run_scoped3A_165 = tpu.sem_alloc : memref<!tpu.dma_semaphore, #tpu.memory_space<semaphore_mem>>
        %dma_start3A_166 = arith.constant 0 : i32
        %dma_start3A_167 = tpu.memref_slice %arg7[%add3A_150, %dma_start3A_166] : memref<40x128xi32, #tpu.memory_space<vmem>> -> memref<1x128xi32, #tpu.memory_space<vmem>>
        %dma_start3A_168 = tpu.memref_squeeze %dma_start3A_167 : memref<1x128xi32, #tpu.memory_space<vmem>> -> memref<128xi32, #tpu.memory_space<vmem>>
        %dma_start3A_169 = arith.constant 0 : i32
        %dma_start3A_170 = arith.constant 0 : i32
        %dma_start3A_171 = tpu.memref_slice %arg10[%dma_start3A_169, %dma_start3A_170] : memref<10240x128xf32, #tpu.memory_space<vmem_shared>> -> memref<10240x128xf32, #tpu.memory_space<vmem_shared>>
        tpu.enqueue_indirect_dma source(%arg9 : memref<128x128xf32, #tpu.memory_space<vmem>>) target(%dma_start3A_171 : memref<10240x128xf32, #tpu.memory_space<vmem_shared>>) offsets(%dma_start3A_168 : memref<128xi32, #tpu.memory_space<vmem>>) semaphore(%run_scoped3A_165 : memref<!tpu.dma_semaphore, #tpu.memory_space<semaphore_mem>>) {add = true}
        %dma_wait3A_172 = arith.constant 0 : i32
        %dma_wait3A_173 = tpu.memref_slice %arg7[%add3A_150, %dma_wait3A_172] : memref<40x128xi32, #tpu.memory_space<vmem>> -> memref<1x128xi32, #tpu.memory_space<vmem>>
        %dma_wait3A_174 = tpu.memref_squeeze %dma_wait3A_173 : memref<1x128xi32, #tpu.memory_space<vmem>> -> memref<128xi32, #tpu.memory_space<vmem>>
        %dma_wait3A_175 = arith.constant 0 : i32
        %dma_wait3A_176 = arith.constant 0 : i32
        %dma_wait3A_177 = tpu.memref_slice %arg10[%dma_wait3A_175, %dma_wait3A_176] : memref<10240x128xf32, #tpu.memory_space<vmem_shared>> -> memref<10240x128xf32, #tpu.memory_space<vmem_shared>>
        tpu.wait_indirect_dma semaphore(%run_scoped3A_165 : memref<!tpu.dma_semaphore, #tpu.memory_space<semaphore_mem>>) src(%arg9 : memref<128x128xf32, #tpu.memory_space<vmem>>) dst(%dma_wait3A_177 : memref<10240x128xf32, #tpu.memory_space<vmem_shared>>)
        tpu.yield
      }) : () -> ()
      %add3A_157 = arith.constant 2 : i32
      %add3A_158 = arith.addi %add3A_150, %add3A_157 : i32
      %dma_start3A_159 = arith.constant 0 : i32
      %dma_start3A_160 = tpu.memref_slice %arg6[%add3A_158, %dma_start3A_159] : memref<40x128xi32, #tpu.memory_space<vmem>> -> memref<1x128xi32, #tpu.memory_space<vmem>>
      %dma_start3A_161 = tpu.memref_squeeze %dma_start3A_160 : memref<1x128xi32, #tpu.memory_space<vmem>> -> memref<128xi32, #tpu.memory_space<vmem>>
      %dma_start3A_162 = arith.constant 0 : i32
      %dma_start3A_163 = arith.constant 0 : i32
      %dma_start3A_164 = tpu.memref_slice %arg2[%dma_start3A_162, %dma_start3A_163] : memref<10000x128xf32, #tpu.memory_space<hbm>> -> memref<10000x128xf32, #tpu.memory_space<hbm>>
      tpu.enqueue_indirect_dma source(%dma_start3A_164 : memref<10000x128xf32, #tpu.memory_space<hbm>>) target(%arg9 : memref<128x128xf32, #tpu.memory_space<vmem>>) offsets(%dma_start3A_161 : memref<128xi32, #tpu.memory_space<vmem>>) semaphore(%arg12 : memref<!tpu.dma_semaphore, #tpu.memory_space<semaphore_mem>>)
    }
    %scan3A_42 = arith.constant 19 : i32
    %dma_wait3A = arith.constant 38 : i32
    %dma_wait3A_43 = arith.constant 0 : i32
    %dma_wait3A_44 = tpu.memref_slice %arg6[%dma_wait3A, %dma_wait3A_43] : memref<40x128xi32, #tpu.memory_space<vmem>> -> memref<1x128xi32, #tpu.memory_space<vmem>>
    %dma_wait3A_45 = tpu.memref_squeeze %dma_wait3A_44 : memref<1x128xi32, #tpu.memory_space<vmem>> -> memref<128xi32, #tpu.memory_space<vmem>>
    %dma_wait3A_46 = arith.constant 0 : i32
    %dma_wait3A_47 = arith.constant 0 : i32
    %dma_wait3A_48 = tpu.memref_slice %arg2[%dma_wait3A_46, %dma_wait3A_47] : memref<10000x128xf32, #tpu.memory_space<hbm>> -> memref<10000x128xf32, #tpu.memory_space<hbm>>
    tpu.wait_indirect_dma semaphore(%arg11 : memref<!tpu.dma_semaphore, #tpu.memory_space<semaphore_mem>>) src(%dma_wait3A_48 : memref<10000x128xf32, #tpu.memory_space<hbm>>) dst(%arg8 : memref<128x128xf32, #tpu.memory_space<vmem>>)
    %run_scoped3A = arith.constant 38 : i32
    "tpu.region"() ({
      %run_scoped3A_128 = tpu.sem_alloc : memref<!tpu.dma_semaphore, #tpu.memory_space<semaphore_mem>>
      %dma_start3A_129 = arith.constant 0 : i32
      %dma_start3A_130 = tpu.memref_slice %arg7[%run_scoped3A, %dma_start3A_129] : memref<40x128xi32, #tpu.memory_space<vmem>> -> memref<1x128xi32, #tpu.memory_space<vmem>>
      %dma_start3A_131 = tpu.memref_squeeze %dma_start3A_130 : memref<1x128xi32, #tpu.memory_space<vmem>> -> memref<128xi32, #tpu.memory_space<vmem>>
      %dma_start3A_132 = arith.constant 0 : i32
      %dma_start3A_133 = arith.constant 0 : i32
      %dma_start3A_134 = tpu.memref_slice %arg10[%dma_start3A_132, %dma_start3A_133] : memref<10240x128xf32, #tpu.memory_space<vmem_shared>> -> memref<10240x128xf32, #tpu.memory_space<vmem_shared>>
      tpu.enqueue_indirect_dma source(%arg8 : memref<128x128xf32, #tpu.memory_space<vmem>>) target(%dma_start3A_134 : memref<10240x128xf32, #tpu.memory_space<vmem_shared>>) offsets(%dma_start3A_131 : memref<128xi32, #tpu.memory_space<vmem>>) semaphore(%run_scoped3A_128 : memref<!tpu.dma_semaphore, #tpu.memory_space<semaphore_mem>>) {add = true}
      %dma_wait3A_135 = arith.constant 0 : i32
      %dma_wait3A_136 = tpu.memref_slice %arg7[%run_scoped3A, %dma_wait3A_135] : memref<40x128xi32, #tpu.memory_space<vmem>> -> memref<1x128xi32, #tpu.memory_space<vmem>>
      %dma_wait3A_137 = tpu.memref_squeeze %dma_wait3A_136 : memref<1x128xi32, #tpu.memory_space<vmem>> -> memref<128xi32, #tpu.memory_space<vmem>>
      %dma_wait3A_138 = arith.constant 0 : i32
      %dma_wait3A_139 = arith.constant 0 : i32
      %dma_wait3A_140 = tpu.memref_slice %arg10[%dma_wait3A_138, %dma_wait3A_139] : memref<10240x128xf32, #tpu.memory_space<vmem_shared>> -> memref<10240x128xf32, #tpu.memory_space<vmem_shared>>
      tpu.wait_indirect_dma semaphore(%run_scoped3A_128 : memref<!tpu.dma_semaphore, #tpu.memory_space<semaphore_mem>>) src(%arg8 : memref<128x128xf32, #tpu.memory_space<vmem>>) dst(%dma_wait3A_140 : memref<10240x128xf32, #tpu.memory_space<vmem_shared>>)
      tpu.yield
    }) : () -> ()
    %dma_wait3A_49 = arith.constant 39 : i32
    %dma_wait3A_50 = arith.constant 0 : i32
    %dma_wait3A_51 = tpu.memref_slice %arg6[%dma_wait3A_49, %dma_wait3A_50] : memref<40x128xi32, #tpu.memory_space<vmem>> -> memref<1x128xi32, #tpu.memory_space<vmem>>
    %dma_wait3A_52 = tpu.memref_squeeze %dma_wait3A_51 : memref<1x128xi32, #tpu.memory_space<vmem>> -> memref<128xi32, #tpu.memory_space<vmem>>
    %dma_wait3A_53 = arith.constant 0 : i32
    %dma_wait3A_54 = arith.constant 0 : i32
    %dma_wait3A_55 = tpu.memref_slice %arg2[%dma_wait3A_53, %dma_wait3A_54] : memref<10000x128xf32, #tpu.memory_space<hbm>> -> memref<10000x128xf32, #tpu.memory_space<hbm>>
    tpu.wait_indirect_dma semaphore(%arg12 : memref<!tpu.dma_semaphore, #tpu.memory_space<semaphore_mem>>) src(%dma_wait3A_55 : memref<10000x128xf32, #tpu.memory_space<hbm>>) dst(%arg9 : memref<128x128xf32, #tpu.memory_space<vmem>>)
    %run_scoped3A_56 = arith.constant 39 : i32
    "tpu.region"() ({
      %run_scoped3A_128 = tpu.sem_alloc : memref<!tpu.dma_semaphore, #tpu.memory_space<semaphore_mem>>
      %dma_start3A_129 = arith.constant 0 : i32
      %dma_start3A_130 = tpu.memref_slice %arg7[%run_scoped3A_56, %dma_start3A_129] : memref<40x128xi32, #tpu.memory_space<vmem>> -> memref<1x128xi32, #tpu.memory_space<vmem>>
      %dma_start3A_131 = tpu.memref_squeeze %dma_start3A_130 : memref<1x128xi32, #tpu.memory_space<vmem>> -> memref<128xi32, #tpu.memory_space<vmem>>
      %dma_start3A_132 = arith.constant 0 : i32
      %dma_start3A_133 = arith.constant 0 : i32
      %dma_start3A_134 = tpu.memref_slice %arg10[%dma_start3A_132, %dma_start3A_133] : memref<10240x128xf32, #tpu.memory_space<vmem_shared>> -> memref<10240x128xf32, #tpu.memory_space<vmem_shared>>
      tpu.enqueue_indirect_dma source(%arg9 : memref<128x128xf32, #tpu.memory_space<vmem>>) target(%dma_start3A_134 : memref<10240x128xf32, #tpu.memory_space<vmem_shared>>) offsets(%dma_start3A_131 : memref<128xi32, #tpu.memory_space<vmem>>) semaphore(%run_scoped3A_128 : memref<!tpu.dma_semaphore, #tpu.memory_space<semaphore_mem>>) {add = true}
      %dma_wait3A_135 = arith.constant 0 : i32
      %dma_wait3A_136 = tpu.memref_slice %arg7[%run_scoped3A_56, %dma_wait3A_135] : memref<40x128xi32, #tpu.memory_space<vmem>> -> memref<1x128xi32, #tpu.memory_space<vmem>>
      %dma_wait3A_137 = tpu.memref_squeeze %dma_wait3A_136 : memref<1x128xi32, #tpu.memory_space<vmem>> -> memref<128xi32, #tpu.memory_space<vmem>>
      %dma_wait3A_138 = arith.constant 0 : i32
      %dma_wait3A_139 = arith.constant 0 : i32
      %dma_wait3A_140 = tpu.memref_slice %arg10[%dma_wait3A_138, %dma_wait3A_139] : memref<10240x128xf32, #tpu.memory_space<vmem_shared>> -> memref<10240x128xf32, #tpu.memory_space<vmem_shared>>
      tpu.wait_indirect_dma semaphore(%run_scoped3A_128 : memref<!tpu.dma_semaphore, #tpu.memory_space<semaphore_mem>>) src(%arg9 : memref<128x128xf32, #tpu.memory_space<vmem>>) dst(%dma_wait3A_140 : memref<10240x128xf32, #tpu.memory_space<vmem_shared>>)
      tpu.yield
    }) : () -> ()
    "tpu.region"() ({
      %run_scoped3A_128 = tpu.sem_alloc : memref<!tpu.dma_semaphore, #tpu.memory_space<semaphore_mem>>
      %dma_start3A_129 = arith.constant 40 : i32
      %dma_start3A_130 = arith.constant 0 : i32
      %dma_start3A_131 = tpu.memref_slice %arg3[%add3A, %dma_start3A_129, %dma_start3A_130] : memref<32x80x128xi32, #tpu.memory_space<hbm>> -> memref<1x40x128xi32, #tpu.memory_space<hbm>>
      %dma_start3A_132 = tpu.memref_squeeze %dma_start3A_131 : memref<1x40x128xi32, #tpu.memory_space<hbm>> -> memref<40x128xi32, #tpu.memory_space<hbm>>
      %dma_start3A_133 = arith.constant 40 : i32
      %dma_start3A_134 = arith.constant 0 : i32
      %dma_start3A_135 = tpu.memref_slice %arg3[%add3A, %dma_start3A_133, %dma_start3A_134] : memref<32x80x128xi32, #tpu.memory_space<hbm>> -> memref<1x40x128xi32, #tpu.memory_space<hbm>>
      %dma_start3A_136 = tpu.memref_squeeze %dma_start3A_135 : memref<1x40x128xi32, #tpu.memory_space<hbm>> -> memref<40x128xi32, #tpu.memory_space<hbm>>
      tpu.enqueue_dma source(%dma_start3A_136 : memref<40x128xi32, #tpu.memory_space<hbm>>) target(%arg6 : memref<40x128xi32, #tpu.memory_space<vmem>>) target_semaphore(%run_scoped3A_128 : memref<!tpu.dma_semaphore, #tpu.memory_space<semaphore_mem>>)
      %dma_wait3A_137 = arith.constant 40 : i32
      %dma_wait3A_138 = arith.constant 0 : i32
      %dma_wait3A_139 = tpu.memref_slice %arg3[%add3A, %dma_wait3A_137, %dma_wait3A_138] : memref<32x80x128xi32, #tpu.memory_space<hbm>> -> memref<1x40x128xi32, #tpu.memory_space<hbm>>
      %dma_wait3A_140 = tpu.memref_squeeze %dma_wait3A_139 : memref<1x40x128xi32, #tpu.memory_space<hbm>> -> memref<40x128xi32, #tpu.memory_space<hbm>>
      %dma_wait3A_141 = arith.constant 40 : i32
      %dma_wait3A_142 = arith.constant 0 : i32
      %dma_wait3A_143 = tpu.memref_slice %arg3[%add3A, %dma_wait3A_141, %dma_wait3A_142] : memref<32x80x128xi32, #tpu.memory_space<hbm>> -> memref<1x40x128xi32, #tpu.memory_space<hbm>>
      %dma_wait3A_144 = tpu.memref_squeeze %dma_wait3A_143 : memref<1x40x128xi32, #tpu.memory_space<hbm>> -> memref<40x128xi32, #tpu.memory_space<hbm>>
      tpu.wait_dma2 semaphore(%run_scoped3A_128 : memref<!tpu.dma_semaphore, #tpu.memory_space<semaphore_mem>>) src(%dma_wait3A_144 : memref<40x128xi32, #tpu.memory_space<hbm>>) dst(%arg6 : memref<40x128xi32, #tpu.memory_space<vmem>>)
      tpu.yield
    }) : () -> ()
    "tpu.region"() ({
      %run_scoped3A_128 = tpu.sem_alloc : memref<!tpu.dma_semaphore, #tpu.memory_space<semaphore_mem>>
      %dma_start3A_129 = arith.constant 40 : i32
      %dma_start3A_130 = arith.constant 0 : i32
      %dma_start3A_131 = tpu.memref_slice %arg4[%add3A, %dma_start3A_129, %dma_start3A_130] : memref<32x80x128xi32, #tpu.memory_space<hbm>> -> memref<1x40x128xi32, #tpu.memory_space<hbm>>
      %dma_start3A_132 = tpu.memref_squeeze %dma_start3A_131 : memref<1x40x128xi32, #tpu.memory_space<hbm>> -> memref<40x128xi32, #tpu.memory_space<hbm>>
      %dma_start3A_133 = arith.constant 40 : i32
      %dma_start3A_134 = arith.constant 0 : i32
      %dma_start3A_135 = tpu.memref_slice %arg4[%add3A, %dma_start3A_133, %dma_start3A_134] : memref<32x80x128xi32, #tpu.memory_space<hbm>> -> memref<1x40x128xi32, #tpu.memory_space<hbm>>
      %dma_start3A_136 = tpu.memref_squeeze %dma_start3A_135 : memref<1x40x128xi32, #tpu.memory_space<hbm>> -> memref<40x128xi32, #tpu.memory_space<hbm>>
      tpu.enqueue_dma source(%dma_start3A_136 : memref<40x128xi32, #tpu.memory_space<hbm>>) target(%arg7 : memref<40x128xi32, #tpu.memory_space<vmem>>) target_semaphore(%run_scoped3A_128 : memref<!tpu.dma_semaphore, #tpu.memory_space<semaphore_mem>>)
      %dma_wait3A_137 = arith.constant 40 : i32
      %dma_wait3A_138 = arith.constant 0 : i32
      %dma_wait3A_139 = tpu.memref_slice %arg4[%add3A, %dma_wait3A_137, %dma_wait3A_138] : memref<32x80x128xi32, #tpu.memory_space<hbm>> -> memref<1x40x128xi32, #tpu.memory_space<hbm>>
      %dma_wait3A_140 = tpu.memref_squeeze %dma_wait3A_139 : memref<1x40x128xi32, #tpu.memory_space<hbm>> -> memref<40x128xi32, #tpu.memory_space<hbm>>
      %dma_wait3A_141 = arith.constant 40 : i32
      %dma_wait3A_142 = arith.constant 0 : i32
      %dma_wait3A_143 = tpu.memref_slice %arg4[%add3A, %dma_wait3A_141, %dma_wait3A_142] : memref<32x80x128xi32, #tpu.memory_space<hbm>> -> memref<1x40x128xi32, #tpu.memory_space<hbm>>
      %dma_wait3A_144 = tpu.memref_squeeze %dma_wait3A_143 : memref<1x40x128xi32, #tpu.memory_space<hbm>> -> memref<40x128xi32, #tpu.memory_space<hbm>>
      tpu.wait_dma2 semaphore(%run_scoped3A_128 : memref<!tpu.dma_semaphore, #tpu.memory_space<semaphore_mem>>) src(%dma_wait3A_144 : memref<40x128xi32, #tpu.memory_space<hbm>>) dst(%arg7 : memref<40x128xi32, #tpu.memory_space<vmem>>)
      tpu.yield
    }) : () -> ()
    %dma_start3A_57 = arith.constant 0 : i32
    %dma_start3A_58 = arith.constant 0 : i32
    %dma_start3A_59 = tpu.memref_slice %arg6[%dma_start3A_57, %dma_start3A_58] : memref<40x128xi32, #tpu.memory_space<vmem>> -> memref<1x128xi32, #tpu.memory_space<vmem>>
    %dma_start3A_60 = tpu.memref_squeeze %dma_start3A_59 : memref<1x128xi32, #tpu.memory_space<vmem>> -> memref<128xi32, #tpu.memory_space<vmem>>
    %dma_start3A_61 = arith.constant 0 : i32
    %dma_start3A_62 = arith.constant 0 : i32
    %dma_start3A_63 = tpu.memref_slice %arg2[%dma_start3A_61, %dma_start3A_62] : memref<10000x128xf32, #tpu.memory_space<hbm>> -> memref<10000x128xf32, #tpu.memory_space<hbm>>
    tpu.enqueue_indirect_dma source(%dma_start3A_63 : memref<10000x128xf32, #tpu.memory_space<hbm>>) target(%arg8 : memref<128x128xf32, #tpu.memory_space<vmem>>) offsets(%dma_start3A_60 : memref<128xi32, #tpu.memory_space<vmem>>) semaphore(%arg11 : memref<!tpu.dma_semaphore, #tpu.memory_space<semaphore_mem>>)
    %dma_start3A_64 = arith.constant 1 : i32
    %dma_start3A_65 = arith.constant 0 : i32
    %dma_start3A_66 = tpu.memref_slice %arg6[%dma_start3A_64, %dma_start3A_65] : memref<40x128xi32, #tpu.memory_space<vmem>> -> memref<1x128xi32, #tpu.memory_space<vmem>>
    %dma_start3A_67 = tpu.memref_squeeze %dma_start3A_66 : memref<1x128xi32, #tpu.memory_space<vmem>> -> memref<128xi32, #tpu.memory_space<vmem>>
    %dma_start3A_68 = arith.constant 0 : i32
    %dma_start3A_69 = arith.constant 0 : i32
    %dma_start3A_70 = tpu.memref_slice %arg2[%dma_start3A_68, %dma_start3A_69] : memref<10000x128xf32, #tpu.memory_space<hbm>> -> memref<10000x128xf32, #tpu.memory_space<hbm>>
    tpu.enqueue_indirect_dma source(%dma_start3A_70 : memref<10000x128xf32, #tpu.memory_space<hbm>>) target(%arg9 : memref<128x128xf32, #tpu.memory_space<vmem>>) offsets(%dma_start3A_67 : memref<128xi32, #tpu.memory_space<vmem>>) semaphore(%arg12 : memref<!tpu.dma_semaphore, #tpu.memory_space<semaphore_mem>>)
    %scan3A_71 = arith.constant 0 : i32
    %scan3A_72 = arith.constant 19 : i32
    %scan3A_73 = arith.addi %scan3A_71, %scan3A_72 : i32
    %scan3A_74 = arith.constant 1 : i32
    scf.for %scan3A_128 = %scan3A_71 to %scan3A_73 step %scan3A_74  : i32 {
      %mul3A_129 = arith.constant 2 : i32
      %mul3A_130 = arith.muli %scan3A_128, %mul3A_129 : i32
      %add3A_131 = arith.constant 0 : i32
      %add3A_132 = arith.addi %mul3A_130, %add3A_131 : i32
      %dma_wait3A_133 = arith.constant 0 : i32
      %dma_wait3A_134 = tpu.memref_slice %arg6[%add3A_132, %dma_wait3A_133] : memref<40x128xi32, #tpu.memory_space<vmem>> -> memref<1x128xi32, #tpu.memory_space<vmem>>
      %dma_wait3A_135 = tpu.memref_squeeze %dma_wait3A_134 : memref<1x128xi32, #tpu.memory_space<vmem>> -> memref<128xi32, #tpu.memory_space<vmem>>
      %dma_wait3A_136 = arith.constant 0 : i32
      %dma_wait3A_137 = arith.constant 0 : i32
      %dma_wait3A_138 = tpu.memref_slice %arg2[%dma_wait3A_136, %dma_wait3A_137] : memref<10000x128xf32, #tpu.memory_space<hbm>> -> memref<10000x128xf32, #tpu.memory_space<hbm>>
      tpu.wait_indirect_dma semaphore(%arg11 : memref<!tpu.dma_semaphore, #tpu.memory_space<semaphore_mem>>) src(%dma_wait3A_138 : memref<10000x128xf32, #tpu.memory_space<hbm>>) dst(%arg8 : memref<128x128xf32, #tpu.memory_space<vmem>>)
      "tpu.region"() ({
        %run_scoped3A_165 = tpu.sem_alloc : memref<!tpu.dma_semaphore, #tpu.memory_space<semaphore_mem>>
        %dma_start3A_166 = arith.constant 0 : i32
        %dma_start3A_167 = tpu.memref_slice %arg7[%add3A_132, %dma_start3A_166] : memref<40x128xi32, #tpu.memory_space<vmem>> -> memref<1x128xi32, #tpu.memory_space<vmem>>
        %dma_start3A_168 = tpu.memref_squeeze %dma_start3A_167 : memref<1x128xi32, #tpu.memory_space<vmem>> -> memref<128xi32, #tpu.memory_space<vmem>>
        %dma_start3A_169 = arith.constant 0 : i32
        %dma_start3A_170 = arith.constant 0 : i32
        %dma_start3A_171 = tpu.memref_slice %arg10[%dma_start3A_169, %dma_start3A_170] : memref<10240x128xf32, #tpu.memory_space<vmem_shared>> -> memref<10240x128xf32, #tpu.memory_space<vmem_shared>>
        tpu.enqueue_indirect_dma source(%arg8 : memref<128x128xf32, #tpu.memory_space<vmem>>) target(%dma_start3A_171 : memref<10240x128xf32, #tpu.memory_space<vmem_shared>>) offsets(%dma_start3A_168 : memref<128xi32, #tpu.memory_space<vmem>>) semaphore(%run_scoped3A_165 : memref<!tpu.dma_semaphore, #tpu.memory_space<semaphore_mem>>) {add = true}
        %dma_wait3A_172 = arith.constant 0 : i32
        %dma_wait3A_173 = tpu.memref_slice %arg7[%add3A_132, %dma_wait3A_172] : memref<40x128xi32, #tpu.memory_space<vmem>> -> memref<1x128xi32, #tpu.memory_space<vmem>>
        %dma_wait3A_174 = tpu.memref_squeeze %dma_wait3A_173 : memref<1x128xi32, #tpu.memory_space<vmem>> -> memref<128xi32, #tpu.memory_space<vmem>>
        %dma_wait3A_175 = arith.constant 0 : i32
        %dma_wait3A_176 = arith.constant 0 : i32
        %dma_wait3A_177 = tpu.memref_slice %arg10[%dma_wait3A_175, %dma_wait3A_176] : memref<10240x128xf32, #tpu.memory_space<vmem_shared>> -> memref<10240x128xf32, #tpu.memory_space<vmem_shared>>
        tpu.wait_indirect_dma semaphore(%run_scoped3A_165 : memref<!tpu.dma_semaphore, #tpu.memory_space<semaphore_mem>>) src(%arg8 : memref<128x128xf32, #tpu.memory_space<vmem>>) dst(%dma_wait3A_177 : memref<10240x128xf32, #tpu.memory_space<vmem_shared>>)
        tpu.yield
      }) : () -> ()
      %add3A_139 = arith.constant 2 : i32
      %add3A_140 = arith.addi %add3A_132, %add3A_139 : i32
      %dma_start3A_141 = arith.constant 0 : i32
      %dma_start3A_142 = tpu.memref_slice %arg6[%add3A_140, %dma_start3A_141] : memref<40x128xi32, #tpu.memory_space<vmem>> -> memref<1x128xi32, #tpu.memory_space<vmem>>
      %dma_start3A_143 = tpu.memref_squeeze %dma_start3A_142 : memref<1x128xi32, #tpu.memory_space<vmem>> -> memref<128xi32, #tpu.memory_space<vmem>>
      %dma_start3A_144 = arith.constant 0 : i32
      %dma_start3A_145 = arith.constant 0 : i32
      %dma_start3A_146 = tpu.memref_slice %arg2[%dma_start3A_144, %dma_start3A_145] : memref<10000x128xf32, #tpu.memory_space<hbm>> -> memref<10000x128xf32, #tpu.memory_space<hbm>>
      tpu.enqueue_indirect_dma source(%dma_start3A_146 : memref<10000x128xf32, #tpu.memory_space<hbm>>) target(%arg8 : memref<128x128xf32, #tpu.memory_space<vmem>>) offsets(%dma_start3A_143 : memref<128xi32, #tpu.memory_space<vmem>>) semaphore(%arg11 : memref<!tpu.dma_semaphore, #tpu.memory_space<semaphore_mem>>)
      %mul3A_147 = arith.constant 2 : i32
      %mul3A_148 = arith.muli %scan3A_128, %mul3A_147 : i32
      %add3A_149 = arith.constant 1 : i32
      %add3A_150 = arith.addi %mul3A_148, %add3A_149 : i32
      %dma_wait3A_151 = arith.constant 0 : i32
      %dma_wait3A_152 = tpu.memref_slice %arg6[%add3A_150, %dma_wait3A_151] : memref<40x128xi32, #tpu.memory_space<vmem>> -> memref<1x128xi32, #tpu.memory_space<vmem>>
      %dma_wait3A_153 = tpu.memref_squeeze %dma_wait3A_152 : memref<1x128xi32, #tpu.memory_space<vmem>> -> memref<128xi32, #tpu.memory_space<vmem>>
      %dma_wait3A_154 = arith.constant 0 : i32
      %dma_wait3A_155 = arith.constant 0 : i32
      %dma_wait3A_156 = tpu.memref_slice %arg2[%dma_wait3A_154, %dma_wait3A_155] : memref<10000x128xf32, #tpu.memory_space<hbm>> -> memref<10000x128xf32, #tpu.memory_space<hbm>>
      tpu.wait_indirect_dma semaphore(%arg12 : memref<!tpu.dma_semaphore, #tpu.memory_space<semaphore_mem>>) src(%dma_wait3A_156 : memref<10000x128xf32, #tpu.memory_space<hbm>>) dst(%arg9 : memref<128x128xf32, #tpu.memory_space<vmem>>)
      "tpu.region"() ({
        %run_scoped3A_165 = tpu.sem_alloc : memref<!tpu.dma_semaphore, #tpu.memory_space<semaphore_mem>>
        %dma_start3A_166 = arith.constant 0 : i32
        %dma_start3A_167 = tpu.memref_slice %arg7[%add3A_150, %dma_start3A_166] : memref<40x128xi32, #tpu.memory_space<vmem>> -> memref<1x128xi32, #tpu.memory_space<vmem>>
        %dma_start3A_168 = tpu.memref_squeeze %dma_start3A_167 : memref<1x128xi32, #tpu.memory_space<vmem>> -> memref<128xi32, #tpu.memory_space<vmem>>
        %dma_start3A_169 = arith.constant 0 : i32
        %dma_start3A_170 = arith.constant 0 : i32
        %dma_start3A_171 = tpu.memref_slice %arg10[%dma_start3A_169, %dma_start3A_170] : memref<10240x128xf32, #tpu.memory_space<vmem_shared>> -> memref<10240x128xf32, #tpu.memory_space<vmem_shared>>
        tpu.enqueue_indirect_dma source(%arg9 : memref<128x128xf32, #tpu.memory_space<vmem>>) target(%dma_start3A_171 : memref<10240x128xf32, #tpu.memory_space<vmem_shared>>) offsets(%dma_start3A_168 : memref<128xi32, #tpu.memory_space<vmem>>) semaphore(%run_scoped3A_165 : memref<!tpu.dma_semaphore, #tpu.memory_space<semaphore_mem>>) {add = true}
        %dma_wait3A_172 = arith.constant 0 : i32
        %dma_wait3A_173 = tpu.memref_slice %arg7[%add3A_150, %dma_wait3A_172] : memref<40x128xi32, #tpu.memory_space<vmem>> -> memref<1x128xi32, #tpu.memory_space<vmem>>
        %dma_wait3A_174 = tpu.memref_squeeze %dma_wait3A_173 : memref<1x128xi32, #tpu.memory_space<vmem>> -> memref<128xi32, #tpu.memory_space<vmem>>
        %dma_wait3A_175 = arith.constant 0 : i32
        %dma_wait3A_176 = arith.constant 0 : i32
        %dma_wait3A_177 = tpu.memref_slice %arg10[%dma_wait3A_175, %dma_wait3A_176] : memref<10240x128xf32, #tpu.memory_space<vmem_shared>> -> memref<10240x128xf32, #tpu.memory_space<vmem_shared>>
        tpu.wait_indirect_dma semaphore(%run_scoped3A_165 : memref<!tpu.dma_semaphore, #tpu.memory_space<semaphore_mem>>) src(%arg9 : memref<128x128xf32, #tpu.memory_space<vmem>>) dst(%dma_wait3A_177 : memref<10240x128xf32, #tpu.memory_space<vmem_shared>>)
        tpu.yield
      }) : () -> ()
      %add3A_157 = arith.constant 2 : i32
      %add3A_158 = arith.addi %add3A_150, %add3A_157 : i32
      %dma_start3A_159 = arith.constant 0 : i32
      %dma_start3A_160 = tpu.memref_slice %arg6[%add3A_158, %dma_start3A_159] : memref<40x128xi32, #tpu.memory_space<vmem>> -> memref<1x128xi32, #tpu.memory_space<vmem>>
      %dma_start3A_161 = tpu.memref_squeeze %dma_start3A_160 : memref<1x128xi32, #tpu.memory_space<vmem>> -> memref<128xi32, #tpu.memory_space<vmem>>
      %dma_start3A_162 = arith.constant 0 : i32
      %dma_start3A_163 = arith.constant 0 : i32
      %dma_start3A_164 = tpu.memref_slice %arg2[%dma_start3A_162, %dma_start3A_163] : memref<10000x128xf32, #tpu.memory_space<hbm>> -> memref<10000x128xf32, #tpu.memory_space<hbm>>
      tpu.enqueue_indirect_dma source(%dma_start3A_164 : memref<10000x128xf32, #tpu.memory_space<hbm>>) target(%arg9 : memref<128x128xf32, #tpu.memory_space<vmem>>) offsets(%dma_start3A_161 : memref<128xi32, #tpu.memory_space<vmem>>) semaphore(%arg12 : memref<!tpu.dma_semaphore, #tpu.memory_space<semaphore_mem>>)
    }
    %scan3A_75 = arith.constant 19 : i32
    %dma_wait3A_76 = arith.constant 38 : i32
    %dma_wait3A_77 = arith.constant 0 : i32
    %dma_wait3A_78 = tpu.memref_slice %arg6[%dma_wait3A_76, %dma_wait3A_77] : memref<40x128xi32, #tpu.memory_space<vmem>> -> memref<1x128xi32, #tpu.memory_space<vmem>>
    %dma_wait3A_79 = tpu.memref_squeeze %dma_wait3A_78 : memref<1x128xi32, #tpu.memory_space<vmem>> -> memref<128xi32, #tpu.memory_space<vmem>>
    %dma_wait3A_80 = arith.constant 0 : i32
    %dma_wait3A_81 = arith.constant 0 : i32
    %dma_wait3A_82 = tpu.memref_slice %arg2[%dma_wait3A_80, %dma_wait3A_81] : memref<10000x128xf32, #tpu.memory_space<hbm>> -> memref<10000x128xf32, #tpu.memory_space<hbm>>
    tpu.wait_indirect_dma semaphore(%arg11 : memref<!tpu.dma_semaphore, #tpu.memory_space<semaphore_mem>>) src(%dma_wait3A_82 : memref<10000x128xf32, #tpu.memory_space<hbm>>) dst(%arg8 : memref<128x128xf32, #tpu.memory_space<vmem>>)
    %run_scoped3A_83 = arith.constant 38 : i32
    "tpu.region"() ({
      %run_scoped3A_128 = tpu.sem_alloc : memref<!tpu.dma_semaphore, #tpu.memory_space<semaphore_mem>>
      %dma_start3A_129 = arith.constant 0 : i32
      %dma_start3A_130 = tpu.memref_slice %arg7[%run_scoped3A_83, %dma_start3A_129] : memref<40x128xi32, #tpu.memory_space<vmem>> -> memref<1x128xi32, #tpu.memory_space<vmem>>
      %dma_start3A_131 = tpu.memref_squeeze %dma_start3A_130 : memref<1x128xi32, #tpu.memory_space<vmem>> -> memref<128xi32, #tpu.memory_space<vmem>>
      %dma_start3A_132 = arith.constant 0 : i32
      %dma_start3A_133 = arith.constant 0 : i32
      %dma_start3A_134 = tpu.memref_slice %arg10[%dma_start3A_132, %dma_start3A_133] : memref<10240x128xf32, #tpu.memory_space<vmem_shared>> -> memref<10240x128xf32, #tpu.memory_space<vmem_shared>>
      tpu.enqueue_indirect_dma source(%arg8 : memref<128x128xf32, #tpu.memory_space<vmem>>) target(%dma_start3A_134 : memref<10240x128xf32, #tpu.memory_space<vmem_shared>>) offsets(%dma_start3A_131 : memref<128xi32, #tpu.memory_space<vmem>>) semaphore(%run_scoped3A_128 : memref<!tpu.dma_semaphore, #tpu.memory_space<semaphore_mem>>) {add = true}
      %dma_wait3A_135 = arith.constant 0 : i32
      %dma_wait3A_136 = tpu.memref_slice %arg7[%run_scoped3A_83, %dma_wait3A_135] : memref<40x128xi32, #tpu.memory_space<vmem>> -> memref<1x128xi32, #tpu.memory_space<vmem>>
      %dma_wait3A_137 = tpu.memref_squeeze %dma_wait3A_136 : memref<1x128xi32, #tpu.memory_space<vmem>> -> memref<128xi32, #tpu.memory_space<vmem>>
      %dma_wait3A_138 = arith.constant 0 : i32
      %dma_wait3A_139 = arith.constant 0 : i32
      %dma_wait3A_140 = tpu.memref_slice %arg10[%dma_wait3A_138, %dma_wait3A_139] : memref<10240x128xf32, #tpu.memory_space<vmem_shared>> -> memref<10240x128xf32, #tpu.memory_space<vmem_shared>>
      tpu.wait_indirect_dma semaphore(%run_scoped3A_128 : memref<!tpu.dma_semaphore, #tpu.memory_space<semaphore_mem>>) src(%arg8 : memref<128x128xf32, #tpu.memory_space<vmem>>) dst(%dma_wait3A_140 : memref<10240x128xf32, #tpu.memory_space<vmem_shared>>)
      tpu.yield
    }) : () -> ()
    %dma_wait3A_84 = arith.constant 39 : i32
    %dma_wait3A_85 = arith.constant 0 : i32
    %dma_wait3A_86 = tpu.memref_slice %arg6[%dma_wait3A_84, %dma_wait3A_85] : memref<40x128xi32, #tpu.memory_space<vmem>> -> memref<1x128xi32, #tpu.memory_space<vmem>>
    %dma_wait3A_87 = tpu.memref_squeeze %dma_wait3A_86 : memref<1x128xi32, #tpu.memory_space<vmem>> -> memref<128xi32, #tpu.memory_space<vmem>>
    %dma_wait3A_88 = arith.constant 0 : i32
    %dma_wait3A_89 = arith.constant 0 : i32
    %dma_wait3A_90 = tpu.memref_slice %arg2[%dma_wait3A_88, %dma_wait3A_89] : memref<10000x128xf32, #tpu.memory_space<hbm>> -> memref<10000x128xf32, #tpu.memory_space<hbm>>
    tpu.wait_indirect_dma semaphore(%arg12 : memref<!tpu.dma_semaphore, #tpu.memory_space<semaphore_mem>>) src(%dma_wait3A_90 : memref<10000x128xf32, #tpu.memory_space<hbm>>) dst(%arg9 : memref<128x128xf32, #tpu.memory_space<vmem>>)
    %run_scoped3A_91 = arith.constant 39 : i32
    "tpu.region"() ({
      %run_scoped3A_128 = tpu.sem_alloc : memref<!tpu.dma_semaphore, #tpu.memory_space<semaphore_mem>>
      %dma_start3A_129 = arith.constant 0 : i32
      %dma_start3A_130 = tpu.memref_slice %arg7[%run_scoped3A_91, %dma_start3A_129] : memref<40x128xi32, #tpu.memory_space<vmem>> -> memref<1x128xi32, #tpu.memory_space<vmem>>
      %dma_start3A_131 = tpu.memref_squeeze %dma_start3A_130 : memref<1x128xi32, #tpu.memory_space<vmem>> -> memref<128xi32, #tpu.memory_space<vmem>>
      %dma_start3A_132 = arith.constant 0 : i32
      %dma_start3A_133 = arith.constant 0 : i32
      %dma_start3A_134 = tpu.memref_slice %arg10[%dma_start3A_132, %dma_start3A_133] : memref<10240x128xf32, #tpu.memory_space<vmem_shared>> -> memref<10240x128xf32, #tpu.memory_space<vmem_shared>>
      tpu.enqueue_indirect_dma source(%arg9 : memref<128x128xf32, #tpu.memory_space<vmem>>) target(%dma_start3A_134 : memref<10240x128xf32, #tpu.memory_space<vmem_shared>>) offsets(%dma_start3A_131 : memref<128xi32, #tpu.memory_space<vmem>>) semaphore(%run_scoped3A_128 : memref<!tpu.dma_semaphore, #tpu.memory_space<semaphore_mem>>) {add = true}
      %dma_wait3A_135 = arith.constant 0 : i32
      %dma_wait3A_136 = tpu.memref_slice %arg7[%run_scoped3A_91, %dma_wait3A_135] : memref<40x128xi32, #tpu.memory_space<vmem>> -> memref<1x128xi32, #tpu.memory_space<vmem>>
      %dma_wait3A_137 = tpu.memref_squeeze %dma_wait3A_136 : memref<1x128xi32, #tpu.memory_space<vmem>> -> memref<128xi32, #tpu.memory_space<vmem>>
      %dma_wait3A_138 = arith.constant 0 : i32
      %dma_wait3A_139 = arith.constant 0 : i32
      %dma_wait3A_140 = tpu.memref_slice %arg10[%dma_wait3A_138, %dma_wait3A_139] : memref<10240x128xf32, #tpu.memory_space<vmem_shared>> -> memref<10240x128xf32, #tpu.memory_space<vmem_shared>>
      tpu.wait_indirect_dma semaphore(%run_scoped3A_128 : memref<!tpu.dma_semaphore, #tpu.memory_space<semaphore_mem>>) src(%arg9 : memref<128x128xf32, #tpu.memory_space<vmem>>) dst(%dma_wait3A_140 : memref<10240x128xf32, #tpu.memory_space<vmem_shared>>)
      tpu.yield
    }) : () -> ()
    %barrier3A_92 = arith.constant 0 : index
    tpu.barrier barrier_id(%barrier3A_92)
    %mul3A_93 = arith.constant 640 : i32
    %mul3A_94 = arith.muli %arg1, %mul3A_93 : i32
    %add3A_95 = arith.constant 0 : i32
    %add3A_96 = arith.addi %mul3A_94, %add3A_95 : i32
    %mul3A_97 = arith.constant 10240 : i32
    %mul3A_98 = arith.muli %arg0, %mul3A_97 : i32
    %add3A_99 = arith.addi %mul3A_98, %add3A_96 : i32
    "tpu.region"() ({
      %run_scoped3A_128 = tpu.sem_alloc : memref<!tpu.dma_semaphore, #tpu.memory_space<semaphore_mem>>
      %dma_start3A_129 = arith.constant 0 : i32
      %dma_start3A_130 = tpu.memref_slice %arg5[%add3A_99, %dma_start3A_129] : memref<20480x128xf32, #tpu.memory_space<hbm>> -> memref<128x128xf32, #tpu.memory_space<hbm>>
      %dma_start3A_131 = arith.constant 0 : i32
      %dma_start3A_132 = tpu.memref_slice %arg10[%add3A_96, %dma_start3A_131] : memref<10240x128xf32, #tpu.memory_space<vmem_shared>> -> memref<128x128xf32, #tpu.memory_space<vmem_shared>>
      tpu.enqueue_dma source(%dma_start3A_132 : memref<128x128xf32, #tpu.memory_space<vmem_shared>>) target(%dma_start3A_130 : memref<128x128xf32, #tpu.memory_space<hbm>>) target_semaphore(%run_scoped3A_128 : memref<!tpu.dma_semaphore, #tpu.memory_space<semaphore_mem>>)
      %dma_wait3A_133 = arith.constant 0 : i32
      %dma_wait3A_134 = tpu.memref_slice %arg5[%add3A_99, %dma_wait3A_133] : memref<20480x128xf32, #tpu.memory_space<hbm>> -> memref<128x128xf32, #tpu.memory_space<hbm>>
      %dma_wait3A_135 = arith.constant 0 : i32
      %dma_wait3A_136 = tpu.memref_slice %arg10[%add3A_96, %dma_wait3A_135] : memref<10240x128xf32, #tpu.memory_space<vmem_shared>> -> memref<128x128xf32, #tpu.memory_space<vmem_shared>>
      tpu.wait_dma2 semaphore(%run_scoped3A_128 : memref<!tpu.dma_semaphore, #tpu.memory_space<semaphore_mem>>) src(%dma_wait3A_136 : memref<128x128xf32, #tpu.memory_space<vmem_shared>>) dst(%dma_wait3A_134 : memref<128x128xf32, #tpu.memory_space<hbm>>)
      tpu.yield
    }) : () -> ()
    %mul3A_100 = arith.constant 640 : i32
    %mul3A_101 = arith.muli %arg1, %mul3A_100 : i32
    %add3A_102 = arith.constant 128 : i32
    %add3A_103 = arith.addi %mul3A_101, %add3A_102 : i32
    %mul3A_104 = arith.constant 10240 : i32
    %mul3A_105 = arith.muli %arg0, %mul3A_104 : i32
    %add3A_106 = arith.addi %mul3A_105, %add3A_103 : i32
    "tpu.region"() ({
      %run_scoped3A_128 = tpu.sem_alloc : memref<!tpu.dma_semaphore, #tpu.memory_space<semaphore_mem>>
      %dma_start3A_129 = arith.constant 0 : i32
      %dma_start3A_130 = tpu.memref_slice %arg5[%add3A_106, %dma_start3A_129] : memref<20480x128xf32, #tpu.memory_space<hbm>> -> memref<128x128xf32, #tpu.memory_space<hbm>>
      %dma_start3A_131 = arith.constant 0 : i32
      %dma_start3A_132 = tpu.memref_slice %arg10[%add3A_103, %dma_start3A_131] : memref<10240x128xf32, #tpu.memory_space<vmem_shared>> -> memref<128x128xf32, #tpu.memory_space<vmem_shared>>
      tpu.enqueue_dma source(%dma_start3A_132 : memref<128x128xf32, #tpu.memory_space<vmem_shared>>) target(%dma_start3A_130 : memref<128x128xf32, #tpu.memory_space<hbm>>) target_semaphore(%run_scoped3A_128 : memref<!tpu.dma_semaphore, #tpu.memory_space<semaphore_mem>>)
      %dma_wait3A_133 = arith.constant 0 : i32
      %dma_wait3A_134 = tpu.memref_slice %arg5[%add3A_106, %dma_wait3A_133] : memref<20480x128xf32, #tpu.memory_space<hbm>> -> memref<128x128xf32, #tpu.memory_space<hbm>>
      %dma_wait3A_135 = arith.constant 0 : i32
      %dma_wait3A_136 = tpu.memref_slice %arg10[%add3A_103, %dma_wait3A_135] : memref<10240x128xf32, #tpu.memory_space<vmem_shared>> -> memref<128x128xf32, #tpu.memory_space<vmem_shared>>
      tpu.wait_dma2 semaphore(%run_scoped3A_128 : memref<!tpu.dma_semaphore, #tpu.memory_space<semaphore_mem>>) src(%dma_wait3A_136 : memref<128x128xf32, #tpu.memory_space<vmem_shared>>) dst(%dma_wait3A_134 : memref<128x128xf32, #tpu.memory_space<hbm>>)
      tpu.yield
    }) : () -> ()
    %mul3A_107 = arith.constant 640 : i32
    %mul3A_108 = arith.muli %arg1, %mul3A_107 : i32
    %add3A_109 = arith.constant 256 : i32
    %add3A_110 = arith.addi %mul3A_108, %add3A_109 : i32
    %mul3A_111 = arith.constant 10240 : i32
    %mul3A_112 = arith.muli %arg0, %mul3A_111 : i32
    %add3A_113 = arith.addi %mul3A_112, %add3A_110 : i32
    "tpu.region"() ({
      %run_scoped3A_128 = tpu.sem_alloc : memref<!tpu.dma_semaphore, #tpu.memory_space<semaphore_mem>>
      %dma_start3A_129 = arith.constant 0 : i32
      %dma_start3A_130 = tpu.memref_slice %arg5[%add3A_113, %dma_start3A_129] : memref<20480x128xf32, #tpu.memory_space<hbm>> -> memref<128x128xf32, #tpu.memory_space<hbm>>
      %dma_start3A_131 = arith.constant 0 : i32
      %dma_start3A_132 = tpu.memref_slice %arg10[%add3A_110, %dma_start3A_131] : memref<10240x128xf32, #tpu.memory_space<vmem_shared>> -> memref<128x128xf32, #tpu.memory_space<vmem_shared>>
      tpu.enqueue_dma source(%dma_start3A_132 : memref<128x128xf32, #tpu.memory_space<vmem_shared>>) target(%dma_start3A_130 : memref<128x128xf32, #tpu.memory_space<hbm>>) target_semaphore(%run_scoped3A_128 : memref<!tpu.dma_semaphore, #tpu.memory_space<semaphore_mem>>)
      %dma_wait3A_133 = arith.constant 0 : i32
      %dma_wait3A_134 = tpu.memref_slice %arg5[%add3A_113, %dma_wait3A_133] : memref<20480x128xf32, #tpu.memory_space<hbm>> -> memref<128x128xf32, #tpu.memory_space<hbm>>
      %dma_wait3A_135 = arith.constant 0 : i32
      %dma_wait3A_136 = tpu.memref_slice %arg10[%add3A_110, %dma_wait3A_135] : memref<10240x128xf32, #tpu.memory_space<vmem_shared>> -> memref<128x128xf32, #tpu.memory_space<vmem_shared>>
      tpu.wait_dma2 semaphore(%run_scoped3A_128 : memref<!tpu.dma_semaphore, #tpu.memory_space<semaphore_mem>>) src(%dma_wait3A_136 : memref<128x128xf32, #tpu.memory_space<vmem_shared>>) dst(%dma_wait3A_134 : memref<128x128xf32, #tpu.memory_space<hbm>>)
      tpu.yield
    }) : () -> ()
    %mul3A_114 = arith.constant 640 : i32
    %mul3A_115 = arith.muli %arg1, %mul3A_114 : i32
    %add3A_116 = arith.constant 384 : i32
    %add3A_117 = arith.addi %mul3A_115, %add3A_116 : i32
    %mul3A_118 = arith.constant 10240 : i32
    %mul3A_119 = arith.muli %arg0, %mul3A_118 : i32
    %add3A_120 = arith.addi %mul3A_119, %add3A_117 : i32
    "tpu.region"() ({
      %run_scoped3A_128 = tpu.sem_alloc : memref<!tpu.dma_semaphore, #tpu.memory_space<semaphore_mem>>
      %dma_start3A_129 = arith.constant 0 : i32
      %dma_start3A_130 = tpu.memref_slice %arg5[%add3A_120, %dma_start3A_129] : memref<20480x128xf32, #tpu.memory_space<hbm>> -> memref<128x128xf32, #tpu.memory_space<hbm>>
      %dma_start3A_131 = arith.constant 0 : i32
      %dma_start3A_132 = tpu.memref_slice %arg10[%add3A_117, %dma_start3A_131] : memref<10240x128xf32, #tpu.memory_space<vmem_shared>> -> memref<128x128xf32, #tpu.memory_space<vmem_shared>>
      tpu.enqueue_dma source(%dma_start3A_132 : memref<128x128xf32, #tpu.memory_space<vmem_shared>>) target(%dma_start3A_130 : memref<128x128xf32, #tpu.memory_space<hbm>>) target_semaphore(%run_scoped3A_128 : memref<!tpu.dma_semaphore, #tpu.memory_space<semaphore_mem>>)
      %dma_wait3A_133 = arith.constant 0 : i32
      %dma_wait3A_134 = tpu.memref_slice %arg5[%add3A_120, %dma_wait3A_133] : memref<20480x128xf32, #tpu.memory_space<hbm>> -> memref<128x128xf32, #tpu.memory_space<hbm>>
      %dma_wait3A_135 = arith.constant 0 : i32
      %dma_wait3A_136 = tpu.memref_slice %arg10[%add3A_117, %dma_wait3A_135] : memref<10240x128xf32, #tpu.memory_space<vmem_shared>> -> memref<128x128xf32, #tpu.memory_space<vmem_shared>>
      tpu.wait_dma2 semaphore(%run_scoped3A_128 : memref<!tpu.dma_semaphore, #tpu.memory_space<semaphore_mem>>) src(%dma_wait3A_136 : memref<128x128xf32, #tpu.memory_space<vmem_shared>>) dst(%dma_wait3A_134 : memref<128x128xf32, #tpu.memory_space<hbm>>)
      tpu.yield
    }) : () -> ()
    %mul3A_121 = arith.constant 640 : i32
    %mul3A_122 = arith.muli %arg1, %mul3A_121 : i32
    %add3A_123 = arith.constant 512 : i32
    %add3A_124 = arith.addi %mul3A_122, %add3A_123 : i32
    %mul3A_125 = arith.constant 10240 : i32
    %mul3A_126 = arith.muli %arg0, %mul3A_125 : i32
    %add3A_127 = arith.addi %mul3A_126, %add3A_124 : i32
    "tpu.region"() ({
      %run_scoped3A_128 = tpu.sem_alloc : memref<!tpu.dma_semaphore, #tpu.memory_space<semaphore_mem>>
      %dma_start3A_129 = arith.constant 0 : i32
      %dma_start3A_130 = tpu.memref_slice %arg5[%add3A_127, %dma_start3A_129] : memref<20480x128xf32, #tpu.memory_space<hbm>> -> memref<128x128xf32, #tpu.memory_space<hbm>>
      %dma_start3A_131 = arith.constant 0 : i32
      %dma_start3A_132 = tpu.memref_slice %arg10[%add3A_124, %dma_start3A_131] : memref<10240x128xf32, #tpu.memory_space<vmem_shared>> -> memref<128x128xf32, #tpu.memory_space<vmem_shared>>
      tpu.enqueue_dma source(%dma_start3A_132 : memref<128x128xf32, #tpu.memory_space<vmem_shared>>) target(%dma_start3A_130 : memref<128x128xf32, #tpu.memory_space<hbm>>) target_semaphore(%run_scoped3A_128 : memref<!tpu.dma_semaphore, #tpu.memory_space<semaphore_mem>>)
      %dma_wait3A_133 = arith.constant 0 : i32
      %dma_wait3A_134 = tpu.memref_slice %arg5[%add3A_127, %dma_wait3A_133] : memref<20480x128xf32, #tpu.memory_space<hbm>> -> memref<128x128xf32, #tpu.memory_space<hbm>>
      %dma_wait3A_135 = arith.constant 0 : i32
      %dma_wait3A_136 = tpu.memref_slice %arg10[%add3A_124, %dma_wait3A_135] : memref<10240x128xf32, #tpu.memory_space<vmem_shared>> -> memref<128x128xf32, #tpu.memory_space<vmem_shared>>
      tpu.wait_dma2 semaphore(%run_scoped3A_128 : memref<!tpu.dma_semaphore, #tpu.memory_space<semaphore_mem>>) src(%dma_wait3A_136 : memref<128x128xf32, #tpu.memory_space<vmem_shared>>) dst(%dma_wait3A_134 : memref<128x128xf32, #tpu.memory_space<hbm>>)
      tpu.yield
    }) : () -> ()
    return
  }
}

module attributes {stable_mosaic.version = 14 : i64} {
  func.func @_tc_matmul_scale_kern(%arg0: i32, %arg1: memref<2000x128xf32, #tpu.memory_space<vmem>>, %arg2: memref<128x128xf32, #tpu.memory_space<vmem>>, %arg3: memref<2000x2xf32, #tpu.memory_space<vmem>>, %arg4: memref<2000x128xf32, #tpu.memory_space<vmem>>) attributes {dimension_semantics = [#tpu.dimension_semantics<arbitrary>], iteration_bounds = array<i64: 5>, scalar_prefetch = 0 : i64, scratch_operands = 0 : i64, tpu.core_type = #tpu.core_type<tc>, window_params = [{transform_indices = @transform_0, window_bounds = array<i64: 2000, 128>}, {pipeline_mode = #tpu.pipeline_mode<synchronous>, transform_indices = @transform_1, window_bounds = array<i64: 128, 128>}, {transform_indices = @transform_2, window_bounds = array<i64: 2000, 2>}, {transform_indices = @transform_3, window_bounds = array<i64: 2000, 128>}]} {
    %get3A = arith.constant 0 : index
    %get3A_0 = arith.constant 0 : index
    %get3A_1 = vector.load %arg1[%get3A, %get3A_0] : memref<2000x128xf32, #tpu.memory_space<vmem>>, vector<2000x128xf32>
    %get3A_2 = arith.constant 0 : index
    %get3A_3 = arith.constant 0 : index
    %get3A_4 = vector.load %arg2[%get3A_2, %get3A_3] : memref<128x128xf32, #tpu.memory_space<vmem>>, vector<128x128xf32>
    %dot_general3A = arith.constant dense<0.000000e+00> : vector<2000x128xf32>
    %dot_general3A_5 = tpu.matmul %get3A_1, %get3A_4, %dot_general3A {dimension_numbers = #tpu.dot_dimension_numbers<[1], [0], [0], [1], [0, 0, 1, 1], [], []>, transpose_lhs_hint = false} : vector<2000x128xf32>, vector<128x128xf32>, vector<2000x128xf32> -> vector<2000x128xf32>
    %get3A_6 = arith.constant 0 : index
    %get3A_7 = arith.constant 0 : index
    %get3A_8 = vector.load %arg3[%get3A_6, %get3A_7] : memref<2000x2xf32, #tpu.memory_space<vmem>>, vector<2000x2xf32>
    %slice3A = vector.extract_strided_slice %get3A_8 {offsets = [0, 0], sizes = [2000, 1], strides = [1, 1]} : vector<2000x2xf32> to vector<2000x1xf32>
    %squeeze3A = vector.shape_cast %slice3A : vector<2000x1xf32> to vector<2000xf32>
    %slice3A_9 = vector.extract_strided_slice %get3A_8 {offsets = [0, 1], sizes = [2000, 1], strides = [1, 1]} : vector<2000x2xf32> to vector<2000x1xf32>
    %squeeze3A_10 = vector.shape_cast %slice3A_9 : vector<2000x1xf32> to vector<2000xf32>
    %add3A = arith.addf %squeeze3A, %squeeze3A_10 : vector<2000xf32>
    %add3A_11 = arith.constant 1.000000e+00 : f32
    %add3A_12 = vector.broadcast %add3A_11 : f32 to vector<2000xf32>
    %add3A_13 = arith.addf %add3A, %add3A_12 : vector<2000xf32>
    %rsqrt3A = math.rsqrt %add3A_13 : vector<2000xf32>
    %broadcast_in_dim3A = vector.shape_cast %rsqrt3A : vector<2000xf32> to vector<2000x1xf32>
    %mul3A = vector.broadcast %broadcast_in_dim3A : vector<2000x1xf32> to vector<2000x128xf32>
    %mul3A_14 = arith.mulf %dot_general3A_5, %mul3A : vector<2000x128xf32>
    %swap3A = arith.constant 0 : index
    %swap3A_15 = arith.constant 0 : index
    %swap3A_16 = vector.load %arg4[%swap3A, %swap3A_15] : memref<2000x128xf32, #tpu.memory_space<vmem>>, vector<2000x128xf32>
    tpu.vector_store %arg4[%swap3A, %swap3A_15], %mul3A_14 {strides = array<i32>} : memref<2000x128xf32, #tpu.memory_space<vmem>>, vector<2000x128xf32>,
    return
  }
  func.func @transform_0(%arg0: i32) -> (i32, i32) {
    %c0_i32 = arith.constant 0 : i32
    %c0_i32_0 = arith.constant 0 : i32
    return %arg0, %c0_i32 : i32, i32
  }
  func.func @transform_1(%arg0: i32) -> (i32, i32) {
    %c0_i32 = arith.constant 0 : i32
    %c0_i32_0 = arith.constant 0 : i32
    %c0_i32_1 = arith.constant 0 : i32
    return %c0_i32, %c0_i32_0 : i32, i32
  }
  func.func @transform_2(%arg0: i32) -> (i32, i32) {
    %c0_i32 = arith.constant 0 : i32
    %c0_i32_0 = arith.constant 0 : i32
    return %arg0, %c0_i32 : i32, i32
  }
  func.func @transform_3(%arg0: i32) -> (i32, i32) {
    %c0_i32 = arith.constant 0 : i32
    %c0_i32_0 = arith.constant 0 : i32
    return %arg0, %c0_i32 : i32, i32
  }
}

module attributes {stable_mosaic.version = 14 : i64} {
  func.func @_tc_mid_kern(%arg0: i32, %arg1: memref<2x2000x128xf32, #tpu.memory_space<vmem>>, %arg2: memref<2000x128xf32, #tpu.memory_space<vmem>>, %arg3: memref<2000x2xf32, #tpu.memory_space<vmem>>, %arg4: memref<1x128xf32, #tpu.memory_space<vmem>>, %arg5: memref<2000x128xf32, #tpu.memory_space<vmem>>) attributes {dimension_semantics = [#tpu.dimension_semantics<arbitrary>], iteration_bounds = array<i64: 5>, scalar_prefetch = 0 : i64, scratch_operands = 0 : i64, tpu.core_type = #tpu.core_type<tc>, window_params = [{transform_indices = @transform_0, window_bounds = array<i64: 2, 2000, 128>}, {transform_indices = @transform_1, window_bounds = array<i64: 2000, 128>}, {transform_indices = @transform_2, window_bounds = array<i64: 2000, 2>}, {pipeline_mode = #tpu.pipeline_mode<synchronous>, transform_indices = @transform_3, window_bounds = array<i64: 1, 128>}, {transform_indices = @transform_4, window_bounds = array<i64: 2000, 128>}]} {
    %get3A = arith.constant 0 : index
    %get3A_0 = arith.constant 0 : index
    %get3A_1 = vector.load %arg3[%get3A, %get3A_0] : memref<2000x2xf32, #tpu.memory_space<vmem>>, vector<2000x2xf32>
    %slice3A = vector.extract_strided_slice %get3A_1 {offsets = [0, 0], sizes = [2000, 1], strides = [1, 1]} : vector<2000x2xf32> to vector<2000x1xf32>
    %squeeze3A = vector.shape_cast %slice3A : vector<2000x1xf32> to vector<2000xf32>
    %slice3A_2 = vector.extract_strided_slice %get3A_1 {offsets = [0, 1], sizes = [2000, 1], strides = [1, 1]} : vector<2000x2xf32> to vector<2000x1xf32>
    %squeeze3A_3 = vector.shape_cast %slice3A_2 : vector<2000x1xf32> to vector<2000xf32>
    %add3A = arith.addf %squeeze3A, %squeeze3A_3 : vector<2000xf32>
    %add3A_4 = arith.constant 1.000000e+00 : f32
    %add3A_5 = vector.broadcast %add3A_4 : f32 to vector<2000xf32>
    %add3A_6 = arith.addf %add3A, %add3A_5 : vector<2000xf32>
    %rsqrt3A = math.rsqrt %add3A_6 : vector<2000xf32>
    %broadcast_in_dim3A = vector.shape_cast %rsqrt3A : vector<2000xf32> to vector<2000x1xf32>
    %get3A_7 = arith.constant 0 : index
    %get3A_8 = arith.constant 0 : index
    %get3A_9 = arith.constant 0 : index
    %get3A_10 = vector.load %arg1[%get3A_7, %get3A_8, %get3A_9] : memref<2x2000x128xf32, #tpu.memory_space<vmem>>, vector<1x2000x128xf32>
    %get3A_11 = vector.shape_cast %get3A_10 : vector<1x2000x128xf32> to vector<2000x128xf32>
    %get3A_12 = arith.constant 1 : index
    %get3A_13 = arith.constant 0 : index
    %get3A_14 = arith.constant 0 : index
    %get3A_15 = vector.load %arg1[%get3A_12, %get3A_13, %get3A_14] : memref<2x2000x128xf32, #tpu.memory_space<vmem>>, vector<1x2000x128xf32>
    %get3A_16 = vector.shape_cast %get3A_15 : vector<1x2000x128xf32> to vector<2000x128xf32>
    %add3A_17 = arith.addf %get3A_11, %get3A_16 : vector<2000x128xf32>
    %get3A_18 = arith.constant 0 : index
    %get3A_19 = arith.constant 0 : index
    %get3A_20 = vector.load %arg2[%get3A_18, %get3A_19] : memref<2000x128xf32, #tpu.memory_space<vmem>>, vector<2000x128xf32>
    %add3A_21 = arith.addf %add3A_17, %get3A_20 : vector<2000x128xf32>
    %mul3A = vector.broadcast %broadcast_in_dim3A : vector<2000x1xf32> to vector<2000x128xf32>
    %mul3A_22 = arith.mulf %mul3A, %add3A_21 : vector<2000x128xf32>
    %get3A_23 = arith.constant 0 : index
    %get3A_24 = arith.constant 0 : index
    %get3A_25 = vector.load %arg4[%get3A_23, %get3A_24] : memref<1x128xf32, #tpu.memory_space<vmem>>, vector<1x128xf32>
    %add3A_26 = vector.broadcast %get3A_25 : vector<1x128xf32> to vector<2000x128xf32>
    %add3A_27 = arith.addf %mul3A_22, %add3A_26 : vector<2000x128xf32>
    %max3A = arith.constant 0.000000e+00 : f32
    %max3A_28 = vector.broadcast %max3A : f32 to vector<2000x128xf32>
    %max3A_29 = arith.maximumf %add3A_27, %max3A_28 : vector<2000x128xf32>
    %mul3A_30 = vector.broadcast %broadcast_in_dim3A : vector<2000x1xf32> to vector<2000x128xf32>
    %mul3A_31 = arith.mulf %mul3A_30, %max3A_29 : vector<2000x128xf32>
    %swap3A = arith.constant 0 : index
    %swap3A_32 = arith.constant 0 : index
    %swap3A_33 = vector.load %arg5[%swap3A, %swap3A_32] : memref<2000x128xf32, #tpu.memory_space<vmem>>, vector<2000x128xf32>
    tpu.vector_store %arg5[%swap3A, %swap3A_32], %mul3A_31 {strides = array<i32>} : memref<2000x128xf32, #tpu.memory_space<vmem>>, vector<2000x128xf32>,
    return
  }
  func.func @transform_0(%arg0: i32) -> (i32, i32, i32) {
    %c0_i32 = arith.constant 0 : i32
    %c0_i32_0 = arith.constant 0 : i32
    %c0_i32_1 = arith.constant 0 : i32
    return %c0_i32, %arg0, %c0_i32_0 : i32, i32, i32
  }
  func.func @transform_1(%arg0: i32) -> (i32, i32) {
    %c0_i32 = arith.constant 0 : i32
    %c0_i32_0 = arith.constant 0 : i32
    return %arg0, %c0_i32 : i32, i32
  }
  func.func @transform_2(%arg0: i32) -> (i32, i32) {
    %c0_i32 = arith.constant 0 : i32
    %c0_i32_0 = arith.constant 0 : i32
    return %arg0, %c0_i32 : i32, i32
  }
  func.func @transform_3(%arg0: i32) -> (i32, i32) {
    %c0_i32 = arith.constant 0 : i32
    %c0_i32_0 = arith.constant 0 : i32
    %c0_i32_1 = arith.constant 0 : i32
    return %c0_i32, %c0_i32_0 : i32, i32
  }
  func.func @transform_4(%arg0: i32) -> (i32, i32) {
    %c0_i32 = arith.constant 0 : i32
    %c0_i32_0 = arith.constant 0 : i32
    return %arg0, %c0_i32 : i32, i32
  }
}

module attributes {stable_mosaic.version = 14 : i64} {
  func.func @_tc_out_kern(%arg0: i32, %arg1: memref<2x2000x128xf32, #tpu.memory_space<vmem>>, %arg2: memref<2000x128xf32, #tpu.memory_space<vmem>>, %arg3: memref<2000x2xf32, #tpu.memory_space<vmem>>, %arg4: memref<128x128xf32, #tpu.memory_space<vmem>>, %arg5: memref<1x128xf32, #tpu.memory_space<vmem>>, %arg6: memref<2000x128xf32, #tpu.memory_space<vmem>>) attributes {dimension_semantics = [#tpu.dimension_semantics<arbitrary>], iteration_bounds = array<i64: 5>, scalar_prefetch = 0 : i64, scratch_operands = 0 : i64, tpu.core_type = #tpu.core_type<tc>, window_params = [{transform_indices = @transform_0, window_bounds = array<i64: 2, 2000, 128>}, {transform_indices = @transform_1, window_bounds = array<i64: 2000, 128>}, {transform_indices = @transform_2, window_bounds = array<i64: 2000, 2>}, {pipeline_mode = #tpu.pipeline_mode<synchronous>, transform_indices = @transform_3, window_bounds = array<i64: 128, 128>}, {pipeline_mode = #tpu.pipeline_mode<synchronous>, transform_indices = @transform_4, window_bounds = array<i64: 1, 128>}, {transform_indices = @transform_5, window_bounds = array<i64: 2000, 128>}]} {
    %get3A = arith.constant 0 : index
    %get3A_0 = arith.constant 0 : index
    %get3A_1 = vector.load %arg3[%get3A, %get3A_0] : memref<2000x2xf32, #tpu.memory_space<vmem>>, vector<2000x2xf32>
    %slice3A = vector.extract_strided_slice %get3A_1 {offsets = [0, 0], sizes = [2000, 1], strides = [1, 1]} : vector<2000x2xf32> to vector<2000x1xf32>
    %squeeze3A = vector.shape_cast %slice3A : vector<2000x1xf32> to vector<2000xf32>
    %slice3A_2 = vector.extract_strided_slice %get3A_1 {offsets = [0, 1], sizes = [2000, 1], strides = [1, 1]} : vector<2000x2xf32> to vector<2000x1xf32>
    %squeeze3A_3 = vector.shape_cast %slice3A_2 : vector<2000x1xf32> to vector<2000xf32>
    %add3A = arith.addf %squeeze3A, %squeeze3A_3 : vector<2000xf32>
    %add3A_4 = arith.constant 1.000000e+00 : f32
    %add3A_5 = vector.broadcast %add3A_4 : f32 to vector<2000xf32>
    %add3A_6 = arith.addf %add3A, %add3A_5 : vector<2000xf32>
    %rsqrt3A = math.rsqrt %add3A_6 : vector<2000xf32>
    %broadcast_in_dim3A = vector.shape_cast %rsqrt3A : vector<2000xf32> to vector<2000x1xf32>
    %get3A_7 = arith.constant 0 : index
    %get3A_8 = arith.constant 0 : index
    %get3A_9 = arith.constant 0 : index
    %get3A_10 = vector.load %arg1[%get3A_7, %get3A_8, %get3A_9] : memref<2x2000x128xf32, #tpu.memory_space<vmem>>, vector<1x2000x128xf32>
    %get3A_11 = vector.shape_cast %get3A_10 : vector<1x2000x128xf32> to vector<2000x128xf32>
    %get3A_12 = arith.constant 1 : index
    %get3A_13 = arith.constant 0 : index
    %get3A_14 = arith.constant 0 : index
    %get3A_15 = vector.load %arg1[%get3A_12, %get3A_13, %get3A_14] : memref<2x2000x128xf32, #tpu.memory_space<vmem>>, vector<1x2000x128xf32>
    %get3A_16 = vector.shape_cast %get3A_15 : vector<1x2000x128xf32> to vector<2000x128xf32>
    %add3A_17 = arith.addf %get3A_11, %get3A_16 : vector<2000x128xf32>
    %get3A_18 = arith.constant 0 : index
    %get3A_19 = arith.constant 0 : index
    %get3A_20 = vector.load %arg2[%get3A_18, %get3A_19] : memref<2000x128xf32, #tpu.memory_space<vmem>>, vector<2000x128xf32>
    %add3A_21 = arith.addf %add3A_17, %get3A_20 : vector<2000x128xf32>
    %mul3A = vector.broadcast %broadcast_in_dim3A : vector<2000x1xf32> to vector<2000x128xf32>
    %mul3A_22 = arith.mulf %mul3A, %add3A_21 : vector<2000x128xf32>
    %get3A_23 = arith.constant 0 : index
    %get3A_24 = arith.constant 0 : index
    %get3A_25 = vector.load %arg4[%get3A_23, %get3A_24] : memref<128x128xf32, #tpu.memory_space<vmem>>, vector<128x128xf32>
    %dot_general3A = arith.constant dense<0.000000e+00> : vector<2000x128xf32>
    %dot_general3A_26 = tpu.matmul %mul3A_22, %get3A_25, %dot_general3A {dimension_numbers = #tpu.dot_dimension_numbers<[1], [0], [0], [1], [0, 0, 1, 1], [], []>, transpose_lhs_hint = false} : vector<2000x128xf32>, vector<128x128xf32>, vector<2000x128xf32> -> vector<2000x128xf32>
    %get3A_27 = arith.constant 0 : index
    %get3A_28 = arith.constant 0 : index
    %get3A_29 = vector.load %arg5[%get3A_27, %get3A_28] : memref<1x128xf32, #tpu.memory_space<vmem>>, vector<1x128xf32>
    %add3A_30 = vector.broadcast %get3A_29 : vector<1x128xf32> to vector<2000x128xf32>
    %add3A_31 = arith.addf %dot_general3A_26, %add3A_30 : vector<2000x128xf32>
    %swap3A = arith.constant 0 : index
    %swap3A_32 = arith.constant 0 : index
    %swap3A_33 = vector.load %arg6[%swap3A, %swap3A_32] : memref<2000x128xf32, #tpu.memory_space<vmem>>, vector<2000x128xf32>
    tpu.vector_store %arg6[%swap3A, %swap3A_32], %add3A_31 {strides = array<i32>} : memref<2000x128xf32, #tpu.memory_space<vmem>>, vector<2000x128xf32>,
    return
  }
  func.func @transform_0(%arg0: i32) -> (i32, i32, i32) {
    %c0_i32 = arith.constant 0 : i32
    %c0_i32_0 = arith.constant 0 : i32
    %c0_i32_1 = arith.constant 0 : i32
    return %c0_i32, %arg0, %c0_i32_0 : i32, i32, i32
  }
  func.func @transform_1(%arg0: i32) -> (i32, i32) {
    %c0_i32 = arith.constant 0 : i32
    %c0_i32_0 = arith.constant 0 : i32
    return %arg0, %c0_i32 : i32, i32
  }
  func.func @transform_2(%arg0: i32) -> (i32, i32) {
    %c0_i32 = arith.constant 0 : i32
    %c0_i32_0 = arith.constant 0 : i32
    return %arg0, %c0_i32 : i32, i32
  }
  func.func @transform_3(%arg0: i32) -> (i32, i32) {
    %c0_i32 = arith.constant 0 : i32
    %c0_i32_0 = arith.constant 0 : i32
    %c0_i32_1 = arith.constant 0 : i32
    return %c0_i32, %c0_i32_0 : i32, i32
  }
  func.func @transform_4(%arg0: i32) -> (i32, i32) {
    %c0_i32 = arith.constant 0 : i32
    %c0_i32_0 = arith.constant 0 : i32
    %c0_i32_1 = arith.constant 0 : i32
    return %c0_i32, %c0_i32_0 : i32, i32
  }
  func.func @transform_5(%arg0: i32) -> (i32, i32) {
    %c0_i32 = arith.constant 0 : i32
    %c0_i32_0 = arith.constant 0 : i32
    return %arg0, %c0_i32 : i32, i32
  }
}

</mosaic_0001>

<sc_bundles>
// kernel: kernel.11.cloned.1.call-start
scs
__scs_entry_jumppad:
0x0: {  	(pc) =	sbr.rel $0x88, $3  }
0x1: {  	(tag) =	ssettag $0x0;
	lr =	simm.s32 $0x1  }
0x2: {  	[smem:$0x3F99] =	sst lr;
	_ =	strace $0xD0000000  }
0x3: {  	_ = 	snop  }
0x4: {  	_ = 	snop  }
0x5: {  	_ = 	snop  }
0x6: {  	_ = 	snop  }
0x7: {  	_ = 	snop  }
__scs_overlays_trampoline_lowered:
0x8: {  	[smem:$0x3FA8] =	sst s0  }
0x9: {  	[smem:$0x3FA9] =	sst s1  }
0xa: {  	[smem:$0x3FAA] =	sst s2  }
0xb: {  	[smem:$0x3FAB] =	sst s3  }
0xc: {  	[smem:$0x3FAC] =	sst s4  }
0xd: {  	[smem:$0x3FAD] =	sst s5  }
0xe: {  	[smem:$0x3FAE] =	sst s6  }
0xf: {  	[smem:$0x3FAF] =	sst s7  }
0x10: {  	[smem:$0x3FB0] =	sst s8  }
0x11: {  	[smem:$0x3FB1] =	sst s9;
	s0 =	simm.s32 @!p0 $0x0  }
0x12: {  	s1 =	sld [smem:$0x3F97];
	s0 =	simm.s32 @p0 $0x1  }
0x13: {  	[smem:$0x3FB2] =	sst s0;
	s0 =	simm.s32 @!p1 $0x0  }
0x14: {  	s2 =	sld [smem:$0x3F96];
	s0 =	simm.s32 @p1 $0x1  }
0x15: {  	[smem:$0x3FB3] =	sst s0;
	s0 =	simm.s32 @!p2 $0x0  }
0x16: {  	s3 =	sld [smem:$0x3FDB];
	s0 =	simm.s32 @p2 $0x1  }
0x17: {  	s4 =	simm.s32 $0x1BF5;
	[smem:$0x3FB5] =	sst s0  }
0x18: {  	s0 =	sld [smem:$0x3F98];
	_ =	swait.ge [sflag:s4], $0x0  }
0x19: {  	s7 =	sld [smem:$0x3F99]  }
0x1a: {  	s8 =	sadd.s32 $0xFFFFE003, lr  }
0x1b: {  	s9 =	sadd.s32 $0xFFFFFEF7, lr;
	s5 =	simm.s32 $0xFFFFFFFF;
	p2 =	slt.u32 s8, $0xFFFFF086  }
0x1c: {  	p1 =	slt.u32 s9, $0xF7A;
	s5 =	simm.s32 @!p2 $0x0  }
0x1d: {  	s5 =	simm.s32 @p1 $0x1;
	p0 =	seq.s32 s7, s2  }
0x1e: {  	s7 =	smul.u32 @!p0 $0xF7A, s2;
	p2 =	seq.s32 @!p0 s5, $0x0  }
0x1f: {  	s9 =	smul.u32 $0xF7A, s1;
	s8 =	simm.s32 @!p0 $0x1BF5;
	p2 =	por !p2, p0  }
0x20: {  	[sflag:s8] =	ssyncset.s32 @!p0 $0xFFFFF086;
	s6 =	sadd.s32 @!p0 s3, s7;
	s7 =	simm.s32 @!p0 $0x108  }
0x21: {  	s3 =	sadd.s32 s3, s9;
	s6 =	sadd.s32 @!p0 $0x88, s6;
	s7 =	simm.s32 @p2 $0x1082  }
0x22: {  	[simem:s7], [sflag:s8] =	dma.local @!p0 [hbm:s6], $0xF7A  }
0x23: {  	s9 =	sor.u32 $0xD0000000, s2;
	s6 =	simm.s32 $0x108;
	_ =	swait.ge @!p0 [sflag:s8], $0x0  }
0x24: {  	s3 =	sadd.s32 $0x88, s3;
	s6 =	simm.s32 @!p1 $0x1082;
	[sflag:s4] =	ssyncset.s32 $0xFFFFF086  }
0x25: {  	[simem:s6], [sflag:s4] =	dma.local [hbm:s3], $0xF7A  }
0x26: {  	[smem:$0x3F99] =	sst s1;
	(tag) =	ssettag s2;
	_ =	strace s9  }
0x27: {  	s1 =	sld [smem:$0x3FA9]  }
0x28: {  	s2 =	sld [smem:$0x3FAA]  }
0x29: {  	s4 =	sld [smem:$0x3FAC]  }
0x2a: {  	p0 =	seq.s32 s5, $0x0;
	s5 =	sld [smem:$0x3FAD]  }
0x2b: {  	s6 =	sld [smem:$0x3FAE]  }
0x2c: {  	s7 =	sld [smem:$0x3FAF]  }
0x2d: {  	s3 =	simm.s32 $0x108;
	s8 =	sld [smem:$0x3FB0]  }
0x2e: {  	s3 =	simm.s32 @!p0 $0x1082;
	s9 =	sld [smem:$0x3FB1]  }
0x2f: {  	lr =	sadd.s32 s0, s3;
	s0 =	sld [smem:$0x3FA8]  }
0x30: {  	s3 =	sld [smem:$0x3FAB]  }
0x31: {  	[smem:$0x3FB4] =	sst s10  }
0x32: {  	s10 =	sld [smem:$0x3FB2];
	_ =	sdelay $0x3  }
0x33: {  	p0 =	seq.s32 s10, $0x1;
	s10 =	sld [smem:$0x3FB4];
	_ =	sdelay $0x3  }
0x34: {  	[smem:$0x3FB4] =	sst s10  }
0x35: {  	s10 =	sld [smem:$0x3FB3];
	_ =	sdelay $0x3  }
0x36: {  	p1 =	seq.s32 s10, $0x1;
	s10 =	sld [smem:$0x3FB4];
	_ =	sdelay $0x3  }
0x37: {  	[smem:$0x3FB4] =	sst s10  }
0x38: {  	s10 =	sld [smem:$0x3FB5]  }
0x39: {  	_ = 	snop;
	(pc) =	sbr.ind lr, $3  }
0x3a: {  	_ = 	snop  }
0x3b: {  	_ = 	snop  }
0x3c: {  	p2 =	seq.s32 s10, $0x1;
	s10 =	sld [smem:$0x3FB4]  }
0x3d: {  	_ =	shalt  }
0x3e: {  	_ =	shalt  }
0x3f: {  	_ =	shalt  }
0x40: {  	_ =	shalt  }
0x41: {  	_ =	shalt  }
0x42: {  	_ =	shalt  }
0x43: {  	_ =	shalt  }
0x44: {  	_ =	shalt  }
0x45: {  	_ =	shalt  }
0x46: {  	_ =	shalt  }
0x47: {  	_ =	shalt  }
0x48: {  	_ =	shalt  }
0x49: {  	_ =	shalt  }
0x4a: {  	_ =	shalt  }
0x4b: {  	_ =	shalt  }
0x4c: {  	_ =	shalt  }
0x4d: {  	_ =	shalt  }
0x4e: {  	_ =	shalt  }
0x4f: {  	_ =	shalt  }
0x50: {  	_ =	shalt  }
0x51: {  	_ =	shalt  }
0x52: {  	_ =	shalt  }
0x53: {  	_ =	shalt  }
0x54: {  	_ =	shalt  }
0x55: {  	_ =	shalt  }
0x56: {  	_ =	shalt  }
0x57: {  	_ =	shalt  }
0x58: {  	_ =	shalt  }
0x59: {  	_ =	shalt  }
0x5a: {  	_ =	shalt  }
0x5b: {  	_ =	shalt  }
0x5c: {  	_ =	shalt  }
0x5d: {  	_ =	shalt  }
0x5e: {  	_ =	shalt  }
0x5f: {  	_ =	shalt  }
0x60: {  	_ =	shalt  }
0x61: {  	_ =	shalt  }
0x62: {  	_ =	shalt  }
0x63: {  	_ =	shalt  }
0x64: {  	_ =	shalt  }
0x65: {  	_ =	shalt  }
0x66: {  	_ =	shalt  }
0x67: {  	_ =	shalt  }
0x68: {  	_ =	shalt  }
0x69: {  	_ =	shalt  }
0x6a: {  	_ =	shalt  }
0x6b: {  	_ =	shalt  }
0x6c: {  	_ =	shalt  }
0x6d: {  	_ =	shalt  }
0x6e: {  	_ =	shalt  }
0x6f: {  	_ =	shalt  }
0x70: {  	_ =	shalt  }
0x71: {  	_ =	shalt  }
0x72: {  	_ =	shalt  }
0x73: {  	_ =	shalt  }
0x74: {  	_ =	shalt  }
0x75: {  	_ =	shalt  }
0x76: {  	_ =	shalt  }
0x77: {  	_ =	shalt  }
0x78: {  	_ =	shalt  }
0x79: {  	_ =	shalt  }
0x7a: {  	_ =	shalt  }
0x7b: {  	_ =	shalt  }
0x7c: {  	_ =	shalt  }
0x7d: {  	_ =	shalt  }
0x7e: {  	_ =	shalt  }
0x7f: {  	_ =	shalt  }
0x80: {  	_ =	shalt  }
0x81: {  	_ =	shalt  }
0x82: {  	_ =	shalt  }
0x83: {  	_ =	shalt  }
0x84: {  	_ =	shalt  }
0x85: {  	_ =	shalt  }
0x86: {  	_ =	shalt  }
0x87: {  	_ =	shalt  }
.Lfunc_end0:
.L_simem_size_0:
called_computation.1_lowered:
.L_overlay_start_0:
0x88: {  	s2 =	sld [smem:$0x3FD9]  }
0x89: {  	s3 =	sld [smem:$0x3FFE];
	_ =	sdelay $0x1  }
0x8a: {  	s1 =	srdreg.scid  }
0x8b: {  	s0 =	sand.u32 $0x1, s1  }
0x8c: {  	s14 =	sshll.u32 s0, $0xA;
	s2 =	sadd.s32 s3, s2  }
0x8d: {  	s2 =	sadd.s32 s2, s14  }
0x8e: {  	[smem:$0x3FC0] =	sst s2  }
0x8f: {  	_ = 	snop  }
0x90: {  	s2 =	sld [smem:$0x3FD0];
	_ =	sdelay $0x2  }
0x91: {  	s15 =	simm.s32 $0xA;
	s4 =	simm.s32 $0x10  }
0x92: {  	[smem:s4], [sflag:s15] =	dma.local [hbm:s2], $0x1  }
0x93: {  	_ =	swait.eq [sflag:s15], $0x1  }
0x94: {  	[sflag:s15] =	ssyncset.done $0x0  }
0x95: {  	s16 =	sld [smem:$0x10];
	[sflag:s15] =	ssyncadd.s32 $0xFFFFFFFF  }
0x96: {  	s17 =	sld [smem:$0x11];
	(tm) =	ssettm $0x1  }
0x97: {  	s18 =	sld [smem:$0x3FFB];
	_ =	sdelay $0x3  }
0x98: {  	_ =	strace s18  }
0x99: {  	s4 =	sld [smem:$0x3FFC];
	_ =	sdelay $0x3  }
0x9a: {  	_ =	strace s4  }
0x9b: {  	s4 =	sld [smem:$0x3FFD];
	_ =	sdelay $0x3  }
0x9c: {  	_ =	strace s4  }
0x9d: {  	_ =	strace $0x8FFFFFFF  }
0x9e: {  	s19 =	sld [smem:$0x3FDB];
	_ =	sdelay $0x1  }
0x9f: {  	s5 =	simm.s32 $_scs_section_size  }
0xa0: {  	s6 =	simm.s32 $_size__tile_overlayer_lowered;
	s7 =	simm.s32 $_tile_overlayer_lowered  }
0xa1: {  	s22 =	simm.s32 $0x1BFF;
	s21 =	sshll.u32 s7, $0x1;
	s4 =	sadd.s32 s5, s19  }
0xa2: {  	s8 =	simm.s32 $0x0;
	s20 =	sshll.u32 s6, $0x1;
	s6 =	sadd.s32 s21, s4  }
0xa3: {  	[timem:s8], [sflag:s22] =	dma.local [hbm:s6], s20  }
0xa4: {  	_ =	swait.ge [sflag:s22], s20  }
0xa5: {  	s5 =	ssub.s32 $0x0, s20;
	[sflag:s22] =	ssyncset.done $0x0  }
0xa6: {  	[sflag:s22] =	ssyncadd.s32 s5;
	_ =	sdelay $0x1  }
0xa7: {  	s23 =	simm.s32 $0x1B8B  }
0xa8: {  	_ =	swait.ge [sflag:s23], $0x1  }
0xa9: {  	[sflag:s23] =	ssyncset.done $0x0  }
0xaa: {  	s25 =	simm.s32 $0x1B8E;
	s24 =	sld [smem:$0x3FFE];
	[sflag:s23] =	ssyncadd.s32 $0xFFFFFFFF  }
0xab: {  	s26 =	simm.s32 $execute0_lowered;
	[smem:$0x3FD2] =	sst s25  }
0xac: {  	s6 =	sshll.u32 s26, $0x1;
	_ =	strace $0x80000049;
	[dreg:$0x1] =	wrdreg $0xFFFFFFFF  }
0xad: {  	s28 =	simm.s32 $_size_execute0_lowered;
	s4 =	sadd.s32 s4, s6;
	[dreg:$0x0] =	wrdreg $0x0  }
0xae: {  	s6 =	sshll.u32 s28, $0x1;
	[dreg:$0x2] =	wrdreg s4  }
0xaf: {  	[dreg:$0x3] =	wrdreg s6  }
0xb0: {  	[dreg:$0x4] =	wrdreg $0xC0  }
0xb1: {  	_ =	task [dreg:s8], $0x5FFFF  }
0xb2: {  	[dreg:$0x1] =	wrdreg $0xFFFFFFFF  }
0xb3: {  	[dreg:$0x0] =	wrdreg $0x60  }
0xb4: {  	[dreg:$0x2] =	wrdreg s24  }
0xb5: {  	[dreg:$0x3] =	wrdreg s16  }
0xb6: {  	[dreg:$0x4] =	wrdreg s17  }
0xb7: {  	[dreg:$0x5] =	wrdreg $0xA8000  }
0xb8: {  	[dreg:$0x6] =	wrdreg $0x9  }
0xb9: {  	_ =	task.clear_ibuf [dreg:s8], $0x7FFFF;
	_ =	strace $0x90000049  }
0xba: {  	s29 =	simm.s32 $0x9;
	_ =	strace $0x8000004B  }
0xbb: {  	_ =	swait.ge [sflag:s29], $0x1  }
0xbc: {  	[sflag:s29] =	ssyncadd.s32 $0xFFFFFFFF  }
0xbd: {  	_ =	strace $0x9000004B  }
0xbe: {  	_ =	sfence  }
0xbf: {  	s30 =	sld [smem:$0x0];
	_ =	sdelay $0x2  }
0xc0: {  	s31 =	sshll.u32 s1, $0xD;
	s1 =	sshrl.u32 s1, $0x2  }
0xc1: {  	s3 =	sand.u32 $0x4000, s31;
	s1 =	sadd.s32 s1, s30  }
0xc2: {  	s0 =	sor.u32 s3, s0;
	s1 =	sshll.u32 s1, $0x11  }
0xc3: {  	s0 =	sor.u32 s1, s0  }
0xc4: {  	s0 =	sadd.s32 $0x8F2B, s0  }
0xc5: {  	[sflag:s0] =	ssyncadd.remote.s32 $0x1  }
0xc6: {  	_ =	sfence.sel $0xFFFF  }
0xc7: {  	[dreg:$0x0] =	wrdreg $0xFFFFFFFF;
	(pc) =	sbr.abs _section_cstart, $3  }
0xc8: {  	[dreg:$0x1] =	wrdreg $0xFFFFFFFF  }
0xc9: {  	_ =	task.clear_ibuf [dreg:s8], $0x2FFFF;
	_ =	strace $0x9FFFFFFF  }
0xca: {  	(tm) =	ssettm $0x7FFFFFFF  }
0xcb: {  	_ =	shalt  }
tec
execute0_lowered:
.L_overlay_start_1:
0x0: {  	(tag) =	ssettag $0x1  }
0x1: {  	s5 =	rddreg [dreg:$0x0]  }
0x2: {  	s12 =	rddreg [dreg:$0x1]  }
0x3: {  	s13 =	rddreg [dreg:$0x2]  }
0x4: {  	s1 =	rddreg [dreg:$0x3];
	s3 =	simm.s32 $0x0;
	s4 =	srdreg.scid  }
0x5: {  	s2 =	stileid.u32;
	s28 =	simm.s32 $0x2700;
	s29 =	simm.s32 $0x2780  }
0x6: {  	[smem:$0x7FF] =	sst s3;
	s10 =	sand.u32 $0x1, s4;
	s14 =	smul.u32 $0x280, s2  }
0x7: {  	s4 =	sadd.s32 $0x2200, s5;
	s8 =	smul.u32 $0x50000, s2;
	s18 =	sadd.s32 $0x29400, s5  }
0x8: {  	_ =	strace $0x8000004A;
	s6 =	ssub.s32 $0x2, s10;
	s23 =	sshll.u32 s10, $0x4  }
0x9: {  	s22 =	smul.u32 $0x2800, s10;
	s7 =	sshrl.u32 s6, $0x1;
	s24 =	sor.u32 s2, s23  }
0xa: {  	s25 =	sshrl.u32 s8, $0x2;
	s15 =	sadd.s32 $0x80, s14;
	s16 =	sadd.s32 $0x100, s14  }
0xb: {  	s17 =	sadd.s32 $0x180, s14;
	s20 =	sadd.s32 $0x200, s14;
	s23 =	simm.s32 $0x80  }
0xc: {  	s19 =	ssub.s32 s6, s7;
	s5 =	sadd.s32 s25, s1;
	s26 =	sshll.u32 s15, $0x7  }
0xd: {  	s30 =	sshll.u32 s16, $0x7;
	s9 =	sshll.u32 s17, $0x7;
	s11 =	smul.u32 $0x2800, s24  }
0xe: {  	s31 =	sshll.u32 s20, $0x7;
	s14 =	sadd.s32 s14, s22;
	s15 =	sadd.s32 s22, s15  }
0xf: {  	s16 =	sadd.s32 s22, s16;
	s17 =	sadd.s32 s22, s17;
	s20 =	sadd.s32 s22, s20  }
0x10: {  	s22 =	simm.s32 $0x1400;
	s24 =	simm.s32 $0x6800;
	s25 =	simm.s32 $0x1  }
0x11: {  	s6 =	sadd.s32 s26, s1;
	s7 =	sadd.s32 s30, s1;
	s8 =	sadd.s32 s9, s1  }
0x12: {  	s9 =	sadd.s32 s31, s1;
	s14 =	sshll.u32 s14, $0x4;
	s15 =	sshll.u32 s15, $0x4  }
0x13: {  	s16 =	sshll.u32 s16, $0x4;
	s17 =	sshll.u32 s17, $0x4;
	s20 =	sshll.u32 s20, $0x4  }
0x14: {  	s19 =	smax.u32 s19, $0x1;
	s26 =	simm.s32 $0x2;
	s21 =	sshrl.u32 s11, $0x3  }
0x15: {  	s14 =	sadd.s32 s18, s14;
	s15 =	sadd.s32 s18, s15;
	s16 =	sadd.s32 s18, s16  }
0x16: {  	s17 =	sadd.s32 s18, s17;
	s18 =	sadd.s32 s18, s20;
	s20 =	simm.s32 $0x2800  }
0x17: {  	s10 =	sadd.s32 s12, s21;
	s11 =	sadd.s32 s13, s21;
	s21 =	sadd.s32 $0x280, s21  }
0x18: {  	v0 =	vimm.f32 $0.0e+00;
	s12 =	sadd.s32 s12, s21;
	s13 =	sadd.s32 s13, s21;
	s21 =	simm.s32 $0x3  }
.LBB2_1:
0x19: {  	s30 =	simm.s32 $0x0;
	s31 =	simm.s32 $0x200  }
.LBB2_2:
0x1a: {  	p0 =	sne.s32 s31, $0xFE00;
	[tilespmem:s30+$0x2870] =	vst v0  }
0x1b: {  	[tilespmem:s30+$0x2800] =	vst v0  }
0x1c: {  	[tilespmem:s30+$0x2810] =	vst v0  }
.Ltmp0:
0x1d: {  	[tilespmem:s30+$0x2820] =	vst v0;
	(pc) =	sbr.rel @p0 .LBB2_2-.Ltmp0, $4  }
0x1e: {  	[tilespmem:s30+$0x2830] =	vst v0  }
0x1f: {  	[tilespmem:s30+$0x2840] =	vst v0  }
0x20: {  	[tilespmem:s30+$0x2850] =	vst v0  }
0x21: {  	[tilespmem:s30+$0x2860] =	vst v0;
	s30 =	sshra.s32 s31, $0x2;
	s31 =	sadd.s32 $0x200, s31  }
0x22: {  	[tilespmem:s30+$0x2870] =	vst v0  }
0x23: {  	[tilespmem:s30+$0x2800] =	vst v0  }
0x24: {  	[tilespmem:s30+$0x2810] =	vst v0  }
0x25: {  	[tilespmem:s30+$0x2820] =	vst v0  }
0x26: {  	[tilespmem:s30+$0x2830] =	vst v0  }
0x27: {  	[tilespmem:s30+$0x2840] =	vst v0  }
0x28: {  	[tilespmem:s30+$0x2850] =	vst v0  }
0x29: {  	[tilespmem:s30+$0x2860] =	vst v0  }
0x2a: {  	[spmem:s5] =	stream.linear.scatter [tilespmem:s20], [sflag:$0x3], $0x4000, $0x38;
	[tilespmem:$0x1E800] =	vst v63  }
0x2b: {  	_ =	swait.ge [sflag:s21], $0x4000  }
0x2c: {  	[sflag:s21] =	ssyncset.done $0x0  }
0x2d: {  	[sflag:s21] =	ssyncadd.s32 $0xFFFFC000  }
0x2e: {  	[spmem:s6] =	stream.linear.scatter [tilespmem:s20], [sflag:$0x3], $0x4000, $0x38;
	[tilespmem:$0x1E800] =	vst v63  }
0x2f: {  	_ =	swait.ge [sflag:s21], $0x4000  }
0x30: {  	[sflag:s21] =	ssyncset.done $0x0  }
0x31: {  	[sflag:s21] =	ssyncadd.s32 $0xFFFFC000  }
0x32: {  	[spmem:s7] =	stream.linear.scatter [tilespmem:s20], [sflag:$0x3], $0x4000, $0x38;
	[tilespmem:$0x1E800] =	vst v63  }
0x33: {  	_ =	swait.ge [sflag:s21], $0x4000  }
0x34: {  	[sflag:s21] =	ssyncset.done $0x0  }
0x35: {  	[sflag:s21] =	ssyncadd.s32 $0xFFFFC000  }
0x36: {  	[spmem:s8] =	stream.linear.scatter [tilespmem:s20], [sflag:$0x3], $0x4000, $0x38;
	[tilespmem:$0x1E800] =	vst v63  }
0x37: {  	_ =	swait.ge [sflag:s21], $0x4000  }
0x38: {  	[sflag:s21] =	ssyncset.done $0x0  }
0x39: {  	[sflag:s21] =	ssyncadd.s32 $0xFFFFC000  }
0x3a: {  	[spmem:s9] =	stream.linear.scatter [tilespmem:s20], [sflag:$0x3], $0x4000, $0x38;
	[tilespmem:$0x1E800] =	vst v63  }
0x3b: {  	_ =	swait.ge [sflag:s21], $0x4000  }
0x3c: {  	[sflag:s21] =	ssyncset.done $0x0  }
0x3d: {  	s30 =	simm.s32 $0x0;
	[sflag:s21] =	ssyncadd.s32 $0xFFFFC000  }
0x3e: {  	[tilespmem:s30], [sflag:$0x3] =	stream.linear.gather [hbm4b:s10+s30], $0x1400, $0x38;
	[tilespmem:$0x1E800] =	vst v63  }
0x3f: {  	_ =	swait.ge [sflag:s21], $0x1400  }
0x40: {  	[sflag:s21] =	ssyncset.done $0x0  }
0x41: {  	[sflag:s21] =	ssyncadd.s32 $0xFFFFEC00  }
0x42: {  	[tilespmem:s22], [sflag:$0x3] =	stream.linear.gather [hbm4b:s11+s30], $0x1400, $0x38;
	[tilespmem:$0x1E800] =	vst v63  }
0x43: {  	_ =	swait.ge [sflag:s21], $0x1400  }
0x44: {  	[sflag:s21] =	ssyncset.done $0x0  }
0x45: {  	[sflag:s21] =	ssyncadd.s32 $0xFFFFEC00  }
0x46: {  	[tilespmem:s20], [sflag:$0x1] =	stream.indirect.gather [hbm4b:s4+s23], $0x80, s30, s23, $0xb8;
	[tilespmem:$0x1E800] =	vst v63  }
0x47: {  	_ = 	snop  }
0x48: {  	[tilespmem:s24], [sflag:$0x2] =	stream.indirect.gather [hbm4b:s4+s23], $0x80, s23, s23, $0xb8;
	[tilespmem:$0x1E800] =	vst v63  }
0x49: {  	[bflag:$0x0] =	sbarrier.arrive $0xFFFF  }
0x4a: {  	_ =	swait.ge [sflag:s25], $0x4000  }
0x4b: {  	[sflag:s25] =	ssyncset.done $0x0  }
0x4c: {  	s30 =	simm.s32 $0x1400;
	[sflag:s25] =	ssyncadd.s32 $0xFFFFC000  }
0x4d: {  	[spmem:s1] =	stream.indirect.scatter.add.f32 [tilespmem:s20], [sflag:$0x3], $0x80, s30, s23, $0xb8;
	[tilespmem:$0x1E800] =	vst v63  }
0x4e: {  	_ =	swait.ge [sflag:s21], $0x4000  }
0x4f: {  	[sflag:s21] =	ssyncset.done $0x0  }
0x50: {  	s30 =	simm.s32 $0x100;
	[sflag:s21] =	ssyncadd.s32 $0xFFFFC000  }
0x51: {  	[tilespmem:s20], [sflag:$0x1] =	stream.indirect.gather [hbm4b:s4+s23], $0x80, s30, s23, $0xb8;
	[tilespmem:$0x1E800] =	vst v63  }
0x52: {  	_ =	swait.ge [sflag:s26], $0x4000  }
0x53: {  	[sflag:s26] =	ssyncset.done $0x0  }
0x54: {  	s30 =	simm.s32 $0x1480;
	[sflag:s26] =	ssyncadd.s32 $0xFFFFC000  }
0x55: {  	[spmem:s1] =	stream.indirect.scatter.add.f32 [tilespmem:s24], [sflag:$0x3], $0x80, s30, s23, $0xb8;
	[tilespmem:$0x1E800] =	vst v63  }
0x56: {  	_ =	swait.ge [sflag:s21], $0x4000  }
0x57: {  	[sflag:s21] =	ssyncset.done $0x0  }
0x58: {  	s31 =	simm.s32 $0x180;
	s30 =	simm.s32 $0x400;
	[sflag:s21] =	ssyncadd.s32 $0xFFFFC000  }
.LBB2_4:
0x59: {  	[tilespmem:s24], [sflag:$0x2] =	stream.indirect.gather [hbm4b:s4+s23], $0x80, s31, s23, $0xb8;
	[tilespmem:$0x1E800] =	vst v63  }
0x5a: {  	s31 =	smov.u32 s30  }
0x5b: {  	p0 =	sne.s32 s30, $0x4800;
	s30 =	sadd.s32 $0x400, s30;
	_ =	swait.ge [sflag:s25], $0x4000  }
0x5c: {  	s31 =	sshra.s32 s31, $0x2;
	[sflag:s25] =	ssyncset.done $0x0  }
0x5d: {  	s0 =	sadd.s32 $0x1400, s31;
	[sflag:s25] =	ssyncadd.s32 $0xFFFFC000  }
0x5e: {  	[spmem:s1] =	stream.indirect.scatter.add.f32 [tilespmem:s20], [sflag:$0x3], $0x80, s0, s23, $0xb8;
	[tilespmem:$0x1E800] =	vst v63  }
0x5f: {  	_ =	swait.ge [sflag:s21], $0x4000  }
0x60: {  	[sflag:s21] =	ssyncset.done $0x0  }
0x61: {  	s0 =	sadd.s32 $0x100, s31;
	[sflag:s21] =	ssyncadd.s32 $0xFFFFC000  }
0x62: {  	[tilespmem:s20], [sflag:$0x1] =	stream.indirect.gather [hbm4b:s4+s23], $0x80, s0, s23, $0xb8;
	[tilespmem:$0x1E800] =	vst v63  }
0x63: {  	_ =	swait.ge [sflag:s26], $0x4000  }
0x64: {  	[sflag:s26] =	ssyncset.done $0x0  }
.Ltmp1:
0x65: {  	s0 =	sadd.s32 $0x1480, s31;
	[sflag:s26] =	ssyncadd.s32 $0xFFFFC000;
	(pc) =	sbr.rel @p0 .LBB2_4-.Ltmp1, $4  }
0x66: {  	[spmem:s1] =	stream.indirect.scatter.add.f32 [tilespmem:s24], [sflag:$0x3], $0x80, s0, s23, $0xb8;
	[tilespmem:$0x1E800] =	vst v63  }
0x67: {  	_ =	swait.ge [sflag:s21], $0x4000  }
0x68: {  	[sflag:s21] =	ssyncset.done $0x0  }
0x69: {  	s31 =	sadd.s32 $0x180, s31;
	[sflag:s21] =	ssyncadd.s32 $0xFFFFC000  }
0x6a: {  	[tilespmem:s24], [sflag:$0x2] =	stream.indirect.gather [hbm4b:s4+s23], $0x80, s31, s23, $0xb8;
	[tilespmem:$0x1E800] =	vst v63  }
0x6b: {  	_ =	swait.ge [sflag:s25], $0x4000  }
0x6c: {  	[sflag:s25] =	ssyncset.done $0x0  }
0x6d: {  	[sflag:s25] =	ssyncadd.s32 $0xFFFFC000  }
0x6e: {  	[spmem:s1] =	stream.indirect.scatter.add.f32 [tilespmem:s20], [sflag:$0x3], $0x80, s28, s23, $0xb8;
	[tilespmem:$0x1E800] =	vst v63  }
0x6f: {  	_ =	swait.ge [sflag:s21], $0x4000  }
0x70: {  	[sflag:s21] =	ssyncset.done $0x0  }
0x71: {  	[sflag:s21] =	ssyncadd.s32 $0xFFFFC000  }
0x72: {  	_ =	swait.ge [sflag:s26], $0x4000  }
0x73: {  	[sflag:s26] =	ssyncset.done $0x0  }
0x74: {  	[sflag:s26] =	ssyncadd.s32 $0xFFFFC000  }
0x75: {  	[spmem:s1] =	stream.indirect.scatter.add.f32 [tilespmem:s24], [sflag:$0x3], $0x80, s29, s23, $0xb8;
	[tilespmem:$0x1E800] =	vst v63  }
0x76: {  	_ =	swait.ge [sflag:s21], $0x4000  }
0x77: {  	[sflag:s21] =	ssyncset.done $0x0  }
0x78: {  	s0 =	simm.s32 $0x0;
	[sflag:s21] =	ssyncadd.s32 $0xFFFFC000  }
0x79: {  	[tilespmem:s0], [sflag:$0x3] =	stream.linear.gather [hbm4b:s12+s0], $0x1400, $0x38;
	[tilespmem:$0x1E800] =	vst v63  }
0x7a: {  	_ =	swait.ge [sflag:s21], $0x1400  }
0x7b: {  	[sflag:s21] =	ssyncset.done $0x0  }
0x7c: {  	[sflag:s21] =	ssyncadd.s32 $0xFFFFEC00  }
0x7d: {  	[tilespmem:s22], [sflag:$0x3] =	stream.linear.gather [hbm4b:s13+s0], $0x1400, $0x38;
	[tilespmem:$0x1E800] =	vst v63  }
0x7e: {  	_ =	swait.ge [sflag:s21], $0x1400  }
0x7f: {  	[sflag:s21] =	ssyncset.done $0x0  }
0x80: {  	[sflag:s21] =	ssyncadd.s32 $0xFFFFEC00  }
0x81: {  	[tilespmem:s20], [sflag:$0x1] =	stream.indirect.gather [hbm4b:s4+s23], $0x80, s0, s23, $0xb8;
	[tilespmem:$0x1E800] =	vst v63  }
0x82: {  	_ = 	snop  }
0x83: {  	[tilespmem:s24], [sflag:$0x2] =	stream.indirect.gather [hbm4b:s4+s23], $0x80, s23, s23, $0xb8;
	[tilespmem:$0x1E800] =	vst v63  }
0x84: {  	_ =	swait.ge [sflag:s25], $0x4000  }
0x85: {  	[sflag:s25] =	ssyncset.done $0x0  }
0x86: {  	s0 =	simm.s32 $0x1400;
	[sflag:s25] =	ssyncadd.s32 $0xFFFFC000  }
0x87: {  	[spmem:s1] =	stream.indirect.scatter.add.f32 [tilespmem:s20], [sflag:$0x3], $0x80, s0, s23, $0xb8;
	[tilespmem:$0x1E800] =	vst v63  }
0x88: {  	_ =	swait.ge [sflag:s21], $0x4000  }
0x89: {  	[sflag:s21] =	ssyncset.done $0x0  }
0x8a: {  	s0 =	simm.s32 $0x100;
	[sflag:s21] =	ssyncadd.s32 $0xFFFFC000  }
0x8b: {  	[tilespmem:s20], [sflag:$0x1] =	stream.indirect.gather [hbm4b:s4+s23], $0x80, s0, s23, $0xb8;
	[tilespmem:$0x1E800] =	vst v63  }
0x8c: {  	_ =	swait.ge [sflag:s26], $0x4000  }
0x8d: {  	[sflag:s26] =	ssyncset.done $0x0  }
0x8e: {  	s0 =	simm.s32 $0x1480;
	[sflag:s26] =	ssyncadd.s32 $0xFFFFC000  }
0x8f: {  	[spmem:s1] =	stream.indirect.scatter.add.f32 [tilespmem:s24], [sflag:$0x3], $0x80, s0, s23, $0xb8;
	[tilespmem:$0x1E800] =	vst v63  }
0x90: {  	_ =	swait.ge [sflag:s21], $0x4000  }
0x91: {  	[sflag:s21] =	ssyncset.done $0x0  }
0x92: {  	s30 =	simm.s32 $0x400;
	s31 =	simm.s32 $0x180;
	[sflag:s21] =	ssyncadd.s32 $0xFFFFC000  }
.LBB2_6:
0x93: {  	[tilespmem:s24], [sflag:$0x2] =	stream.indirect.gather [hbm4b:s4+s23], $0x80, s31, s23, $0xb8;
	[tilespmem:$0x1E800] =	vst v63  }
0x94: {  	s0 =	smov.u32 s30  }
0x95: {  	p0 =	sne.s32 s30, $0x4800;
	s30 =	sadd.s32 $0x400, s30;
	_ =	swait.ge [sflag:s25], $0x4000  }
0x96: {  	s0 =	sshra.s32 s0, $0x2;
	[sflag:s25] =	ssyncset.done $0x0  }
0x97: {  	s31 =	sadd.s32 $0x1400, s0;
	[sflag:s25] =	ssyncadd.s32 $0xFFFFC000  }
0x98: {  	[spmem:s1] =	stream.indirect.scatter.add.f32 [tilespmem:s20], [sflag:$0x3], $0x80, s31, s23, $0xb8;
	[tilespmem:$0x1E800] =	vst v63  }
0x99: {  	_ =	swait.ge [sflag:s21], $0x4000  }
0x9a: {  	[sflag:s21] =	ssyncset.done $0x0  }
0x9b: {  	s31 =	sadd.s32 $0x100, s0;
	[sflag:s21] =	ssyncadd.s32 $0xFFFFC000  }
0x9c: {  	[tilespmem:s20], [sflag:$0x1] =	stream.indirect.gather [hbm4b:s4+s23], $0x80, s31, s23, $0xb8;
	[tilespmem:$0x1E800] =	vst v63  }
0x9d: {  	_ =	swait.ge [sflag:s26], $0x4000  }
0x9e: {  	[sflag:s26] =	ssyncset.done $0x0  }
.Ltmp2:
0x9f: {  	s31 =	sadd.s32 $0x1480, s0;
	[sflag:s26] =	ssyncadd.s32 $0xFFFFC000;
	(pc) =	sbr.rel @p0 .LBB2_6-.Ltmp2, $4  }
0xa0: {  	[spmem:s1] =	stream.indirect.scatter.add.f32 [tilespmem:s24], [sflag:$0x3], $0x80, s31, s23, $0xb8;
	[tilespmem:$0x1E800] =	vst v63  }
0xa1: {  	_ =	swait.ge [sflag:s21], $0x4000  }
0xa2: {  	[sflag:s21] =	ssyncset.done $0x0  }
0xa3: {  	s31 =	sadd.s32 $0x180, s0;
	[sflag:s21] =	ssyncadd.s32 $0xFFFFC000  }
0xa4: {  	[tilespmem:s24], [sflag:$0x2] =	stream.indirect.gather [hbm4b:s4+s23], $0x80, s31, s23, $0xb8;
	[tilespmem:$0x1E800] =	vst v63  }
0xa5: {  	_ =	swait.ge [sflag:s25], $0x4000  }
0xa6: {  	[sflag:s25] =	ssyncset.done $0x0  }
0xa7: {  	[sflag:s25] =	ssyncadd.s32 $0xFFFFC000  }
0xa8: {  	[spmem:s1] =	stream.indirect.scatter.add.f32 [tilespmem:s20], [sflag:$0x3], $0x80, s28, s23, $0xb8;
	[tilespmem:$0x1E800] =	vst v63  }
0xa9: {  	_ =	swait.ge [sflag:s21], $0x4000  }
0xaa: {  	[sflag:s21] =	ssyncset.done $0x0  }
0xab: {  	[sflag:s21] =	ssyncadd.s32 $0xFFFFC000  }
0xac: {  	_ =	swait.ge [sflag:s26], $0x4000  }
0xad: {  	[sflag:s26] =	ssyncset.done $0x0  }
0xae: {  	[sflag:s26] =	ssyncadd.s32 $0xFFFFC000  }
0xaf: {  	[spmem:s1] =	stream.indirect.scatter.add.f32 [tilespmem:s24], [sflag:$0x3], $0x80, s29, s23, $0xb8;
	[tilespmem:$0x1E800] =	vst v63  }
0xb0: {  	_ =	swait.ge [sflag:s21], $0x4000  }
0xb1: {  	[sflag:s21] =	ssyncset.done $0x0  }
0xb2: {  	s0 =	sshll.u32 s2, $0x6;
	[sflag:s21] =	ssyncadd.s32 $0xFFFFC000  }
0xb3: {  	s30 =	sshrl.u32 s5, $0x3;
	s0 =	sor.u32 $0x1C03, s0;
	[bflag:$0x0] =	sbarrier.arrive $0xFFFF  }
0xb4: {  	[hbm:s14], [sflag:s0] =	dma.local [spmem:s30], $0x800  }
0xb5: {  	_ =	swait.ge [sflag:s21], $0x800  }
0xb6: {  	[sflag:s21] =	ssyncset.done $0x0  }
0xb7: {  	s31 =	sshrl.u32 s6, $0x3;
	[sflag:s21] =	ssyncadd.s32 $0xFFFFF800  }
0xb8: {  	[hbm:s15], [sflag:s0] =	dma.local [spmem:s31], $0x800  }
0xb9: {  	_ =	swait.ge [sflag:s21], $0x800  }
0xba: {  	[sflag:s21] =	ssyncset.done $0x0  }
0xbb: {  	s31 =	sshrl.u32 s7, $0x3;
	[sflag:s21] =	ssyncadd.s32 $0xFFFFF800  }
0xbc: {  	[hbm:s16], [sflag:s0] =	dma.local [spmem:s31], $0x800  }
0xbd: {  	_ =	swait.ge [sflag:s21], $0x800  }
0xbe: {  	[sflag:s21] =	ssyncset.done $0x0  }
0xbf: {  	s31 =	sshrl.u32 s8, $0x3;
	[sflag:s21] =	ssyncadd.s32 $0xFFFFF800  }
0xc0: {  	[hbm:s17], [sflag:s0] =	dma.local [spmem:s31], $0x800  }
0xc1: {  	s3 =	sadd.s32 $0x1, s3;
	_ =	swait.ge [sflag:s21], $0x800  }
0xc2: {  	p0 =	sne.s32 s3, s19;
	[sflag:s21] =	ssyncset.done $0x0  }
.Ltmp3:
0xc3: {  	s31 =	sshrl.u32 s9, $0x3;
	[sflag:s21] =	ssyncadd.s32 $0xFFFFF800;
	(pc) =	sbr.rel @p0 .LBB2_1-.Ltmp3, $4  }
0xc4: {  	[hbm:s18], [sflag:s0] =	dma.local [spmem:s31], $0x800  }
0xc5: {  	_ =	swait.ge [sflag:s21], $0x800  }
0xc6: {  	[sflag:s21] =	ssyncset.done $0x0  }
0xc7: {  	[sflag:s21] =	ssyncadd.s32 $0xFFFFF800  }
0xc8: {  	_ =	sfence.sel $0x180000  }
0xc9: {  	[bflag:$0x0] =	sbarrier.arrive $0xFFFF  }
0xca: {  	_ =	strace $0x9000004A  }
0xcb: {  	[bflag:$0x2] =	sbarrier.arrive $0xFFFF  }
0xcc: {  	p0 =	sne.s32 s2, $0x0;
	s0 =	rddreg [dreg:$0x4]  }
0xcd: {  	s0 =	sadd.s32 @!p0 $0x100000, s0  }
0xce: {  	[sflag:s0] =	ssyncadd.tile.s32 @!p0 $0x1;
	_ =	shalt  }
.Lfunc_end2:
_tile_overlayer_lowered:
.L_overlay_start_2:
0xcf: {  	(tag) =	ssettag $0x2  }
0xd0: {  	s0 =	rddreg [dreg:$0x0];
	s2 =	stileid.u32  }
0xd1: {  	s1 =	rddreg [dreg:$0x1];
	p0 =	sne.s32 s2, $0x0  }
0xd2: {  	s3 =	rddreg [dreg:$0x2];
	[bflag:$0x3] =	sbarrier.arrive $0xFFFF;
	s2 =	simm.s32 @!p0 $0x1C03  }
0xd3: {  	[timem:s3], [sflag:s2] =	dma.local @!p0 [hbm:s0], s1  }
0xd4: {  	s0 =	simm.s32 @!p0 $0x3  }
0xd5: {  	_ =	swait.ge @!p0 [sflag:s0], s1  }
0xd6: {  	s1 =	ssub.s32 @!p0 $0x0, s1;
	[sflag:s0] =	ssyncset.done @!p0 $0x0  }
0xd7: {  	[sflag:s0] =	ssyncadd.s32 @!p0 s1  }
0xd8: {  	[bflag:$0x3] =	sbarrier.arrive $0xFFFF  }
0xd9: {  	_ =	shalt  }

// kernel: kernel.14.cloned.1.call-start
scs
__scs_entry_jumppad:
0x0: {  	(pc) =	sbr.rel $0x88, $3  }
0x1: {  	(tag) =	ssettag $0x0;
	lr =	simm.s32 $0x1  }
0x2: {  	[smem:$0x3F99] =	sst lr;
	_ =	strace $0xD0000000  }
0x3: {  	_ = 	snop  }
0x4: {  	_ = 	snop  }
0x5: {  	_ = 	snop  }
0x6: {  	_ = 	snop  }
0x7: {  	_ = 	snop  }
__scs_overlays_trampoline_lowered:
0x8: {  	[smem:$0x3FA8] =	sst s0  }
0x9: {  	[smem:$0x3FA9] =	sst s1  }
0xa: {  	[smem:$0x3FAA] =	sst s2  }
0xb: {  	[smem:$0x3FAB] =	sst s3  }
0xc: {  	[smem:$0x3FAC] =	sst s4  }
0xd: {  	[smem:$0x3FAD] =	sst s5  }
0xe: {  	[smem:$0x3FAE] =	sst s6  }
0xf: {  	[smem:$0x3FAF] =	sst s7  }
0x10: {  	[smem:$0x3FB0] =	sst s8  }
0x11: {  	[smem:$0x3FB1] =	sst s9;
	s0 =	simm.s32 @!p0 $0x0  }
0x12: {  	s1 =	sld [smem:$0x3F97];
	s0 =	simm.s32 @p0 $0x1  }
0x13: {  	[smem:$0x3FB2] =	sst s0;
	s0 =	simm.s32 @!p1 $0x0  }
0x14: {  	s2 =	sld [smem:$0x3F96];
	s0 =	simm.s32 @p1 $0x1  }
0x15: {  	[smem:$0x3FB3] =	sst s0;
	s0 =	simm.s32 @!p2 $0x0  }
0x16: {  	s3 =	sld [smem:$0x3FDB];
	s0 =	simm.s32 @p2 $0x1  }
0x17: {  	s4 =	simm.s32 $0x1BF5;
	[smem:$0x3FB5] =	sst s0  }
0x18: {  	s0 =	sld [smem:$0x3F98];
	_ =	swait.ge [sflag:s4], $0x0  }
0x19: {  	s7 =	sld [smem:$0x3F99]  }
0x1a: {  	s8 =	sadd.s32 $0xFFFFE003, lr  }
0x1b: {  	s9 =	sadd.s32 $0xFFFFFEF7, lr;
	s5 =	simm.s32 $0xFFFFFFFF;
	p2 =	slt.u32 s8, $0xFFFFF086  }
0x1c: {  	p1 =	slt.u32 s9, $0xF7A;
	s5 =	simm.s32 @!p2 $0x0  }
0x1d: {  	s5 =	simm.s32 @p1 $0x1;
	p0 =	seq.s32 s7, s2  }
0x1e: {  	s7 =	smul.u32 @!p0 $0xF7A, s2;
	p2 =	seq.s32 @!p0 s5, $0x0  }
0x1f: {  	s9 =	smul.u32 $0xF7A, s1;
	s8 =	simm.s32 @!p0 $0x1BF5;
	p2 =	por !p2, p0  }
0x20: {  	[sflag:s8] =	ssyncset.s32 @!p0 $0xFFFFF086;
	s6 =	sadd.s32 @!p0 s3, s7;
	s7 =	simm.s32 @!p0 $0x108  }
0x21: {  	s3 =	sadd.s32 s3, s9;
	s6 =	sadd.s32 @!p0 $0x88, s6;
	s7 =	simm.s32 @p2 $0x1082  }
0x22: {  	[simem:s7], [sflag:s8] =	dma.local @!p0 [hbm:s6], $0xF7A  }
0x23: {  	s9 =	sor.u32 $0xD0000000, s2;
	s6 =	simm.s32 $0x108;
	_ =	swait.ge @!p0 [sflag:s8], $0x0  }
0x24: {  	s3 =	sadd.s32 $0x88, s3;
	s6 =	simm.s32 @!p1 $0x1082;
	[sflag:s4] =	ssyncset.s32 $0xFFFFF086  }
0x25: {  	[simem:s6], [sflag:s4] =	dma.local [hbm:s3], $0xF7A  }
0x26: {  	[smem:$0x3F99] =	sst s1;
	(tag) =	ssettag s2;
	_ =	strace s9  }
0x27: {  	s1 =	sld [smem:$0x3FA9]  }
0x28: {  	s2 =	sld [smem:$0x3FAA]  }
0x29: {  	s4 =	sld [smem:$0x3FAC]  }
0x2a: {  	p0 =	seq.s32 s5, $0x0;
	s5 =	sld [smem:$0x3FAD]  }
0x2b: {  	s6 =	sld [smem:$0x3FAE]  }
0x2c: {  	s7 =	sld [smem:$0x3FAF]  }
0x2d: {  	s3 =	simm.s32 $0x108;
	s8 =	sld [smem:$0x3FB0]  }
0x2e: {  	s3 =	simm.s32 @!p0 $0x1082;
	s9 =	sld [smem:$0x3FB1]  }
0x2f: {  	lr =	sadd.s32 s0, s3;
	s0 =	sld [smem:$0x3FA8]  }
0x30: {  	s3 =	sld [smem:$0x3FAB]  }
0x31: {  	[smem:$0x3FB4] =	sst s10  }
0x32: {  	s10 =	sld [smem:$0x3FB2];
	_ =	sdelay $0x3  }
0x33: {  	p0 =	seq.s32 s10, $0x1;
	s10 =	sld [smem:$0x3FB4];
	_ =	sdelay $0x3  }
0x34: {  	[smem:$0x3FB4] =	sst s10  }
0x35: {  	s10 =	sld [smem:$0x3FB3];
	_ =	sdelay $0x3  }
0x36: {  	p1 =	seq.s32 s10, $0x1;
	s10 =	sld [smem:$0x3FB4];
	_ =	sdelay $0x3  }
0x37: {  	[smem:$0x3FB4] =	sst s10  }
0x38: {  	s10 =	sld [smem:$0x3FB5]  }
0x39: {  	_ = 	snop;
	(pc) =	sbr.ind lr, $3  }
0x3a: {  	_ = 	snop  }
0x3b: {  	_ = 	snop  }
0x3c: {  	p2 =	seq.s32 s10, $0x1;
	s10 =	sld [smem:$0x3FB4]  }
0x3d: {  	_ =	shalt  }
0x3e: {  	_ =	shalt  }
0x3f: {  	_ =	shalt  }
0x40: {  	_ =	shalt  }
0x41: {  	_ =	shalt  }
0x42: {  	_ =	shalt  }
0x43: {  	_ =	shalt  }
0x44: {  	_ =	shalt  }
0x45: {  	_ =	shalt  }
0x46: {  	_ =	shalt  }
0x47: {  	_ =	shalt  }
0x48: {  	_ =	shalt  }
0x49: {  	_ =	shalt  }
0x4a: {  	_ =	shalt  }
0x4b: {  	_ =	shalt  }
0x4c: {  	_ =	shalt  }
0x4d: {  	_ =	shalt  }
0x4e: {  	_ =	shalt  }
0x4f: {  	_ =	shalt  }
0x50: {  	_ =	shalt  }
0x51: {  	_ =	shalt  }
0x52: {  	_ =	shalt  }
0x53: {  	_ =	shalt  }
0x54: {  	_ =	shalt  }
0x55: {  	_ =	shalt  }
0x56: {  	_ =	shalt  }
0x57: {  	_ =	shalt  }
0x58: {  	_ =	shalt  }
0x59: {  	_ =	shalt  }
0x5a: {  	_ =	shalt  }
0x5b: {  	_ =	shalt  }
0x5c: {  	_ =	shalt  }
0x5d: {  	_ =	shalt  }
0x5e: {  	_ =	shalt  }
0x5f: {  	_ =	shalt  }
0x60: {  	_ =	shalt  }
0x61: {  	_ =	shalt  }
0x62: {  	_ =	shalt  }
0x63: {  	_ =	shalt  }
0x64: {  	_ =	shalt  }
0x65: {  	_ =	shalt  }
0x66: {  	_ =	shalt  }
0x67: {  	_ =	shalt  }
0x68: {  	_ =	shalt  }
0x69: {  	_ =	shalt  }
0x6a: {  	_ =	shalt  }
0x6b: {  	_ =	shalt  }
0x6c: {  	_ =	shalt  }
0x6d: {  	_ =	shalt  }
0x6e: {  	_ =	shalt  }
0x6f: {  	_ =	shalt  }
0x70: {  	_ =	shalt  }
0x71: {  	_ =	shalt  }
0x72: {  	_ =	shalt  }
0x73: {  	_ =	shalt  }
0x74: {  	_ =	shalt  }
0x75: {  	_ =	shalt  }
0x76: {  	_ =	shalt  }
0x77: {  	_ =	shalt  }
0x78: {  	_ =	shalt  }
0x79: {  	_ =	shalt  }
0x7a: {  	_ =	shalt  }
0x7b: {  	_ =	shalt  }
0x7c: {  	_ =	shalt  }
0x7d: {  	_ =	shalt  }
0x7e: {  	_ =	shalt  }
0x7f: {  	_ =	shalt  }
0x80: {  	_ =	shalt  }
0x81: {  	_ =	shalt  }
0x82: {  	_ =	shalt  }
0x83: {  	_ =	shalt  }
0x84: {  	_ =	shalt  }
0x85: {  	_ =	shalt  }
0x86: {  	_ =	shalt  }
0x87: {  	_ =	shalt  }
.Lfunc_end0:
.L_simem_size_0:
called_computation.2_lowered:
.L_overlay_start_0:
0x88: {  	s2 =	sld [smem:$0x3FD9]  }
0x89: {  	s3 =	sld [smem:$0x3FFE];
	_ =	sdelay $0x1  }
0x8a: {  	s1 =	srdreg.scid  }
0x8b: {  	s0 =	sand.u32 $0x1, s1  }
0x8c: {  	s14 =	sshll.u32 s0, $0xA;
	s2 =	sadd.s32 s3, s2  }
0x8d: {  	s2 =	sadd.s32 s2, s14  }
0x8e: {  	[smem:$0x3FC0] =	sst s2  }
0x8f: {  	_ = 	snop  }
0x90: {  	s2 =	sld [smem:$0x3FD0];
	_ =	sdelay $0x2  }
0x91: {  	s15 =	simm.s32 $0xA;
	s4 =	simm.s32 $0x10  }
0x92: {  	[smem:s4], [sflag:s15] =	dma.local [hbm:s2], $0x1  }
0x93: {  	_ =	swait.eq [sflag:s15], $0x1  }
0x94: {  	[sflag:s15] =	ssyncset.done $0x0  }
0x95: {  	s16 =	sld [smem:$0x10];
	[sflag:s15] =	ssyncadd.s32 $0xFFFFFFFF  }
0x96: {  	s17 =	sld [smem:$0x11];
	(tm) =	ssettm $0x1  }
0x97: {  	s18 =	sld [smem:$0x3FFB];
	_ =	sdelay $0x3  }
0x98: {  	_ =	strace s18  }
0x99: {  	s4 =	sld [smem:$0x3FFC];
	_ =	sdelay $0x3  }
0x9a: {  	_ =	strace s4  }
0x9b: {  	s4 =	sld [smem:$0x3FFD];
	_ =	sdelay $0x3  }
0x9c: {  	_ =	strace s4  }
0x9d: {  	_ =	strace $0x8FFFFFFF  }
0x9e: {  	s19 =	sld [smem:$0x3FDB];
	_ =	sdelay $0x1  }
0x9f: {  	s5 =	simm.s32 $_scs_section_size  }
0xa0: {  	s6 =	simm.s32 $_size__tile_overlayer_lowered;
	s7 =	simm.s32 $_tile_overlayer_lowered  }
0xa1: {  	s22 =	simm.s32 $0x1BFF;
	s21 =	sshll.u32 s7, $0x1;
	s4 =	sadd.s32 s5, s19  }
0xa2: {  	s8 =	simm.s32 $0x0;
	s20 =	sshll.u32 s6, $0x1;
	s6 =	sadd.s32 s21, s4  }
0xa3: {  	[timem:s8], [sflag:s22] =	dma.local [hbm:s6], s20  }
0xa4: {  	_ =	swait.ge [sflag:s22], s20  }
0xa5: {  	s5 =	ssub.s32 $0x0, s20;
	[sflag:s22] =	ssyncset.done $0x0  }
0xa6: {  	[sflag:s22] =	ssyncadd.s32 s5;
	_ =	sdelay $0x1  }
0xa7: {  	s23 =	simm.s32 $0x1B8B  }
0xa8: {  	_ =	swait.ge [sflag:s23], $0x1  }
0xa9: {  	[sflag:s23] =	ssyncset.done $0x0  }
0xaa: {  	s25 =	simm.s32 $0x1B8E;
	s24 =	sld [smem:$0x3FFE];
	[sflag:s23] =	ssyncadd.s32 $0xFFFFFFFF  }
0xab: {  	s26 =	simm.s32 $execute0_lowered;
	[smem:$0x3FD2] =	sst s25  }
0xac: {  	s6 =	sshll.u32 s26, $0x1;
	_ =	strace $0x8000004C;
	[dreg:$0x1] =	wrdreg $0xFFFFFFFF  }
0xad: {  	s28 =	simm.s32 $_size_execute0_lowered;
	s4 =	sadd.s32 s4, s6;
	[dreg:$0x0] =	wrdreg $0x0  }
0xae: {  	s6 =	sshll.u32 s28, $0x1;
	[dreg:$0x2] =	wrdreg s4  }
0xaf: {  	[dreg:$0x3] =	wrdreg s6  }
0xb0: {  	[dreg:$0x4] =	wrdreg $0xC0  }
0xb1: {  	_ =	task [dreg:s8], $0x5FFFF  }
0xb2: {  	[dreg:$0x1] =	wrdreg $0xFFFFFFFF  }
0xb3: {  	[dreg:$0x0] =	wrdreg $0x60  }
0xb4: {  	[dreg:$0x2] =	wrdreg s24  }
0xb5: {  	[dreg:$0x3] =	wrdreg s16  }
0xb6: {  	[dreg:$0x4] =	wrdreg s17  }
0xb7: {  	[dreg:$0x5] =	wrdreg $0xA8000  }
0xb8: {  	[dreg:$0x6] =	wrdreg $0x9  }
0xb9: {  	_ =	task.clear_ibuf [dreg:s8], $0x7FFFF;
	_ =	strace $0x9000004C  }
0xba: {  	s29 =	simm.s32 $0x9;
	_ =	strace $0x8000004E  }
0xbb: {  	_ =	swait.ge [sflag:s29], $0x1  }
0xbc: {  	[sflag:s29] =	ssyncadd.s32 $0xFFFFFFFF  }
0xbd: {  	_ =	strace $0x9000004E  }
0xbe: {  	_ =	sfence  }
0xbf: {  	s30 =	sld [smem:$0x0];
	_ =	sdelay $0x2  }
0xc0: {  	s31 =	sshll.u32 s1, $0xD;
	s1 =	sshrl.u32 s1, $0x2  }
0xc1: {  	s3 =	sand.u32 $0x4000, s31;
	s1 =	sadd.s32 s1, s30  }
0xc2: {  	s0 =	sor.u32 s3, s0;
	s1 =	sshll.u32 s1, $0x11  }
0xc3: {  	s0 =	sor.u32 s1, s0  }
0xc4: {  	s0 =	sadd.s32 $0x8F2B, s0  }
0xc5: {  	[sflag:s0] =	ssyncadd.remote.s32 $0x1  }
0xc6: {  	_ =	sfence.sel $0xFFFF  }
0xc7: {  	[dreg:$0x0] =	wrdreg $0xFFFFFFFF;
	(pc) =	sbr.abs _section_cstart, $3  }
0xc8: {  	[dreg:$0x1] =	wrdreg $0xFFFFFFFF  }
0xc9: {  	_ =	task.clear_ibuf [dreg:s8], $0x2FFFF;
	_ =	strace $0x9FFFFFFF  }
0xca: {  	(tm) =	ssettm $0x7FFFFFFF  }
0xcb: {  	_ =	shalt  }
tec
execute0_lowered:
.L_overlay_start_1:
0x0: {  	(tag) =	ssettag $0x1  }
0x1: {  	s5 =	rddreg [dreg:$0x0]  }
0x2: {  	s12 =	rddreg [dreg:$0x1]  }
0x3: {  	s13 =	rddreg [dreg:$0x2]  }
0x4: {  	s1 =	rddreg [dreg:$0x3];
	s3 =	simm.s32 $0x0;
	s4 =	srdreg.scid  }
0x5: {  	s2 =	stileid.u32;
	s28 =	simm.s32 $0x2700;
	s29 =	simm.s32 $0x2780  }
0x6: {  	[smem:$0x7FF] =	sst s3;
	s10 =	sand.u32 $0x1, s4;
	s14 =	smul.u32 $0x280, s2  }
0x7: {  	s4 =	sadd.s32 $0x2200, s5;
	s8 =	smul.u32 $0x50000, s2;
	s18 =	sadd.s32 $0x29400, s5  }
0x8: {  	_ =	strace $0x8000004D;
	s6 =	ssub.s32 $0x2, s10;
	s23 =	sshll.u32 s10, $0x4  }
0x9: {  	s22 =	smul.u32 $0x2800, s10;
	s7 =	sshrl.u32 s6, $0x1;
	s24 =	sor.u32 s2, s23  }
0xa: {  	s25 =	sshrl.u32 s8, $0x2;
	s15 =	sadd.s32 $0x80, s14;
	s16 =	sadd.s32 $0x100, s14  }
0xb: {  	s17 =	sadd.s32 $0x180, s14;
	s20 =	sadd.s32 $0x200, s14;
	s23 =	simm.s32 $0x80  }
0xc: {  	s19 =	ssub.s32 s6, s7;
	s5 =	sadd.s32 s25, s1;
	s26 =	sshll.u32 s15, $0x7  }
0xd: {  	s30 =	sshll.u32 s16, $0x7;
	s9 =	sshll.u32 s17, $0x7;
	s11 =	smul.u32 $0x2800, s24  }
0xe: {  	s31 =	sshll.u32 s20, $0x7;
	s14 =	sadd.s32 s14, s22;
	s15 =	sadd.s32 s22, s15  }
0xf: {  	s16 =	sadd.s32 s22, s16;
	s17 =	sadd.s32 s22, s17;
	s20 =	sadd.s32 s22, s20  }
0x10: {  	s22 =	simm.s32 $0x1400;
	s24 =	simm.s32 $0x6800;
	s25 =	simm.s32 $0x1  }
0x11: {  	s6 =	sadd.s32 s26, s1;
	s7 =	sadd.s32 s30, s1;
	s8 =	sadd.s32 s9, s1  }
0x12: {  	s9 =	sadd.s32 s31, s1;
	s14 =	sshll.u32 s14, $0x4;
	s15 =	sshll.u32 s15, $0x4  }
0x13: {  	s16 =	sshll.u32 s16, $0x4;
	s17 =	sshll.u32 s17, $0x4;
	s20 =	sshll.u32 s20, $0x4  }
0x14: {  	s19 =	smax.u32 s19, $0x1;
	s26 =	simm.s32 $0x2;
	s21 =	sshrl.u32 s11, $0x3  }
0x15: {  	s14 =	sadd.s32 s18, s14;
	s15 =	sadd.s32 s18, s15;
	s16 =	sadd.s32 s18, s16  }
0x16: {  	s17 =	sadd.s32 s18, s17;
	s18 =	sadd.s32 s18, s20;
	s20 =	simm.s32 $0x2800  }
0x17: {  	s10 =	sadd.s32 s12, s21;
	s11 =	sadd.s32 s13, s21;
	s21 =	sadd.s32 $0x280, s21  }
0x18: {  	v0 =	vimm.f32 $0.0e+00;
	s12 =	sadd.s32 s12, s21;
	s13 =	sadd.s32 s13, s21;
	s21 =	simm.s32 $0x3  }
.LBB2_1:
0x19: {  	s30 =	simm.s32 $0x0;
	s31 =	simm.s32 $0x200  }
.LBB2_2:
0x1a: {  	p0 =	sne.s32 s31, $0xFE00;
	[tilespmem:s30+$0x2870] =	vst v0  }
0x1b: {  	[tilespmem:s30+$0x2800] =	vst v0  }
0x1c: {  	[tilespmem:s30+$0x2810] =	vst v0  }
.Ltmp0:
0x1d: {  	[tilespmem:s30+$0x2820] =	vst v0;
	(pc) =	sbr.rel @p0 .LBB2_2-.Ltmp0, $4  }
0x1e: {  	[tilespmem:s30+$0x2830] =	vst v0  }
0x1f: {  	[tilespmem:s30+$0x2840] =	vst v0  }
0x20: {  	[tilespmem:s30+$0x2850] =	vst v0  }
0x21: {  	[tilespmem:s30+$0x2860] =	vst v0;
	s30 =	sshra.s32 s31, $0x2;
	s31 =	sadd.s32 $0x200, s31  }
0x22: {  	[tilespmem:s30+$0x2870] =	vst v0  }
0x23: {  	[tilespmem:s30+$0x2800] =	vst v0  }
0x24: {  	[tilespmem:s30+$0x2810] =	vst v0  }
0x25: {  	[tilespmem:s30+$0x2820] =	vst v0  }
0x26: {  	[tilespmem:s30+$0x2830] =	vst v0  }
0x27: {  	[tilespmem:s30+$0x2840] =	vst v0  }
0x28: {  	[tilespmem:s30+$0x2850] =	vst v0  }
0x29: {  	[tilespmem:s30+$0x2860] =	vst v0  }
0x2a: {  	[spmem:s5] =	stream.linear.scatter [tilespmem:s20], [sflag:$0x3], $0x4000, $0x38;
	[tilespmem:$0x1E800] =	vst v63  }
0x2b: {  	_ =	swait.ge [sflag:s21], $0x4000  }
0x2c: {  	[sflag:s21] =	ssyncset.done $0x0  }
0x2d: {  	[sflag:s21] =	ssyncadd.s32 $0xFFFFC000  }
0x2e: {  	[spmem:s6] =	stream.linear.scatter [tilespmem:s20], [sflag:$0x3], $0x4000, $0x38;
	[tilespmem:$0x1E800] =	vst v63  }
0x2f: {  	_ =	swait.ge [sflag:s21], $0x4000  }
0x30: {  	[sflag:s21] =	ssyncset.done $0x0  }
0x31: {  	[sflag:s21] =	ssyncadd.s32 $0xFFFFC000  }
0x32: {  	[spmem:s7] =	stream.linear.scatter [tilespmem:s20], [sflag:$0x3], $0x4000, $0x38;
	[tilespmem:$0x1E800] =	vst v63  }
0x33: {  	_ =	swait.ge [sflag:s21], $0x4000  }
0x34: {  	[sflag:s21] =	ssyncset.done $0x0  }
0x35: {  	[sflag:s21] =	ssyncadd.s32 $0xFFFFC000  }
0x36: {  	[spmem:s8] =	stream.linear.scatter [tilespmem:s20], [sflag:$0x3], $0x4000, $0x38;
	[tilespmem:$0x1E800] =	vst v63  }
0x37: {  	_ =	swait.ge [sflag:s21], $0x4000  }
0x38: {  	[sflag:s21] =	ssyncset.done $0x0  }
0x39: {  	[sflag:s21] =	ssyncadd.s32 $0xFFFFC000  }
0x3a: {  	[spmem:s9] =	stream.linear.scatter [tilespmem:s20], [sflag:$0x3], $0x4000, $0x38;
	[tilespmem:$0x1E800] =	vst v63  }
0x3b: {  	_ =	swait.ge [sflag:s21], $0x4000  }
0x3c: {  	[sflag:s21] =	ssyncset.done $0x0  }
0x3d: {  	s30 =	simm.s32 $0x0;
	[sflag:s21] =	ssyncadd.s32 $0xFFFFC000  }
0x3e: {  	[tilespmem:s30], [sflag:$0x3] =	stream.linear.gather [hbm4b:s10+s30], $0x1400, $0x38;
	[tilespmem:$0x1E800] =	vst v63  }
0x3f: {  	_ =	swait.ge [sflag:s21], $0x1400  }
0x40: {  	[sflag:s21] =	ssyncset.done $0x0  }
0x41: {  	[sflag:s21] =	ssyncadd.s32 $0xFFFFEC00  }
0x42: {  	[tilespmem:s22], [sflag:$0x3] =	stream.linear.gather [hbm4b:s11+s30], $0x1400, $0x38;
	[tilespmem:$0x1E800] =	vst v63  }
0x43: {  	_ =	swait.ge [sflag:s21], $0x1400  }
0x44: {  	[sflag:s21] =	ssyncset.done $0x0  }
0x45: {  	[sflag:s21] =	ssyncadd.s32 $0xFFFFEC00  }
0x46: {  	[tilespmem:s20], [sflag:$0x1] =	stream.indirect.gather [hbm4b:s4+s23], $0x80, s30, s23, $0xb8;
	[tilespmem:$0x1E800] =	vst v63  }
0x47: {  	_ = 	snop  }
0x48: {  	[tilespmem:s24], [sflag:$0x2] =	stream.indirect.gather [hbm4b:s4+s23], $0x80, s23, s23, $0xb8;
	[tilespmem:$0x1E800] =	vst v63  }
0x49: {  	[bflag:$0x0] =	sbarrier.arrive $0xFFFF  }
0x4a: {  	_ =	swait.ge [sflag:s25], $0x4000  }
0x4b: {  	[sflag:s25] =	ssyncset.done $0x0  }
0x4c: {  	s30 =	simm.s32 $0x1400;
	[sflag:s25] =	ssyncadd.s32 $0xFFFFC000  }
0x4d: {  	[spmem:s1] =	stream.indirect.scatter.add.f32 [tilespmem:s20], [sflag:$0x3], $0x80, s30, s23, $0xb8;
	[tilespmem:$0x1E800] =	vst v63  }
0x4e: {  	_ =	swait.ge [sflag:s21], $0x4000  }
0x4f: {  	[sflag:s21] =	ssyncset.done $0x0  }
0x50: {  	s30 =	simm.s32 $0x100;
	[sflag:s21] =	ssyncadd.s32 $0xFFFFC000  }
0x51: {  	[tilespmem:s20], [sflag:$0x1] =	stream.indirect.gather [hbm4b:s4+s23], $0x80, s30, s23, $0xb8;
	[tilespmem:$0x1E800] =	vst v63  }
0x52: {  	_ =	swait.ge [sflag:s26], $0x4000  }
0x53: {  	[sflag:s26] =	ssyncset.done $0x0  }
0x54: {  	s30 =	simm.s32 $0x1480;
	[sflag:s26] =	ssyncadd.s32 $0xFFFFC000  }
0x55: {  	[spmem:s1] =	stream.indirect.scatter.add.f32 [tilespmem:s24], [sflag:$0x3], $0x80, s30, s23, $0xb8;
	[tilespmem:$0x1E800] =	vst v63  }
0x56: {  	_ =	swait.ge [sflag:s21], $0x4000  }
0x57: {  	[sflag:s21] =	ssyncset.done $0x0  }
0x58: {  	s31 =	simm.s32 $0x180;
	s30 =	simm.s32 $0x400;
	[sflag:s21] =	ssyncadd.s32 $0xFFFFC000  }
.LBB2_4:
0x59: {  	[tilespmem:s24], [sflag:$0x2] =	stream.indirect.gather [hbm4b:s4+s23], $0x80, s31, s23, $0xb8;
	[tilespmem:$0x1E800] =	vst v63  }
0x5a: {  	s31 =	smov.u32 s30  }
0x5b: {  	p0 =	sne.s32 s30, $0x4800;
	s30 =	sadd.s32 $0x400, s30;
	_ =	swait.ge [sflag:s25], $0x4000  }
0x5c: {  	s31 =	sshra.s32 s31, $0x2;
	[sflag:s25] =	ssyncset.done $0x0  }
0x5d: {  	s0 =	sadd.s32 $0x1400, s31;
	[sflag:s25] =	ssyncadd.s32 $0xFFFFC000  }
0x5e: {  	[spmem:s1] =	stream.indirect.scatter.add.f32 [tilespmem:s20], [sflag:$0x3], $0x80, s0, s23, $0xb8;
	[tilespmem:$0x1E800] =	vst v63  }
0x5f: {  	_ =	swait.ge [sflag:s21], $0x4000  }
0x60: {  	[sflag:s21] =	ssyncset.done $0x0  }
0x61: {  	s0 =	sadd.s32 $0x100, s31;
	[sflag:s21] =	ssyncadd.s32 $0xFFFFC000  }
0x62: {  	[tilespmem:s20], [sflag:$0x1] =	stream.indirect.gather [hbm4b:s4+s23], $0x80, s0, s23, $0xb8;
	[tilespmem:$0x1E800] =	vst v63  }
0x63: {  	_ =	swait.ge [sflag:s26], $0x4000  }
0x64: {  	[sflag:s26] =	ssyncset.done $0x0  }
.Ltmp1:
0x65: {  	s0 =	sadd.s32 $0x1480, s31;
	[sflag:s26] =	ssyncadd.s32 $0xFFFFC000;
	(pc) =	sbr.rel @p0 .LBB2_4-.Ltmp1, $4  }
0x66: {  	[spmem:s1] =	stream.indirect.scatter.add.f32 [tilespmem:s24], [sflag:$0x3], $0x80, s0, s23, $0xb8;
	[tilespmem:$0x1E800] =	vst v63  }
0x67: {  	_ =	swait.ge [sflag:s21], $0x4000  }
0x68: {  	[sflag:s21] =	ssyncset.done $0x0  }
0x69: {  	s31 =	sadd.s32 $0x180, s31;
	[sflag:s21] =	ssyncadd.s32 $0xFFFFC000  }
0x6a: {  	[tilespmem:s24], [sflag:$0x2] =	stream.indirect.gather [hbm4b:s4+s23], $0x80, s31, s23, $0xb8;
	[tilespmem:$0x1E800] =	vst v63  }
0x6b: {  	_ =	swait.ge [sflag:s25], $0x4000  }
0x6c: {  	[sflag:s25] =	ssyncset.done $0x0  }
0x6d: {  	[sflag:s25] =	ssyncadd.s32 $0xFFFFC000  }
0x6e: {  	[spmem:s1] =	stream.indirect.scatter.add.f32 [tilespmem:s20], [sflag:$0x3], $0x80, s28, s23, $0xb8;
	[tilespmem:$0x1E800] =	vst v63  }
0x6f: {  	_ =	swait.ge [sflag:s21], $0x4000  }
0x70: {  	[sflag:s21] =	ssyncset.done $0x0  }
0x71: {  	[sflag:s21] =	ssyncadd.s32 $0xFFFFC000  }
0x72: {  	_ =	swait.ge [sflag:s26], $0x4000  }
0x73: {  	[sflag:s26] =	ssyncset.done $0x0  }
0x74: {  	[sflag:s26] =	ssyncadd.s32 $0xFFFFC000  }
0x75: {  	[spmem:s1] =	stream.indirect.scatter.add.f32 [tilespmem:s24], [sflag:$0x3], $0x80, s29, s23, $0xb8;
	[tilespmem:$0x1E800] =	vst v63  }
0x76: {  	_ =	swait.ge [sflag:s21], $0x4000  }
0x77: {  	[sflag:s21] =	ssyncset.done $0x0  }
0x78: {  	s0 =	simm.s32 $0x0;
	[sflag:s21] =	ssyncadd.s32 $0xFFFFC000  }
0x79: {  	[tilespmem:s0], [sflag:$0x3] =	stream.linear.gather [hbm4b:s12+s0], $0x1400, $0x38;
	[tilespmem:$0x1E800] =	vst v63  }
0x7a: {  	_ =	swait.ge [sflag:s21], $0x1400  }
0x7b: {  	[sflag:s21] =	ssyncset.done $0x0  }
0x7c: {  	[sflag:s21] =	ssyncadd.s32 $0xFFFFEC00  }
0x7d: {  	[tilespmem:s22], [sflag:$0x3] =	stream.linear.gather [hbm4b:s13+s0], $0x1400, $0x38;
	[tilespmem:$0x1E800] =	vst v63  }
0x7e: {  	_ =	swait.ge [sflag:s21], $0x1400  }
0x7f: {  	[sflag:s21] =	ssyncset.done $0x0  }
0x80: {  	[sflag:s21] =	ssyncadd.s32 $0xFFFFEC00  }
0x81: {  	[tilespmem:s20], [sflag:$0x1] =	stream.indirect.gather [hbm4b:s4+s23], $0x80, s0, s23, $0xb8;
	[tilespmem:$0x1E800] =	vst v63  }
0x82: {  	_ = 	snop  }
0x83: {  	[tilespmem:s24], [sflag:$0x2] =	stream.indirect.gather [hbm4b:s4+s23], $0x80, s23, s23, $0xb8;
	[tilespmem:$0x1E800] =	vst v63  }
0x84: {  	_ =	swait.ge [sflag:s25], $0x4000  }
0x85: {  	[sflag:s25] =	ssyncset.done $0x0  }
0x86: {  	s0 =	simm.s32 $0x1400;
	[sflag:s25] =	ssyncadd.s32 $0xFFFFC000  }
0x87: {  	[spmem:s1] =	stream.indirect.scatter.add.f32 [tilespmem:s20], [sflag:$0x3], $0x80, s0, s23, $0xb8;
	[tilespmem:$0x1E800] =	vst v63  }
0x88: {  	_ =	swait.ge [sflag:s21], $0x4000  }
0x89: {  	[sflag:s21] =	ssyncset.done $0x0  }
0x8a: {  	s0 =	simm.s32 $0x100;
	[sflag:s21] =	ssyncadd.s32 $0xFFFFC000  }
0x8b: {  	[tilespmem:s20], [sflag:$0x1] =	stream.indirect.gather [hbm4b:s4+s23], $0x80, s0, s23, $0xb8;
	[tilespmem:$0x1E800] =	vst v63  }
0x8c: {  	_ =	swait.ge [sflag:s26], $0x4000  }
0x8d: {  	[sflag:s26] =	ssyncset.done $0x0  }
0x8e: {  	s0 =	simm.s32 $0x1480;
	[sflag:s26] =	ssyncadd.s32 $0xFFFFC000  }
0x8f: {  	[spmem:s1] =	stream.indirect.scatter.add.f32 [tilespmem:s24], [sflag:$0x3], $0x80, s0, s23, $0xb8;
	[tilespmem:$0x1E800] =	vst v63  }
0x90: {  	_ =	swait.ge [sflag:s21], $0x4000  }
0x91: {  	[sflag:s21] =	ssyncset.done $0x0  }
0x92: {  	s30 =	simm.s32 $0x400;
	s31 =	simm.s32 $0x180;
	[sflag:s21] =	ssyncadd.s32 $0xFFFFC000  }
.LBB2_6:
0x93: {  	[tilespmem:s24], [sflag:$0x2] =	stream.indirect.gather [hbm4b:s4+s23], $0x80, s31, s23, $0xb8;
	[tilespmem:$0x1E800] =	vst v63  }
0x94: {  	s0 =	smov.u32 s30  }
0x95: {  	p0 =	sne.s32 s30, $0x4800;
	s30 =	sadd.s32 $0x400, s30;
	_ =	swait.ge [sflag:s25], $0x4000  }
0x96: {  	s0 =	sshra.s32 s0, $0x2;
	[sflag:s25] =	ssyncset.done $0x0  }
0x97: {  	s31 =	sadd.s32 $0x1400, s0;
	[sflag:s25] =	ssyncadd.s32 $0xFFFFC000  }
0x98: {  	[spmem:s1] =	stream.indirect.scatter.add.f32 [tilespmem:s20], [sflag:$0x3], $0x80, s31, s23, $0xb8;
	[tilespmem:$0x1E800] =	vst v63  }
0x99: {  	_ =	swait.ge [sflag:s21], $0x4000  }
0x9a: {  	[sflag:s21] =	ssyncset.done $0x0  }
0x9b: {  	s31 =	sadd.s32 $0x100, s0;
	[sflag:s21] =	ssyncadd.s32 $0xFFFFC000  }
0x9c: {  	[tilespmem:s20], [sflag:$0x1] =	stream.indirect.gather [hbm4b:s4+s23], $0x80, s31, s23, $0xb8;
	[tilespmem:$0x1E800] =	vst v63  }
0x9d: {  	_ =	swait.ge [sflag:s26], $0x4000  }
0x9e: {  	[sflag:s26] =	ssyncset.done $0x0  }
.Ltmp2:
0x9f: {  	s31 =	sadd.s32 $0x1480, s0;
	[sflag:s26] =	ssyncadd.s32 $0xFFFFC000;
	(pc) =	sbr.rel @p0 .LBB2_6-.Ltmp2, $4  }
0xa0: {  	[spmem:s1] =	stream.indirect.scatter.add.f32 [tilespmem:s24], [sflag:$0x3], $0x80, s31, s23, $0xb8;
	[tilespmem:$0x1E800] =	vst v63  }
0xa1: {  	_ =	swait.ge [sflag:s21], $0x4000  }
0xa2: {  	[sflag:s21] =	ssyncset.done $0x0  }
0xa3: {  	s31 =	sadd.s32 $0x180, s0;
	[sflag:s21] =	ssyncadd.s32 $0xFFFFC000  }
0xa4: {  	[tilespmem:s24], [sflag:$0x2] =	stream.indirect.gather [hbm4b:s4+s23], $0x80, s31, s23, $0xb8;
	[tilespmem:$0x1E800] =	vst v63  }
0xa5: {  	_ =	swait.ge [sflag:s25], $0x4000  }
0xa6: {  	[sflag:s25] =	ssyncset.done $0x0  }
0xa7: {  	[sflag:s25] =	ssyncadd.s32 $0xFFFFC000  }
0xa8: {  	[spmem:s1] =	stream.indirect.scatter.add.f32 [tilespmem:s20], [sflag:$0x3], $0x80, s28, s23, $0xb8;
	[tilespmem:$0x1E800] =	vst v63  }
0xa9: {  	_ =	swait.ge [sflag:s21], $0x4000  }
0xaa: {  	[sflag:s21] =	ssyncset.done $0x0  }
0xab: {  	[sflag:s21] =	ssyncadd.s32 $0xFFFFC000  }
0xac: {  	_ =	swait.ge [sflag:s26], $0x4000  }
0xad: {  	[sflag:s26] =	ssyncset.done $0x0  }
0xae: {  	[sflag:s26] =	ssyncadd.s32 $0xFFFFC000  }
0xaf: {  	[spmem:s1] =	stream.indirect.scatter.add.f32 [tilespmem:s24], [sflag:$0x3], $0x80, s29, s23, $0xb8;
	[tilespmem:$0x1E800] =	vst v63  }
0xb0: {  	_ =	swait.ge [sflag:s21], $0x4000  }
0xb1: {  	[sflag:s21] =	ssyncset.done $0x0  }
0xb2: {  	s0 =	sshll.u32 s2, $0x6;
	[sflag:s21] =	ssyncadd.s32 $0xFFFFC000  }
0xb3: {  	s30 =	sshrl.u32 s5, $0x3;
	s0 =	sor.u32 $0x1C03, s0;
	[bflag:$0x0] =	sbarrier.arrive $0xFFFF  }
0xb4: {  	[hbm:s14], [sflag:s0] =	dma.local [spmem:s30], $0x800  }
0xb5: {  	_ =	swait.ge [sflag:s21], $0x800  }
0xb6: {  	[sflag:s21] =	ssyncset.done $0x0  }
0xb7: {  	s31 =	sshrl.u32 s6, $0x3;
	[sflag:s21] =	ssyncadd.s32 $0xFFFFF800  }
0xb8: {  	[hbm:s15], [sflag:s0] =	dma.local [spmem:s31], $0x800  }
0xb9: {  	_ =	swait.ge [sflag:s21], $0x800  }
0xba: {  	[sflag:s21] =	ssyncset.done $0x0  }
0xbb: {  	s31 =	sshrl.u32 s7, $0x3;
	[sflag:s21] =	ssyncadd.s32 $0xFFFFF800  }
0xbc: {  	[hbm:s16], [sflag:s0] =	dma.local [spmem:s31], $0x800  }
0xbd: {  	_ =	swait.ge [sflag:s21], $0x800  }
0xbe: {  	[sflag:s21] =	ssyncset.done $0x0  }
0xbf: {  	s31 =	sshrl.u32 s8, $0x3;
	[sflag:s21] =	ssyncadd.s32 $0xFFFFF800  }
0xc0: {  	[hbm:s17], [sflag:s0] =	dma.local [spmem:s31], $0x800  }
0xc1: {  	s3 =	sadd.s32 $0x1, s3;
	_ =	swait.ge [sflag:s21], $0x800  }
0xc2: {  	p0 =	sne.s32 s3, s19;
	[sflag:s21] =	ssyncset.done $0x0  }
.Ltmp3:
0xc3: {  	s31 =	sshrl.u32 s9, $0x3;
	[sflag:s21] =	ssyncadd.s32 $0xFFFFF800;
	(pc) =	sbr.rel @p0 .LBB2_1-.Ltmp3, $4  }
0xc4: {  	[hbm:s18], [sflag:s0] =	dma.local [spmem:s31], $0x800  }
0xc5: {  	_ =	swait.ge [sflag:s21], $0x800  }
0xc6: {  	[sflag:s21] =	ssyncset.done $0x0  }
0xc7: {  	[sflag:s21] =	ssyncadd.s32 $0xFFFFF800  }
0xc8: {  	_ =	sfence.sel $0x180000  }
0xc9: {  	[bflag:$0x0] =	sbarrier.arrive $0xFFFF  }
0xca: {  	_ =	strace $0x9000004D  }
0xcb: {  	[bflag:$0x2] =	sbarrier.arrive $0xFFFF  }
0xcc: {  	p0 =	sne.s32 s2, $0x0;
	s0 =	rddreg [dreg:$0x4]  }
0xcd: {  	s0 =	sadd.s32 @!p0 $0x100000, s0  }
0xce: {  	[sflag:s0] =	ssyncadd.tile.s32 @!p0 $0x1;
	_ =	shalt  }
.Lfunc_end2:
_tile_overlayer_lowered:
.L_overlay_start_2:
0xcf: {  	(tag) =	ssettag $0x2  }
0xd0: {  	s0 =	rddreg [dreg:$0x0];
	s2 =	stileid.u32  }
0xd1: {  	s1 =	rddreg [dreg:$0x1];
	p0 =	sne.s32 s2, $0x0  }
0xd2: {  	s3 =	rddreg [dreg:$0x2];
	[bflag:$0x3] =	sbarrier.arrive $0xFFFF;
	s2 =	simm.s32 @!p0 $0x1C03  }
0xd3: {  	[timem:s3], [sflag:s2] =	dma.local @!p0 [hbm:s0], s1  }
0xd4: {  	s0 =	simm.s32 @!p0 $0x3  }
0xd5: {  	_ =	swait.ge @!p0 [sflag:s0], s1  }
0xd6: {  	s1 =	ssub.s32 @!p0 $0x0, s1;
	[sflag:s0] =	ssyncset.done @!p0 $0x0  }
0xd7: {  	[sflag:s0] =	ssyncadd.s32 @!p0 s1  }
0xd8: {  	[bflag:$0x3] =	sbarrier.arrive $0xFFFF  }
0xd9: {  	_ =	shalt  }

// kernel: kernel.8.cloned.1.call-start
scs
__scs_entry_jumppad:
0x0: {  	(pc) =	sbr.rel $0x88, $3  }
0x1: {  	(tag) =	ssettag $0x0;
	lr =	simm.s32 $0x1  }
0x2: {  	[smem:$0x3F99] =	sst lr;
	_ =	strace $0xD0000000  }
0x3: {  	_ = 	snop  }
0x4: {  	_ = 	snop  }
0x5: {  	_ = 	snop  }
0x6: {  	_ = 	snop  }
0x7: {  	_ = 	snop  }
__scs_overlays_trampoline_lowered:
0x8: {  	[smem:$0x3FA8] =	sst s0  }
0x9: {  	[smem:$0x3FA9] =	sst s1  }
0xa: {  	[smem:$0x3FAA] =	sst s2  }
0xb: {  	[smem:$0x3FAB] =	sst s3  }
0xc: {  	[smem:$0x3FAC] =	sst s4  }
0xd: {  	[smem:$0x3FAD] =	sst s5  }
0xe: {  	[smem:$0x3FAE] =	sst s6  }
0xf: {  	[smem:$0x3FAF] =	sst s7  }
0x10: {  	[smem:$0x3FB0] =	sst s8  }
0x11: {  	[smem:$0x3FB1] =	sst s9;
	s0 =	simm.s32 @!p0 $0x0  }
0x12: {  	s1 =	sld [smem:$0x3F97];
	s0 =	simm.s32 @p0 $0x1  }
0x13: {  	[smem:$0x3FB2] =	sst s0;
	s0 =	simm.s32 @!p1 $0x0  }
0x14: {  	s2 =	sld [smem:$0x3F96];
	s0 =	simm.s32 @p1 $0x1  }
0x15: {  	[smem:$0x3FB3] =	sst s0;
	s0 =	simm.s32 @!p2 $0x0  }
0x16: {  	s3 =	sld [smem:$0x3FDB];
	s0 =	simm.s32 @p2 $0x1  }
0x17: {  	s4 =	simm.s32 $0x1BF5;
	[smem:$0x3FB5] =	sst s0  }
0x18: {  	s0 =	sld [smem:$0x3F98];
	_ =	swait.ge [sflag:s4], $0x0  }
0x19: {  	s7 =	sld [smem:$0x3F99]  }
0x1a: {  	s8 =	sadd.s32 $0xFFFFE003, lr  }
0x1b: {  	s9 =	sadd.s32 $0xFFFFFEF7, lr;
	s5 =	simm.s32 $0xFFFFFFFF;
	p2 =	slt.u32 s8, $0xFFFFF086  }
0x1c: {  	p1 =	slt.u32 s9, $0xF7A;
	s5 =	simm.s32 @!p2 $0x0  }
0x1d: {  	s5 =	simm.s32 @p1 $0x1;
	p0 =	seq.s32 s7, s2  }
0x1e: {  	s7 =	smul.u32 @!p0 $0xF7A, s2;
	p2 =	seq.s32 @!p0 s5, $0x0  }
0x1f: {  	s9 =	smul.u32 $0xF7A, s1;
	s8 =	simm.s32 @!p0 $0x1BF5;
	p2 =	por !p2, p0  }
0x20: {  	[sflag:s8] =	ssyncset.s32 @!p0 $0xFFFFF086;
	s6 =	sadd.s32 @!p0 s3, s7;
	s7 =	simm.s32 @!p0 $0x108  }
0x21: {  	s3 =	sadd.s32 s3, s9;
	s6 =	sadd.s32 @!p0 $0x88, s6;
	s7 =	simm.s32 @p2 $0x1082  }
0x22: {  	[simem:s7], [sflag:s8] =	dma.local @!p0 [hbm:s6], $0xF7A  }
0x23: {  	s9 =	sor.u32 $0xD0000000, s2;
	s6 =	simm.s32 $0x108;
	_ =	swait.ge @!p0 [sflag:s8], $0x0  }
0x24: {  	s3 =	sadd.s32 $0x88, s3;
	s6 =	simm.s32 @!p1 $0x1082;
	[sflag:s4] =	ssyncset.s32 $0xFFFFF086  }
0x25: {  	[simem:s6], [sflag:s4] =	dma.local [hbm:s3], $0xF7A  }
0x26: {  	[smem:$0x3F99] =	sst s1;
	(tag) =	ssettag s2;
	_ =	strace s9  }
0x27: {  	s1 =	sld [smem:$0x3FA9]  }
0x28: {  	s2 =	sld [smem:$0x3FAA]  }
0x29: {  	s4 =	sld [smem:$0x3FAC]  }
0x2a: {  	p0 =	seq.s32 s5, $0x0;
	s5 =	sld [smem:$0x3FAD]  }
0x2b: {  	s6 =	sld [smem:$0x3FAE]  }
0x2c: {  	s7 =	sld [smem:$0x3FAF]  }
0x2d: {  	s3 =	simm.s32 $0x108;
	s8 =	sld [smem:$0x3FB0]  }
0x2e: {  	s3 =	simm.s32 @!p0 $0x1082;
	s9 =	sld [smem:$0x3FB1]  }
0x2f: {  	lr =	sadd.s32 s0, s3;
	s0 =	sld [smem:$0x3FA8]  }
0x30: {  	s3 =	sld [smem:$0x3FAB]  }
0x31: {  	[smem:$0x3FB4] =	sst s10  }
0x32: {  	s10 =	sld [smem:$0x3FB2];
	_ =	sdelay $0x3  }
0x33: {  	p0 =	seq.s32 s10, $0x1;
	s10 =	sld [smem:$0x3FB4];
	_ =	sdelay $0x3  }
0x34: {  	[smem:$0x3FB4] =	sst s10  }
0x35: {  	s10 =	sld [smem:$0x3FB3];
	_ =	sdelay $0x3  }
0x36: {  	p1 =	seq.s32 s10, $0x1;
	s10 =	sld [smem:$0x3FB4];
	_ =	sdelay $0x3  }
0x37: {  	[smem:$0x3FB4] =	sst s10  }
0x38: {  	s10 =	sld [smem:$0x3FB5]  }
0x39: {  	_ = 	snop;
	(pc) =	sbr.ind lr, $3  }
0x3a: {  	_ = 	snop  }
0x3b: {  	_ = 	snop  }
0x3c: {  	p2 =	seq.s32 s10, $0x1;
	s10 =	sld [smem:$0x3FB4]  }
0x3d: {  	_ =	shalt  }
0x3e: {  	_ =	shalt  }
0x3f: {  	_ =	shalt  }
0x40: {  	_ =	shalt  }
0x41: {  	_ =	shalt  }
0x42: {  	_ =	shalt  }
0x43: {  	_ =	shalt  }
0x44: {  	_ =	shalt  }
0x45: {  	_ =	shalt  }
0x46: {  	_ =	shalt  }
0x47: {  	_ =	shalt  }
0x48: {  	_ =	shalt  }
0x49: {  	_ =	shalt  }
0x4a: {  	_ =	shalt  }
0x4b: {  	_ =	shalt  }
0x4c: {  	_ =	shalt  }
0x4d: {  	_ =	shalt  }
0x4e: {  	_ =	shalt  }
0x4f: {  	_ =	shalt  }
0x50: {  	_ =	shalt  }
0x51: {  	_ =	shalt  }
0x52: {  	_ =	shalt  }
0x53: {  	_ =	shalt  }
0x54: {  	_ =	shalt  }
0x55: {  	_ =	shalt  }
0x56: {  	_ =	shalt  }
0x57: {  	_ =	shalt  }
0x58: {  	_ =	shalt  }
0x59: {  	_ =	shalt  }
0x5a: {  	_ =	shalt  }
0x5b: {  	_ =	shalt  }
0x5c: {  	_ =	shalt  }
0x5d: {  	_ =	shalt  }
0x5e: {  	_ =	shalt  }
0x5f: {  	_ =	shalt  }
0x60: {  	_ =	shalt  }
0x61: {  	_ =	shalt  }
0x62: {  	_ =	shalt  }
0x63: {  	_ =	shalt  }
0x64: {  	_ =	shalt  }
0x65: {  	_ =	shalt  }
0x66: {  	_ =	shalt  }
0x67: {  	_ =	shalt  }
0x68: {  	_ =	shalt  }
0x69: {  	_ =	shalt  }
0x6a: {  	_ =	shalt  }
0x6b: {  	_ =	shalt  }
0x6c: {  	_ =	shalt  }
0x6d: {  	_ =	shalt  }
0x6e: {  	_ =	shalt  }
0x6f: {  	_ =	shalt  }
0x70: {  	_ =	shalt  }
0x71: {  	_ =	shalt  }
0x72: {  	_ =	shalt  }
0x73: {  	_ =	shalt  }
0x74: {  	_ =	shalt  }
0x75: {  	_ =	shalt  }
0x76: {  	_ =	shalt  }
0x77: {  	_ =	shalt  }
0x78: {  	_ =	shalt  }
0x79: {  	_ =	shalt  }
0x7a: {  	_ =	shalt  }
0x7b: {  	_ =	shalt  }
0x7c: {  	_ =	shalt  }
0x7d: {  	_ =	shalt  }
0x7e: {  	_ =	shalt  }
0x7f: {  	_ =	shalt  }
0x80: {  	_ =	shalt  }
0x81: {  	_ =	shalt  }
0x82: {  	_ =	shalt  }
0x83: {  	_ =	shalt  }
0x84: {  	_ =	shalt  }
0x85: {  	_ =	shalt  }
0x86: {  	_ =	shalt  }
0x87: {  	_ =	shalt  }
.Lfunc_end0:
.L_simem_size_0:
called_computation_lowered:
.L_overlay_start_0:
0x88: {  	s2 =	sld [smem:$0x3FD9]  }
0x89: {  	s3 =	sld [smem:$0x3FFE];
	_ =	sdelay $0x1  }
0x8a: {  	s1 =	srdreg.scid  }
0x8b: {  	s0 =	sand.u32 $0x1, s1  }
0x8c: {  	s14 =	sshll.u32 s0, $0xA;
	s2 =	sadd.s32 s3, s2  }
0x8d: {  	s2 =	sadd.s32 s2, s14  }
0x8e: {  	[smem:$0x3FC0] =	sst s2  }
0x8f: {  	_ = 	snop  }
0x90: {  	s2 =	sld [smem:$0x3FD0];
	_ =	sdelay $0x2  }
0x91: {  	s15 =	simm.s32 $0xA;
	s4 =	simm.s32 $0x10  }
0x92: {  	[smem:s4], [sflag:s15] =	dma.local [hbm:s2], $0x1  }
0x93: {  	_ =	swait.eq [sflag:s15], $0x1  }
0x94: {  	[sflag:s15] =	ssyncset.done $0x0  }
0x95: {  	[sflag:s15] =	ssyncadd.s32 $0xFFFFFFFF  }
0x96: {  	s16 =	sld [smem:$0x11];
	(tm) =	ssettm $0x1  }
0x97: {  	s17 =	sld [smem:$0x3FFB];
	_ =	sdelay $0x3  }
0x98: {  	_ =	strace s17  }
0x99: {  	s3 =	sld [smem:$0x3FFC];
	_ =	sdelay $0x3  }
0x9a: {  	_ =	strace s3  }
0x9b: {  	s3 =	sld [smem:$0x3FFD];
	_ =	sdelay $0x3  }
0x9c: {  	_ =	strace s3  }
0x9d: {  	_ =	strace $0x8FFFFFFF  }
0x9e: {  	s18 =	sld [smem:$0x3FDB];
	_ =	sdelay $0x1  }
0x9f: {  	s19 =	simm.s32 $_scs_section_size  }
0xa0: {  	s5 =	simm.s32 $_size__tile_overlayer_lowered;
	s6 =	simm.s32 $_tile_overlayer_lowered  }
0xa1: {  	s22 =	simm.s32 $0x1BFF;
	s21 =	sshll.u32 s6, $0x1;
	s3 =	sadd.s32 s19, s18  }
0xa2: {  	s7 =	simm.s32 $0x0;
	s20 =	sshll.u32 s5, $0x1;
	s5 =	sadd.s32 s21, s3  }
0xa3: {  	[timem:s7], [sflag:s22] =	dma.local [hbm:s5], s20  }
0xa4: {  	_ =	swait.ge [sflag:s22], s20  }
0xa5: {  	s4 =	ssub.s32 $0x0, s20;
	[sflag:s22] =	ssyncset.done $0x0  }
0xa6: {  	[sflag:s22] =	ssyncadd.s32 s4;
	_ =	sdelay $0x1  }
0xa7: {  	s23 =	simm.s32 $0x1B8B  }
0xa8: {  	_ =	swait.ge [sflag:s23], $0x1  }
0xa9: {  	[sflag:s23] =	ssyncset.done $0x0  }
0xaa: {  	s25 =	simm.s32 $0x1B8E;
	s24 =	sld [smem:$0x3FFE];
	[sflag:s23] =	ssyncadd.s32 $0xFFFFFFFF  }
0xab: {  	s26 =	simm.s32 $execute0_lowered;
	[smem:$0x3FD2] =	sst s25  }
0xac: {  	s5 =	sshll.u32 s26, $0x1;
	_ =	strace $0x80000046;
	[dreg:$0x1] =	wrdreg $0xFFFFFFFF  }
0xad: {  	s28 =	simm.s32 $_size_execute0_lowered;
	s3 =	sadd.s32 s3, s5;
	[dreg:$0x0] =	wrdreg $0x0  }
0xae: {  	s5 =	sshll.u32 s28, $0x1;
	[dreg:$0x2] =	wrdreg s3  }
0xaf: {  	[dreg:$0x3] =	wrdreg s5  }
0xb0: {  	[dreg:$0x4] =	wrdreg $0xC0  }
0xb1: {  	_ =	task [dreg:s7], $0x5FFFF  }
0xb2: {  	[dreg:$0x1] =	wrdreg $0xFFFFFFFF  }
0xb3: {  	[dreg:$0x0] =	wrdreg $0x60  }
0xb4: {  	[dreg:$0x2] =	wrdreg s16  }
0xb5: {  	[dreg:$0x3] =	wrdreg s24  }
0xb6: {  	[dreg:$0x4] =	wrdreg $0x68000  }
0xb7: {  	[dreg:$0x5] =	wrdreg $0x9  }
0xb8: {  	_ =	task.clear_ibuf [dreg:s7], $0x6FFFF;
	_ =	strace $0x90000046  }
0xb9: {  	s29 =	simm.s32 $0x9;
	_ =	strace $0x80000048  }
0xba: {  	_ =	swait.ge [sflag:s29], $0x1  }
0xbb: {  	[sflag:s29] =	ssyncadd.s32 $0xFFFFFFFF  }
0xbc: {  	_ =	strace $0x90000048  }
0xbd: {  	_ =	sfence  }
0xbe: {  	s30 =	sld [smem:$0x0];
	_ =	sdelay $0x2  }
0xbf: {  	s31 =	sshll.u32 s1, $0xD;
	s1 =	sshrl.u32 s1, $0x2  }
0xc0: {  	s3 =	sand.u32 $0x4000, s31;
	s1 =	sadd.s32 s1, s30  }
0xc1: {  	s0 =	sor.u32 s3, s0;
	s1 =	sshll.u32 s1, $0x11  }
0xc2: {  	s0 =	sor.u32 s1, s0  }
0xc3: {  	s0 =	sadd.s32 $0x8F2B, s0  }
0xc4: {  	[sflag:s0] =	ssyncadd.remote.s32 $0x1  }
0xc5: {  	_ =	sfence.sel $0xFFFF  }
0xc6: {  	[dreg:$0x0] =	wrdreg $0xFFFFFFFF;
	(pc) =	sbr.abs _section_cstart, $3  }
0xc7: {  	[dreg:$0x1] =	wrdreg $0xFFFFFFFF  }
0xc8: {  	_ =	task.clear_ibuf [dreg:s7], $0x2FFFF;
	_ =	strace $0x9FFFFFFF  }
0xc9: {  	(tm) =	ssettm $0x7FFFFFFF  }
tec
execute0_lowered:
.L_overlay_start_1:
0x0: {  	(tag) =	ssettag $0x1  }
0x1: {  	s0 =	srdreg.scid;
	s4 =	rddreg [dreg:$0x0]  }
0x2: {  	s5 =	rddreg [dreg:$0x1];
	s6 =	sand.u32 $0x1, s0;
	s0 =	stileid.u32  }
0x3: {  	s2 =	rddreg [dreg:$0x2];
	s9 =	smul.u32 $0x280, s0  }
0x4: {  	s14 =	sadd.s32 $0x2200, s5;
	s1 =	sshll.u32 s6, $0x4;
	s11 =	smul.u32 $0x50000, s0  }
0x5: {  	s8 =	ssub.s32 $0x2, s6;
	s16 =	smul.u32 $0x2800, s6;
	s3 =	sor.u32 s0, s1  }
0x6: {  	s1 =	rddreg [dreg:$0x3];
	s10 =	sshrl.u32 s8, $0x1;
	s7 =	smul.u32 $0x500, s3  }
0x7: {  	s3 =	simm.s32 $0x0;
	s15 =	ssub.s32 s8, s10;
	s24 =	sshrl.u32 s11, $0x2  }
0x8: {  	s25 =	sadd.s32 $0x80, s9;
	s12 =	sadd.s32 $0x100, s9;
	s13 =	sadd.s32 $0x180, s9  }
0x9: {  	s17 =	sadd.s32 $0x200, s9;
	s9 =	sadd.s32 s9, s16;
	[smem:$0x7FF] =	sst s3  }
0xa: {  	s5 =	sadd.s32 s24, s2;
	s26 =	sshll.u32 s25, $0x7;
	s28 =	sshll.u32 s12, $0x7  }
0xb: {  	s29 =	sshll.u32 s13, $0x7;
	s30 =	sshll.u32 s17, $0x7;
	s18 =	sshll.u32 s9, $0x4  }
0xc: {  	s19 =	sadd.s32 s16, s25;
	s12 =	sadd.s32 s16, s12;
	s13 =	sadd.s32 s16, s13  }
0xd: {  	s16 =	sadd.s32 s16, s17;
	s15 =	smax.u32 s15, $0x1;
	s17 =	simm.s32 $0x2800  }
0xe: {  	_ =	strace $0x80000047;
	s4 =	sadd.s32 s4, s7;
	s6 =	sadd.s32 s26, s2  }
0xf: {  	s7 =	sadd.s32 s28, s2;
	s8 =	sadd.s32 s29, s2;
	s9 =	sadd.s32 s30, s2  }
0x10: {  	s10 =	sadd.s32 s14, s18;
	s31 =	sshll.u32 s19, $0x4;
	s12 =	sshll.u32 s12, $0x4  }
0x11: {  	s13 =	sshll.u32 s13, $0x4;
	s16 =	sshll.u32 s16, $0x4;
	s18 =	simm.s32 $0x80  }
0x12: {  	s19 =	simm.s32 $0x0;
	s11 =	sadd.s32 s14, s31;
	s12 =	sadd.s32 s14, s12  }
0x13: {  	v0 =	vimm.f32 $0.0e+00;
	v1 =	vimm.f32 $1.000000000e+00;
	s13 =	sadd.s32 s14, s13;
	s14 =	sadd.s32 s14, s16;
	s16 =	simm.s32 $0x1  }
.LBB2_1:
0x14: {  	[tilespmem:s3], [sflag:$0x1] =	stream.linear.gather [hbm4b:s4+s3], $0x2800, $0x38;
	[tilespmem:$0x1A800] =	vst v63  }
0x15: {  	_ =	swait.ge [sflag:s16], $0x2800  }
0x16: {  	[sflag:s16] =	ssyncset.done $0x0  }
0x17: {  	s20 =	simm.s32 $0x0;
	s21 =	simm.s32 $0x200;
	[sflag:s16] =	ssyncadd.s32 $0xFFFFD800  }
.LBB2_2:
0x18: {  	p0 =	sne.s32 s21, $0xFE00;
	[tilespmem:s20+$0x2870] =	vst v0  }
0x19: {  	[tilespmem:s20+$0x2800] =	vst v0  }
0x1a: {  	[tilespmem:s20+$0x2810] =	vst v0  }
.Ltmp0:
0x1b: {  	[tilespmem:s20+$0x2820] =	vst v0;
	(pc) =	sbr.rel @p0 .LBB2_2-.Ltmp0, $4  }
0x1c: {  	[tilespmem:s20+$0x2830] =	vst v0  }
0x1d: {  	[tilespmem:s20+$0x2840] =	vst v0  }
0x1e: {  	[tilespmem:s20+$0x2850] =	vst v0  }
0x1f: {  	[tilespmem:s20+$0x2860] =	vst v0;
	s20 =	sshra.s32 s21, $0x2;
	s21 =	sadd.s32 $0x200, s21  }
0x20: {  	[tilespmem:s20+$0x2870] =	vst v0  }
0x21: {  	[tilespmem:s20+$0x2800] =	vst v0  }
0x22: {  	[tilespmem:s20+$0x2810] =	vst v0  }
0x23: {  	[tilespmem:s20+$0x2820] =	vst v0  }
0x24: {  	[tilespmem:s20+$0x2830] =	vst v0  }
0x25: {  	[tilespmem:s20+$0x2840] =	vst v0  }
0x26: {  	[tilespmem:s20+$0x2850] =	vst v0  }
0x27: {  	[tilespmem:s20+$0x2860] =	vst v0  }
0x28: {  	[spmem:s5] =	stream.linear.scatter [tilespmem:s17], [sflag:$0x1], $0x4000, $0x38;
	[tilespmem:$0x1A800] =	vst v63  }
0x29: {  	_ =	swait.ge [sflag:s16], $0x4000  }
0x2a: {  	[sflag:s16] =	ssyncset.done $0x0  }
0x2b: {  	[sflag:s16] =	ssyncadd.s32 $0xFFFFC000  }
0x2c: {  	[spmem:s6] =	stream.linear.scatter [tilespmem:s17], [sflag:$0x1], $0x4000, $0x38;
	[tilespmem:$0x1A800] =	vst v63  }
0x2d: {  	_ =	swait.ge [sflag:s16], $0x4000  }
0x2e: {  	[sflag:s16] =	ssyncset.done $0x0  }
0x2f: {  	[sflag:s16] =	ssyncadd.s32 $0xFFFFC000  }
0x30: {  	[spmem:s7] =	stream.linear.scatter [tilespmem:s17], [sflag:$0x1], $0x4000, $0x38;
	[tilespmem:$0x1A800] =	vst v63  }
0x31: {  	_ =	swait.ge [sflag:s16], $0x4000  }
0x32: {  	[sflag:s16] =	ssyncset.done $0x0  }
0x33: {  	[sflag:s16] =	ssyncadd.s32 $0xFFFFC000  }
0x34: {  	[spmem:s8] =	stream.linear.scatter [tilespmem:s17], [sflag:$0x1], $0x4000, $0x38;
	[tilespmem:$0x1A800] =	vst v63  }
0x35: {  	_ =	swait.ge [sflag:s16], $0x4000  }
0x36: {  	[sflag:s16] =	ssyncset.done $0x0  }
0x37: {  	[sflag:s16] =	ssyncadd.s32 $0xFFFFC000  }
0x38: {  	[spmem:s9] =	stream.linear.scatter [tilespmem:s17], [sflag:$0x1], $0x4000, $0x38;
	[tilespmem:$0x1A800] =	vst v63  }
0x39: {  	_ =	swait.ge [sflag:s16], $0x4000  }
0x3a: {  	[sflag:s16] =	ssyncset.done $0x0  }
0x3b: {  	s20 =	simm.s32 $0x0;
	s21 =	simm.s32 $0x200;
	[sflag:s16] =	ssyncadd.s32 $0xFFFFC000  }
.LBB2_4:
0x3c: {  	p0 =	sne.s32 s21, $0xFE00;
	[tilespmem:s20+$0x2870] =	vst v1  }
0x3d: {  	[tilespmem:s20+$0x2800] =	vst v1  }
0x3e: {  	[tilespmem:s20+$0x2810] =	vst v1  }
.Ltmp1:
0x3f: {  	[tilespmem:s20+$0x2820] =	vst v1;
	(pc) =	sbr.rel @p0 .LBB2_4-.Ltmp1, $4  }
0x40: {  	[tilespmem:s20+$0x2830] =	vst v1  }
0x41: {  	[tilespmem:s20+$0x2840] =	vst v1  }
0x42: {  	[tilespmem:s20+$0x2850] =	vst v1  }
0x43: {  	[tilespmem:s20+$0x2860] =	vst v1;
	s20 =	sshra.s32 s21, $0x2;
	s21 =	sadd.s32 $0x200, s21  }
0x44: {  	[tilespmem:s20+$0x2870] =	vst v1  }
0x45: {  	[tilespmem:s20+$0x2800] =	vst v1  }
0x46: {  	[tilespmem:s20+$0x2810] =	vst v1  }
0x47: {  	[tilespmem:s20+$0x2820] =	vst v1  }
0x48: {  	[tilespmem:s20+$0x2830] =	vst v1  }
0x49: {  	[tilespmem:s20+$0x2840] =	vst v1  }
0x4a: {  	[tilespmem:s20+$0x2850] =	vst v1  }
0x4b: {  	[tilespmem:s20+$0x2860] =	vst v1  }
0x4c: {  	s31 =	simm.s32 $0x0;
	[bflag:$0x0] =	sbarrier.arrive $0xFFFF  }
0x4d: {  	[spmem:s2] =	stream.indirect.scatter.add.f32 [tilespmem:s17], [sflag:$0x1], $0x80, s31, s18, $0xb8;
	[tilespmem:$0x1A800] =	vst v63  }
0x4e: {  	_ =	swait.ge [sflag:s16], $0x4000  }
0x4f: {  	s20 =	simm.s32 $0x200;
	[sflag:s16] =	ssyncset.done $0x0  }
.LBB2_6:
0x50: {  	s21 =	sshra.s32 s20, $0x2;
	[sflag:s16] =	ssyncadd.s32 $0xFFFFC000;
	p0 =	sne.s32 s20, $0x9E00  }
0x51: {  	[spmem:s2] =	stream.indirect.scatter.add.f32 [tilespmem:s17], [sflag:$0x1], $0x80, s21, s18, $0xb8;
	[tilespmem:$0x1A800] =	vst v63  }
.Ltmp2:
0x52: {  	_ = 	snop;
	(pc) =	sbr.rel @p0 .LBB2_6-.Ltmp2, $4  }
0x53: {  	_ = 	snop  }
0x54: {  	s20 =	sadd.s32 $0x200, s20  }
0x55: {  	_ =	swait.ge [sflag:s16], $0x4000  }
0x56: {  	[sflag:s16] =	ssyncset.done $0x0  }
0x57: {  	[sflag:s16] =	ssyncadd.s32 $0xFFFFC000;
	s20 =	sshll.u32 s0, $0x6  }
0x58: {  	s21 =	sshrl.u32 s5, $0x3;
	[bflag:$0x0] =	sbarrier.arrive $0xFFFF;
	s20 =	sor.u32 $0x1C01, s20  }
0x59: {  	[hbm:s10], [sflag:s20] =	dma.local [spmem:s21], $0x800  }
0x5a: {  	_ =	swait.ge [sflag:s16], $0x800  }
0x5b: {  	[sflag:s16] =	ssyncset.done $0x0  }
0x5c: {  	s28 =	sshrl.u32 s6, $0x3;
	[sflag:s16] =	ssyncadd.s32 $0xFFFFF800  }
0x5d: {  	[hbm:s11], [sflag:s20] =	dma.local [spmem:s28], $0x800  }
0x5e: {  	_ =	swait.ge [sflag:s16], $0x800  }
0x5f: {  	[sflag:s16] =	ssyncset.done $0x0  }
0x60: {  	s29 =	sshrl.u32 s7, $0x3;
	[sflag:s16] =	ssyncadd.s32 $0xFFFFF800  }
0x61: {  	[hbm:s12], [sflag:s20] =	dma.local [spmem:s29], $0x800  }
0x62: {  	_ =	swait.ge [sflag:s16], $0x800  }
0x63: {  	[sflag:s16] =	ssyncset.done $0x0  }
0x64: {  	s30 =	sshrl.u32 s8, $0x3;
	[sflag:s16] =	ssyncadd.s32 $0xFFFFF800  }
0x65: {  	[hbm:s13], [sflag:s20] =	dma.local [spmem:s30], $0x800  }
0x66: {  	s19 =	sadd.s32 $0x1, s19;
	_ =	swait.ge [sflag:s16], $0x800  }
0x67: {  	p0 =	sne.s32 s19, s15;
	[sflag:s16] =	ssyncset.done $0x0  }
.Ltmp3:
0x68: {  	s31 =	sshrl.u32 s9, $0x3;
	[sflag:s16] =	ssyncadd.s32 $0xFFFFF800;
	(pc) =	sbr.rel @p0 .LBB2_1-.Ltmp3, $4  }
0x69: {  	[hbm:s14], [sflag:s20] =	dma.local [spmem:s31], $0x800  }
0x6a: {  	_ =	swait.ge [sflag:s16], $0x800  }
0x6b: {  	[sflag:s16] =	ssyncset.done $0x0  }
0x6c: {  	[sflag:s16] =	ssyncadd.s32 $0xFFFFF800  }
0x6d: {  	_ =	sfence.sel $0x180000  }
0x6e: {  	[bflag:$0x0] =	sbarrier.arrive $0xFFFF  }
0x6f: {  	p0 =	sne.s32 s0, $0x0;
	_ =	strace $0x90000047  }
0x70: {  	s0 =	sadd.s32 @!p0 $0x100000, s1;
	[bflag:$0x2] =	sbarrier.arrive $0xFFFF  }
0x71: {  	[sflag:s0] =	ssyncadd.tile.s32 @!p0 $0x1;
	_ =	shalt  }
.Lfunc_end2:
_tile_overlayer_lowered:
.L_overlay_start_2:
0x72: {  	(tag) =	ssettag $0x2  }
0x73: {  	s0 =	rddreg [dreg:$0x0];
	s2 =	stileid.u32  }
0x74: {  	s1 =	rddreg [dreg:$0x1];
	p0 =	sne.s32 s2, $0x0  }
0x75: {  	s3 =	rddreg [dreg:$0x2];
	[bflag:$0x3] =	sbarrier.arrive $0xFFFF;
	s2 =	simm.s32 @!p0 $0x1C01  }
0x76: {  	[timem:s3], [sflag:s2] =	dma.local @!p0 [hbm:s0], s1  }
0x77: {  	s0 =	simm.s32 @!p0 $0x1  }
0x78: {  	_ =	swait.ge @!p0 [sflag:s0], s1  }
0x79: {  	s1 =	ssub.s32 @!p0 $0x0, s1;
	[sflag:s0] =	ssyncset.done @!p0 $0x0  }
0x7a: {  	[sflag:s0] =	ssyncadd.s32 @!p0 s1  }
0x7b: {  	[bflag:$0x3] =	sbarrier.arrive $0xFFFF  }
0x7c: {  	_ =	shalt  }

</sc_bundles>
